<compile_context>
chip_gen: v7x
topology: tpu7x:2x2x1
jax: 0.10.2.dev20260603
libtpu: 0.0.44.dev20260713+nightly
codegen_flags: <defaults>
</compile_context>

<pallas_src>
import functools

import jax
import jax.numpy as jnp
from jax import lax
from jax.experimental import pallas as pl
from jax.experimental.pallas import tpu as pltpu
from jax.experimental.pallas import tpu_sc as plsc

N = 10000
E = 160000
D = 256
H = 1024
O = 256
BN_EPS = 1e-5

DH = D // 2
NS = 16
CH = 80
EPAD = 163840
EPW = EPAD // NS
NCH = EPW // CH
NPAD = 10240
RPW = NPAD // NS
RPT = N - (NS - 1) * RPW
NI = 4

PB = 2000
NBLK = N // PB



def _aggregate(x, edge_index):
    x0 = x[:, :DH]
    x1 = x[:, DH:]
    pad = EPAD - E
    src = jnp.concatenate([edge_index[0], jnp.zeros((pad,), jnp.int32)])
    dst = jnp.concatenate([edge_index[1], jnp.full((pad,), N, jnp.int32)])
    mesh = plsc.VectorSubcoreMesh(core_axis_name="c", subcore_axis_name="s")

    @functools.partial(
        pl.kernel,
        out_type=(
            jax.ShapeDtypeStruct((N, DH), jnp.float32),
            jax.ShapeDtypeStruct((N, DH), jnp.float32),
        ),
        mesh=mesh,
        scratch_types=[
            pltpu.VMEM((NI, CH), jnp.int32),
            pltpu.VMEM((NI, CH), jnp.int32),
            pltpu.VMEM((NI, CH, DH), jnp.float32),
            pltpu.VMEM_SHARED((NPAD, DH), jnp.float32),
        ] + [pltpu.SemaphoreType.DMA] * (4 * NI),
    )
    def agg_kernel(x0_hbm, x1_hbm, src_hbm, dst_hbm, out0_hbm, out1_hbm,
                   sidx, didx, rows, acc, *sems):
        sem_is = sems[:NI]
        sem_id = sems[NI:2 * NI]
        sem_g = sems[2 * NI:3 * NI]
        sem_sc = sems[3 * NI:]
        cid = lax.axis_index("c")
        sid = lax.axis_index("s")

        def run(x_hbm, out_hbm):
            nbase = sid * RPW
            ebase = sid * EPW
            @pl.when(sid < NS - 1)
            def _():
                pltpu.sync_copy(x_hbm.at[pl.ds(nbase, RPW)],
                                acc.at[pl.ds(nbase, RPW)])

            @pl.when(sid == NS - 1)
            def _():
                pltpu.sync_copy(x_hbm.at[pl.ds(nbase, RPT)],
                                acc.at[pl.ds(nbase, RPT)])

            plsc.subcore_barrier()

            def idx_cp(s, c):
                eb = ebase + c * CH
                return (
                    pltpu.make_async_copy(src_hbm.at[pl.ds(eb, CH)],
                                          sidx.at[s], sem_is[s]),
                    pltpu.make_async_copy(dst_hbm.at[pl.ds(eb, CH)],
                                          didx.at[s], sem_id[s]),
                )

            def gather(s, c):
                return pltpu.make_async_copy(
                    x_hbm.at[sidx.at[s]], rows.at[s], sem_g[s])

            def scat_wait(s):
                pltpu.make_async_copy(rows.at[s], acc.at[didx.at[0]],
                                      sem_sc[s]).wait()

            for s in range(NI - 1):
                a, b = idx_cp(s, s)
                a.start()
                b.start()
            for s in range(NI - 2):
                a, b = idx_cp(s, s)
                a.wait()
                b.wait()
                gather(s, s).start()

            @pl.loop(0, NCH // NI)
            def _(g):
                c0 = g * NI
                for u in range(NI):
                    c = c0 + u
                    gather(u, c).wait()
                    pltpu.async_copy(rows.at[u], acc.at[didx.at[u]],
                                     sem_sc[u], add=True)

                    @pl.when(c >= 1)
                    def _():
                        scat_wait((u + NI - 1) % NI)

                    nidx = c + NI - 1

                    @pl.when(nidx < NCH)
                    def _():
                        a, b = idx_cp((u + NI - 1) % NI, nidx)
                        a.start()
                        b.start()

                    @pl.when(c + NI - 2 < NCH)
                    def _():
                        a, b = idx_cp((u + NI - 2) % NI, c + NI - 2)
                        a.wait()
                        b.wait()
                        gather((u + NI - 2) % NI, c + NI - 2).start()

            scat_wait((NCH - 1) % NI)
            plsc.subcore_barrier()

            @pl.when(sid < NS - 1)
            def _():
                pltpu.sync_copy(acc.at[pl.ds(nbase, RPW)],
                                out_hbm.at[pl.ds(nbase, RPW)])

            @pl.when(sid == NS - 1)
            def _():
                pltpu.sync_copy(acc.at[pl.ds(nbase, RPT)],
                                out_hbm.at[pl.ds(nbase, RPT)])

        @pl.when(cid == 0)
        def _():
            run(x0_hbm, out0_hbm)

        @pl.when(cid == 1)
        def _():
            run(x1_hbm, out1_hbm)

    return agg_kernel(x0, x1, src, dst)



def _stats_body(h0_ref, h1_ref, c_out, s_out, c_acc, s_acc):
    i = pl.program_id(0)
    h = jnp.concatenate([h0_ref[...], h1_ref[...]], axis=1)

    @pl.when(i == 0)
    def _():
        c_acc[...] = jnp.zeros_like(c_acc)
        s_acc[...] = jnp.zeros_like(s_acc)

    hb = h.astype(jnp.bfloat16)
    c_acc[...] += lax.dot_general(hb, hb, (((0,), (0,)), ((), ())),
                                  preferred_element_type=jnp.float32)
    s_acc[...] += jnp.sum(h, axis=0, keepdims=True)

    @pl.when(i == NBLK - 1)
    def _():
        c_out[...] = c_acc[...]
        s_out[...] = s_acc[...]


def _mlp_body(h0_ref, h1_ref, w1_ref, b1_ref, g1_ref, be1_ref,
              w2_ref, b2_ref, c_ref, s_ref,
              y2_ref, s2_ref, q2_ref, st_ref, acc2_ref):
    i = pl.program_id(0)

    @pl.when(i == 0)
    def _():
        sm = (s_ref[...] * (1.0 / N)).astype(jnp.bfloat16)
        m0 = jnp.dot(sm, w1_ref[...], preferred_element_type=jnp.float32)
        cw = jnp.dot(c_ref[...].astype(jnp.bfloat16), w1_ref[...],
                     preferred_element_type=jnp.float32)
        ey2 = jnp.sum(w1_ref[...].astype(jnp.float32) * cw,
                      axis=0, keepdims=True) * (1.0 / N)
        var = jnp.maximum(ey2 - m0 * m0, 0.0)
        st_ref[0:1, :] = m0 + b1_ref[...]
        st_ref[1:2, :] = g1_ref[...] * lax.rsqrt(var + BN_EPS)
        acc2_ref[...] = jnp.zeros_like(acc2_ref)

    h = jnp.concatenate([h0_ref[...], h1_ref[...]], axis=1)
    y1 = jnp.dot(h.astype(jnp.bfloat16), w1_ref[...],
                 preferred_element_type=jnp.float32)
    y1 = y1 + b1_ref[...]
    z1 = jnp.maximum((y1 - st_ref[0:1, :]) * st_ref[1:2, :] + be1_ref[...],
                     0.0)
    y2 = jnp.dot(z1.astype(jnp.bfloat16), w2_ref[...],
                 preferred_element_type=jnp.float32)
    y2 = y2 + b2_ref[...]
    y2_ref[...] = y2
    acc2_ref[0:1, :] += jnp.sum(y2, axis=0, keepdims=True)
    acc2_ref[1:2, :] += jnp.sum(y2 * y2, axis=0, keepdims=True)

    @pl.when(i == NBLK - 1)
    def _():
        s2_ref[...] = acc2_ref[0:1, :]
        q2_ref[...] = acc2_ref[1:2, :]


def _finalize_body(y2_ref, s2_ref, q2_ref, g2_ref, be2_ref, out_ref):
    m2 = s2_ref[...] * (1.0 / N)
    var2 = jnp.maximum(q2_ref[...] * (1.0 / N) - m2 * m2, 0.0)
    rstd2 = g2_ref[...] * lax.rsqrt(var2 + BN_EPS)
    out_ref[...] = jnp.maximum((y2_ref[...] - m2) * rstd2 + be2_ref[...], 0.0)


def _mlp_apply(h0, h1, W1, b1, gamma1, beta1, W2, b2, gamma2, beta2):
    W1b = W1.astype(jnp.bfloat16)
    W2b = W2.astype(jnp.bfloat16)
    b1r = b1.reshape(1, H)
    g1r = gamma1.reshape(1, H)
    be1r = beta1.reshape(1, H)
    b2r = b2.reshape(1, O)
    g2r = gamma2.reshape(1, O)
    be2r = beta2.reshape(1, O)

    blk = lambda r, c: pl.BlockSpec((r, c), lambda i: (i, 0))
    full = lambda r, c: pl.BlockSpec((r, c), lambda i: (0, 0))

    C, s = pl.pallas_call(
        _stats_body,
        grid=(NBLK,),
        in_specs=[blk(PB, DH), blk(PB, DH)],
        out_specs=[full(D, D), full(1, D)],
        out_shape=[
            jax.ShapeDtypeStruct((D, D), jnp.float32),
            jax.ShapeDtypeStruct((1, D), jnp.float32),
        ],
        scratch_shapes=[
            pltpu.VMEM((D, D), jnp.float32),
            pltpu.VMEM((1, D), jnp.float32),
        ],
    )(h0, h1)

    y2, s2, q2 = pl.pallas_call(
        _mlp_body,
        grid=(NBLK,),
        in_specs=[blk(PB, DH), blk(PB, DH), full(D, H), full(1, H),
                  full(1, H), full(1, H), full(H, O), full(1, O),
                  full(D, D), full(1, D)],
        out_specs=[blk(PB, O), full(1, O), full(1, O)],
        out_shape=[
            jax.ShapeDtypeStruct((N, O), jnp.float32),
            jax.ShapeDtypeStruct((1, O), jnp.float32),
            jax.ShapeDtypeStruct((1, O), jnp.float32),
        ],
        scratch_shapes=[
            pltpu.VMEM((2, H), jnp.float32),
            pltpu.VMEM((2, O), jnp.float32),
        ],
    )(h0, h1, W1b, b1r, g1r, be1r, W2b, b2r, C, s)

    out = pl.pallas_call(
        _finalize_body,
        grid=(NBLK,),
        in_specs=[blk(PB, O), full(1, O), full(1, O), full(1, O),
                  full(1, O)],
        out_specs=blk(PB, O),
        out_shape=jax.ShapeDtypeStruct((N, O), jnp.float32),
    )(y2, s2, q2, g2r, be2r)
    return out


def kernel(x, edge_index, W1, b1, gamma1, beta1, W2, b2, gamma2, beta2):
    h0, h1 = _aggregate(x, edge_index)
    return _mlp_apply(h0, h1, W1, b1, gamma1, beta1, W2, b2,
                      gamma2, beta2)

# --- scband reference (transcript-rebuilt; emitter-appended) ---
"""Pipeline reference for scband-ginlayer-40175124087314 (READ-ONLY COPY).

The authoritative reference and input builder live on the scoring server;
editing this copy changes nothing except your own understanding.
"""

import jax, jax.numpy as jnp
import numpy as np

N = 10000
E = 160000
D = 256
H = 1024
O = 256
BN_EPS = 1e-5


def _batchnorm(x, gamma, beta):
    mean = jnp.mean(x, axis=0, keepdims=True)
    var = jnp.var(x, axis=0, keepdims=True)
    return gamma * (x - mean) / jnp.sqrt(var + BN_EPS) + beta


def setup_inputs(seed: int = 0) -> dict:
    key = jax.random.key(seed)
    ks = jax.random.split(key, 10)
    x = jax.random.normal(ks[0], (N, D), dtype=jnp.float32)
    edge_index = jax.random.randint(ks[1], (2, E), 0, N, dtype=jnp.int32)
    W1 = jax.random.normal(ks[2], (D, H), dtype=jnp.float32) * (1.0 / np.sqrt(D))
    b1 = jnp.zeros((H,), dtype=jnp.float32)
    gamma1 = jnp.ones((H,), dtype=jnp.float32)
    beta1 = jnp.zeros((H,), dtype=jnp.float32)
    W2 = jax.random.normal(ks[3], (H, O), dtype=jnp.float32) * (1.0 / np.sqrt(H))
    b2 = jnp.zeros((O,), dtype=jnp.float32)
    gamma2 = jnp.ones((O,), dtype=jnp.float32)
    beta2 = jnp.zeros((O,), dtype=jnp.float32)
    return {"x": x, "edge_index": edge_index, "W1": W1, "b1": b1, "gamma1": gamma1,
            "beta1": beta1, "W2": W2, "b2": b2, "gamma2": gamma2, "beta2": beta2}


def reference(x, edge_index, W1, b1, gamma1, beta1, W2, b2, gamma2, beta2):
    # GIN message passing: msg = h[src]; agg = sum over incoming edges (sum pooling)
    src = edge_index[0]
    dst = edge_index[1]
    msg = jnp.take(x, src, axis=0)                      # gather: [E, D]
    agg = jax.ops.segment_sum(msg, dst, num_segments=N)  # scatter-add: [N, D]
    # learn_eps is None -> h_out = agg + h_in  (eps term omitted, matching forward)
    h = agg + x
    # 2-layer MLP update with BatchNorm (training-mode batch stats) + ReLU
    h = jnp.maximum(_batchnorm(h @ W1 + b1, gamma1, beta1), 0.0)
    h = jnp.maximum(_batchnorm(h @ W2 + b2, gamma2, beta2), 0.0)
    return h

if __name__ == "__main__":
    import jax
    _d = setup_inputs()
    print(jax.jit(kernel)(*tuple(_d.values())))

</pallas_src>

<mosaic_0001>
#map = affine_map<(d0, d1) -> (0, 0)>
#map1 = affine_map<(d0, d1) -> (0)>
module attributes {stable_mosaic.version = 14 : i64} {
  func.func @agg_kernel(%arg0: i32, %arg1: i32, %arg2: memref<10000x128xf32, #tpu.memory_space<hbm>>, %arg3: memref<10000x128xf32, #tpu.memory_space<hbm>>, %arg4: memref<163840xi32, #tpu.memory_space<hbm>>, %arg5: memref<163840xi32, #tpu.memory_space<hbm>>, %arg6: memref<10000x128xf32, #tpu.memory_space<hbm>>, %arg7: memref<10000x128xf32, #tpu.memory_space<hbm>>, %arg8: memref<4x80xi32, #tpu.memory_space<vmem>>, %arg9: memref<4x80xi32, #tpu.memory_space<vmem>>, %arg10: memref<4x80x128xf32, #tpu.memory_space<vmem>>, %arg11: memref<10240x128xf32, #tpu.memory_space<vmem_shared>>, %arg12: memref<!tpu.dma_semaphore, #tpu.memory_space<semaphore_mem>>, %arg13: memref<!tpu.dma_semaphore, #tpu.memory_space<semaphore_mem>>, %arg14: memref<!tpu.dma_semaphore, #tpu.memory_space<semaphore_mem>>, %arg15: memref<!tpu.dma_semaphore, #tpu.memory_space<semaphore_mem>>, %arg16: memref<!tpu.dma_semaphore, #tpu.memory_space<semaphore_mem>>, %arg17: memref<!tpu.dma_semaphore, #tpu.memory_space<semaphore_mem>>, %arg18: memref<!tpu.dma_semaphore, #tpu.memory_space<semaphore_mem>>, %arg19: memref<!tpu.dma_semaphore, #tpu.memory_space<semaphore_mem>>, %arg20: memref<!tpu.dma_semaphore, #tpu.memory_space<semaphore_mem>>, %arg21: memref<!tpu.dma_semaphore, #tpu.memory_space<semaphore_mem>>, %arg22: memref<!tpu.dma_semaphore, #tpu.memory_space<semaphore_mem>>, %arg23: memref<!tpu.dma_semaphore, #tpu.memory_space<semaphore_mem>>, %arg24: memref<!tpu.dma_semaphore, #tpu.memory_space<semaphore_mem>>, %arg25: memref<!tpu.dma_semaphore, #tpu.memory_space<semaphore_mem>>, %arg26: memref<!tpu.dma_semaphore, #tpu.memory_space<semaphore_mem>>, %arg27: memref<!tpu.dma_semaphore, #tpu.memory_space<semaphore_mem>>) attributes {dimension_semantics = [#tpu.dimension_semantics<core_parallel>, #tpu.dimension_semantics<subcore_parallel>], iteration_bounds = array<i64: 2, 16>, scalar_prefetch = 0 : i64, scratch_operands = 20 : i64, tpu.core_type = #tpu.core_type<sc_vector_subcore>, window_params = [{transform_indices = #map}, {transform_indices = #map}, {transform_indices = #map1}, {transform_indices = #map1}, {transform_indices = #map}, {transform_indices = #map}]} {
    %eq3A = arith.constant 0 : i32
    %eq3A_0 = arith.cmpi eq, %arg0, %eq3A : i32
    %convert_element_type3A = arith.extui %eq3A_0 : i1 to i32
    %cond3A = arith.constant 0 : i32
    %cond3A_1 = arith.cmpi ne, %convert_element_type3A, %cond3A : i32
    scf.if %cond3A_1 {
      %mul3A = arith.constant 640 : i32
      %mul3A_7 = arith.muli %arg1, %mul3A : i32
      %mul3A_8 = arith.constant 10240 : i32
      %mul3A_9 = arith.muli %arg1, %mul3A_8 : i32
      %lt3A = arith.constant 15 : i32
      %lt3A_10 = arith.cmpi slt, %arg1, %lt3A : i32
      %convert_element_type3A_11 = arith.extui %lt3A_10 : i1 to i32
      %cond3A_12 = arith.constant 0 : i32
      %cond3A_13 = arith.cmpi ne, %convert_element_type3A_11, %cond3A_12 : i32
      scf.if %cond3A_13 {
        "tpu.region"() ({
          %run_scoped3A = tpu.sem_alloc : memref<!tpu.dma_semaphore, #tpu.memory_space<semaphore_mem>>
          %dma_start3A_167 = arith.constant 0 : i32
          %dma_start3A_168 = tpu.memref_slice %arg11[%mul3A_7, %dma_start3A_167] : memref<10240x128xf32, #tpu.memory_space<vmem_shared>> -> memref<640x128xf32, #tpu.memory_space<vmem_shared>>
          %dma_start3A_169 = arith.constant 0 : i32
          %dma_start3A_170 = tpu.memref_slice %arg2[%mul3A_7, %dma_start3A_169] : memref<10000x128xf32, #tpu.memory_space<hbm>> -> memref<640x128xf32, #tpu.memory_space<hbm>>
          tpu.enqueue_dma source(%dma_start3A_170 : memref<640x128xf32, #tpu.memory_space<hbm>>) target(%dma_start3A_168 : memref<640x128xf32, #tpu.memory_space<vmem_shared>>) target_semaphore(%run_scoped3A : memref<!tpu.dma_semaphore, #tpu.memory_space<semaphore_mem>>)
          %dma_wait3A_171 = arith.constant 0 : i32
          %dma_wait3A_172 = tpu.memref_slice %arg11[%mul3A_7, %dma_wait3A_171] : memref<10240x128xf32, #tpu.memory_space<vmem_shared>> -> memref<640x128xf32, #tpu.memory_space<vmem_shared>>
          %dma_wait3A_173 = arith.constant 0 : i32
          %dma_wait3A_174 = tpu.memref_slice %arg2[%mul3A_7, %dma_wait3A_173] : memref<10000x128xf32, #tpu.memory_space<hbm>> -> memref<640x128xf32, #tpu.memory_space<hbm>>
          tpu.wait_dma2 semaphore(%run_scoped3A : memref<!tpu.dma_semaphore, #tpu.memory_space<semaphore_mem>>) src(%dma_wait3A_174 : memref<640x128xf32, #tpu.memory_space<hbm>>) dst(%dma_wait3A_172 : memref<640x128xf32, #tpu.memory_space<vmem_shared>>)
          tpu.yield
        }) : () -> ()
      } else {
      }
      %eq3A_14 = arith.constant 15 : i32
      %eq3A_15 = arith.cmpi eq, %arg1, %eq3A_14 : i32
      %convert_element_type3A_16 = arith.extui %eq3A_15 : i1 to i32
      %cond3A_17 = arith.constant 0 : i32
      %cond3A_18 = arith.cmpi ne, %convert_element_type3A_16, %cond3A_17 : i32
      scf.if %cond3A_18 {
        "tpu.region"() ({
          %run_scoped3A = tpu.sem_alloc : memref<!tpu.dma_semaphore, #tpu.memory_space<semaphore_mem>>
          %dma_start3A_167 = arith.constant 0 : i32
          %dma_start3A_168 = tpu.memref_slice %arg11[%mul3A_7, %dma_start3A_167] : memref<10240x128xf32, #tpu.memory_space<vmem_shared>> -> memref<400x128xf32, #tpu.memory_space<vmem_shared>>
          %dma_start3A_169 = arith.constant 0 : i32
          %dma_start3A_170 = tpu.memref_slice %arg2[%mul3A_7, %dma_start3A_169] : memref<10000x128xf32, #tpu.memory_space<hbm>> -> memref<400x128xf32, #tpu.memory_space<hbm>>
          tpu.enqueue_dma source(%dma_start3A_170 : memref<400x128xf32, #tpu.memory_space<hbm>>) target(%dma_start3A_168 : memref<400x128xf32, #tpu.memory_space<vmem_shared>>) target_semaphore(%run_scoped3A : memref<!tpu.dma_semaphore, #tpu.memory_space<semaphore_mem>>)
          %dma_wait3A_171 = arith.constant 0 : i32
          %dma_wait3A_172 = tpu.memref_slice %arg11[%mul3A_7, %dma_wait3A_171] : memref<10240x128xf32, #tpu.memory_space<vmem_shared>> -> memref<400x128xf32, #tpu.memory_space<vmem_shared>>
          %dma_wait3A_173 = arith.constant 0 : i32
          %dma_wait3A_174 = tpu.memref_slice %arg2[%mul3A_7, %dma_wait3A_173] : memref<10000x128xf32, #tpu.memory_space<hbm>> -> memref<400x128xf32, #tpu.memory_space<hbm>>
          tpu.wait_dma2 semaphore(%run_scoped3A : memref<!tpu.dma_semaphore, #tpu.memory_space<semaphore_mem>>) src(%dma_wait3A_174 : memref<400x128xf32, #tpu.memory_space<hbm>>) dst(%dma_wait3A_172 : memref<400x128xf32, #tpu.memory_space<vmem_shared>>)
          tpu.yield
        }) : () -> ()
      } else {
      }
      %barrier3A = arith.constant 0 : index
      tpu.barrier barrier_id(%barrier3A)
      %add3A = arith.constant 0 : i32
      %add3A_19 = arith.addi %mul3A_9, %add3A : i32
      %dma_start3A = arith.constant 0 : i32
      %dma_start3A_20 = arith.constant 0 : i32
      %dma_start3A_21 = tpu.memref_slice %arg8[%dma_start3A, %dma_start3A_20] : memref<4x80xi32, #tpu.memory_space<vmem>> -> memref<1x80xi32, #tpu.memory_space<vmem>>
      %dma_start3A_22 = tpu.memref_squeeze %dma_start3A_21 : memref<1x80xi32, #tpu.memory_space<vmem>> -> memref<80xi32, #tpu.memory_space<vmem>>
      %dma_start3A_23 = tpu.memref_slice %arg4[%add3A_19] : memref<163840xi32, #tpu.memory_space<hbm>> -> memref<80xi32, #tpu.memory_space<hbm>>
      %dma_start3A_24 = arith.constant 0 : i32
      %dma_start3A_25 = tpu.memref_slice %arg8[%dma_start3A, %dma_start3A_24] : memref<4x80xi32, #tpu.memory_space<vmem>> -> memref<1x80xi32, #tpu.memory_space<vmem>>
      %dma_start3A_26 = tpu.memref_squeeze %dma_start3A_25 : memref<1x80xi32, #tpu.memory_space<vmem>> -> memref<80xi32, #tpu.memory_space<vmem>>
      %dma_start3A_27 = tpu.memref_slice %arg4[%add3A_19] : memref<163840xi32, #tpu.memory_space<hbm>> -> memref<80xi32, #tpu.memory_space<hbm>>
      tpu.enqueue_dma source(%dma_start3A_27 : memref<80xi32, #tpu.memory_space<hbm>>) target(%dma_start3A_26 : memref<80xi32, #tpu.memory_space<vmem>>) target_semaphore(%arg12 : memref<!tpu.dma_semaphore, #tpu.memory_space<semaphore_mem>>)
      %dma_start3A_28 = arith.constant 0 : i32
      %dma_start3A_29 = arith.constant 0 : i32
      %dma_start3A_30 = tpu.memref_slice %arg9[%dma_start3A_28, %dma_start3A_29] : memref<4x80xi32, #tpu.memory_space<vmem>> -> memref<1x80xi32, #tpu.memory_space<vmem>>
      %dma_start3A_31 = tpu.memref_squeeze %dma_start3A_30 : memref<1x80xi32, #tpu.memory_space<vmem>> -> memref<80xi32, #tpu.memory_space<vmem>>
      %dma_start3A_32 = tpu.memref_slice %arg5[%add3A_19] : memref<163840xi32, #tpu.memory_space<hbm>> -> memref<80xi32, #tpu.memory_space<hbm>>
      %dma_start3A_33 = arith.constant 0 : i32
      %dma_start3A_34 = tpu.memref_slice %arg9[%dma_start3A_28, %dma_start3A_33] : memref<4x80xi32, #tpu.memory_space<vmem>> -> memref<1x80xi32, #tpu.memory_space<vmem>>
      %dma_start3A_35 = tpu.memref_squeeze %dma_start3A_34 : memref<1x80xi32, #tpu.memory_space<vmem>> -> memref<80xi32, #tpu.memory_space<vmem>>
      %dma_start3A_36 = tpu.memref_slice %arg5[%add3A_19] : memref<163840xi32, #tpu.memory_space<hbm>> -> memref<80xi32, #tpu.memory_space<hbm>>
      tpu.enqueue_dma source(%dma_start3A_36 : memref<80xi32, #tpu.memory_space<hbm>>) target(%dma_start3A_35 : memref<80xi32, #tpu.memory_space<vmem>>) target_semaphore(%arg16 : memref<!tpu.dma_semaphore, #tpu.memory_space<semaphore_mem>>)
      %add3A_37 = arith.constant 80 : i32
      %add3A_38 = arith.addi %mul3A_9, %add3A_37 : i32
      %dma_start3A_39 = arith.constant 1 : i32
      %dma_start3A_40 = arith.constant 0 : i32
      %dma_start3A_41 = tpu.memref_slice %arg8[%dma_start3A_39, %dma_start3A_40] : memref<4x80xi32, #tpu.memory_space<vmem>> -> memref<1x80xi32, #tpu.memory_space<vmem>>
      %dma_start3A_42 = tpu.memref_squeeze %dma_start3A_41 : memref<1x80xi32, #tpu.memory_space<vmem>> -> memref<80xi32, #tpu.memory_space<vmem>>
      %dma_start3A_43 = tpu.memref_slice %arg4[%add3A_38] : memref<163840xi32, #tpu.memory_space<hbm>> -> memref<80xi32, #tpu.memory_space<hbm>>
      %dma_start3A_44 = arith.constant 0 : i32
      %dma_start3A_45 = tpu.memref_slice %arg8[%dma_start3A_39, %dma_start3A_44] : memref<4x80xi32, #tpu.memory_space<vmem>> -> memref<1x80xi32, #tpu.memory_space<vmem>>
      %dma_start3A_46 = tpu.memref_squeeze %dma_start3A_45 : memref<1x80xi32, #tpu.memory_space<vmem>> -> memref<80xi32, #tpu.memory_space<vmem>>
      %dma_start3A_47 = tpu.memref_slice %arg4[%add3A_38] : memref<163840xi32, #tpu.memory_space<hbm>> -> memref<80xi32, #tpu.memory_space<hbm>>
      tpu.enqueue_dma source(%dma_start3A_47 : memref<80xi32, #tpu.memory_space<hbm>>) target(%dma_start3A_46 : memref<80xi32, #tpu.memory_space<vmem>>) target_semaphore(%arg13 : memref<!tpu.dma_semaphore, #tpu.memory_space<semaphore_mem>>)
      %dma_start3A_48 = arith.constant 1 : i32
      %dma_start3A_49 = arith.constant 0 : i32
      %dma_start3A_50 = tpu.memref_slice %arg9[%dma_start3A_48, %dma_start3A_49] : memref<4x80xi32, #tpu.memory_space<vmem>> -> memref<1x80xi32, #tpu.memory_space<vmem>>
      %dma_start3A_51 = tpu.memref_squeeze %dma_start3A_50 : memref<1x80xi32, #tpu.memory_space<vmem>> -> memref<80xi32, #tpu.memory_space<vmem>>
      %dma_start3A_52 = tpu.memref_slice %arg5[%add3A_38] : memref<163840xi32, #tpu.memory_space<hbm>> -> memref<80xi32, #tpu.memory_space<hbm>>
      %dma_start3A_53 = arith.constant 0 : i32
      %dma_start3A_54 = tpu.memref_slice %arg9[%dma_start3A_48, %dma_start3A_53] : memref<4x80xi32, #tpu.memory_space<vmem>> -> memref<1x80xi32, #tpu.memory_space<vmem>>
      %dma_start3A_55 = tpu.memref_squeeze %dma_start3A_54 : memref<1x80xi32, #tpu.memory_space<vmem>> -> memref<80xi32, #tpu.memory_space<vmem>>
      %dma_start3A_56 = tpu.memref_slice %arg5[%add3A_38] : memref<163840xi32, #tpu.memory_space<hbm>> -> memref<80xi32, #tpu.memory_space<hbm>>
      tpu.enqueue_dma source(%dma_start3A_56 : memref<80xi32, #tpu.memory_space<hbm>>) target(%dma_start3A_55 : memref<80xi32, #tpu.memory_space<vmem>>) target_semaphore(%arg17 : memref<!tpu.dma_semaphore, #tpu.memory_space<semaphore_mem>>)
      %add3A_57 = arith.constant 160 : i32
      %add3A_58 = arith.addi %mul3A_9, %add3A_57 : i32
      %dma_start3A_59 = arith.constant 2 : i32
      %dma_start3A_60 = arith.constant 0 : i32
      %dma_start3A_61 = tpu.memref_slice %arg8[%dma_start3A_59, %dma_start3A_60] : memref<4x80xi32, #tpu.memory_space<vmem>> -> memref<1x80xi32, #tpu.memory_space<vmem>>
      %dma_start3A_62 = tpu.memref_squeeze %dma_start3A_61 : memref<1x80xi32, #tpu.memory_space<vmem>> -> memref<80xi32, #tpu.memory_space<vmem>>
      %dma_start3A_63 = tpu.memref_slice %arg4[%add3A_58] : memref<163840xi32, #tpu.memory_space<hbm>> -> memref<80xi32, #tpu.memory_space<hbm>>
      %dma_start3A_64 = arith.constant 0 : i32
      %dma_start3A_65 = tpu.memref_slice %arg8[%dma_start3A_59, %dma_start3A_64] : memref<4x80xi32, #tpu.memory_space<vmem>> -> memref<1x80xi32, #tpu.memory_space<vmem>>
      %dma_start3A_66 = tpu.memref_squeeze %dma_start3A_65 : memref<1x80xi32, #tpu.memory_space<vmem>> -> memref<80xi32, #tpu.memory_space<vmem>>
      %dma_start3A_67 = tpu.memref_slice %arg4[%add3A_58] : memref<163840xi32, #tpu.memory_space<hbm>> -> memref<80xi32, #tpu.memory_space<hbm>>
      tpu.enqueue_dma source(%dma_start3A_67 : memref<80xi32, #tpu.memory_space<hbm>>) target(%dma_start3A_66 : memref<80xi32, #tpu.memory_space<vmem>>) target_semaphore(%arg14 : memref<!tpu.dma_semaphore, #tpu.memory_space<semaphore_mem>>)
      %dma_start3A_68 = arith.constant 2 : i32
      %dma_start3A_69 = arith.constant 0 : i32
      %dma_start3A_70 = tpu.memref_slice %arg9[%dma_start3A_68, %dma_start3A_69] : memref<4x80xi32, #tpu.memory_space<vmem>> -> memref<1x80xi32, #tpu.memory_space<vmem>>
      %dma_start3A_71 = tpu.memref_squeeze %dma_start3A_70 : memref<1x80xi32, #tpu.memory_space<vmem>> -> memref<80xi32, #tpu.memory_space<vmem>>
      %dma_start3A_72 = tpu.memref_slice %arg5[%add3A_58] : memref<163840xi32, #tpu.memory_space<hbm>> -> memref<80xi32, #tpu.memory_space<hbm>>
      %dma_start3A_73 = arith.constant 0 : i32
      %dma_start3A_74 = tpu.memref_slice %arg9[%dma_start3A_68, %dma_start3A_73] : memref<4x80xi32, #tpu.memory_space<vmem>> -> memref<1x80xi32, #tpu.memory_space<vmem>>
      %dma_start3A_75 = tpu.memref_squeeze %dma_start3A_74 : memref<1x80xi32, #tpu.memory_space<vmem>> -> memref<80xi32, #tpu.memory_space<vmem>>
      %dma_start3A_76 = tpu.memref_slice %arg5[%add3A_58] : memref<163840xi32, #tpu.memory_space<hbm>> -> memref<80xi32, #tpu.memory_space<hbm>>
      tpu.enqueue_dma source(%dma_start3A_76 : memref<80xi32, #tpu.memory_space<hbm>>) target(%dma_start3A_75 : memref<80xi32, #tpu.memory_space<vmem>>) target_semaphore(%arg18 : memref<!tpu.dma_semaphore, #tpu.memory_space<semaphore_mem>>)
      %add3A_77 = arith.constant 0 : i32
      %add3A_78 = arith.addi %mul3A_9, %add3A_77 : i32
      %dma_wait3A = arith.constant 0 : i32
      %dma_wait3A_79 = arith.constant 0 : i32
      %dma_wait3A_80 = tpu.memref_slice %arg8[%dma_wait3A, %dma_wait3A_79] : memref<4x80xi32, #tpu.memory_space<vmem>> -> memref<1x80xi32, #tpu.memory_space<vmem>>
      %dma_wait3A_81 = tpu.memref_squeeze %dma_wait3A_80 : memref<1x80xi32, #tpu.memory_space<vmem>> -> memref<80xi32, #tpu.memory_space<vmem>>
      %dma_wait3A_82 = tpu.memref_slice %arg4[%add3A_78] : memref<163840xi32, #tpu.memory_space<hbm>> -> memref<80xi32, #tpu.memory_space<hbm>>
      %dma_wait3A_83 = arith.constant 0 : i32
      %dma_wait3A_84 = tpu.memref_slice %arg8[%dma_wait3A, %dma_wait3A_83] : memref<4x80xi32, #tpu.memory_space<vmem>> -> memref<1x80xi32, #tpu.memory_space<vmem>>
      %dma_wait3A_85 = tpu.memref_squeeze %dma_wait3A_84 : memref<1x80xi32, #tpu.memory_space<vmem>> -> memref<80xi32, #tpu.memory_space<vmem>>
      %dma_wait3A_86 = tpu.memref_slice %arg4[%add3A_78] : memref<163840xi32, #tpu.memory_space<hbm>> -> memref<80xi32, #tpu.memory_space<hbm>>
      tpu.wait_dma2 semaphore(%arg12 : memref<!tpu.dma_semaphore, #tpu.memory_space<semaphore_mem>>) src(%dma_wait3A_86 : memref<80xi32, #tpu.memory_space<hbm>>) dst(%dma_wait3A_85 : memref<80xi32, #tpu.memory_space<vmem>>)
      %dma_wait3A_87 = arith.constant 0 : i32
      %dma_wait3A_88 = arith.constant 0 : i32
      %dma_wait3A_89 = tpu.memref_slice %arg9[%dma_wait3A_87, %dma_wait3A_88] : memref<4x80xi32, #tpu.memory_space<vmem>> -> memref<1x80xi32, #tpu.memory_space<vmem>>
      %dma_wait3A_90 = tpu.memref_squeeze %dma_wait3A_89 : memref<1x80xi32, #tpu.memory_space<vmem>> -> memref<80xi32, #tpu.memory_space<vmem>>
      %dma_wait3A_91 = tpu.memref_slice %arg5[%add3A_78] : memref<163840xi32, #tpu.memory_space<hbm>> -> memref<80xi32, #tpu.memory_space<hbm>>
      %dma_wait3A_92 = arith.constant 0 : i32
      %dma_wait3A_93 = tpu.memref_slice %arg9[%dma_wait3A_87, %dma_wait3A_92] : memref<4x80xi32, #tpu.memory_space<vmem>> -> memref<1x80xi32, #tpu.memory_space<vmem>>
      %dma_wait3A_94 = tpu.memref_squeeze %dma_wait3A_93 : memref<1x80xi32, #tpu.memory_space<vmem>> -> memref<80xi32, #tpu.memory_space<vmem>>
      %dma_wait3A_95 = tpu.memref_slice %arg5[%add3A_78] : memref<163840xi32, #tpu.memory_space<hbm>> -> memref<80xi32, #tpu.memory_space<hbm>>
      tpu.wait_dma2 semaphore(%arg16 : memref<!tpu.dma_semaphore, #tpu.memory_space<semaphore_mem>>) src(%dma_wait3A_95 : memref<80xi32, #tpu.memory_space<hbm>>) dst(%dma_wait3A_94 : memref<80xi32, #tpu.memory_space<vmem>>)
      %dma_start3A_96 = arith.constant 0 : i32
      %dma_start3A_97 = arith.constant 0 : i32
      %dma_start3A_98 = arith.constant 0 : i32
      %dma_start3A_99 = arith.constant 0 : i32
      %dma_start3A_100 = tpu.memref_slice %arg10[%dma_start3A_97, %dma_start3A_98, %dma_start3A_99] : memref<4x80x128xf32, #tpu.memory_space<vmem>> -> memref<1x80x128xf32, #tpu.memory_space<vmem>>
      %dma_start3A_101 = tpu.memref_squeeze %dma_start3A_100 : memref<1x80x128xf32, #tpu.memory_space<vmem>> -> memref<80x128xf32, #tpu.memory_space<vmem>>
      %dma_start3A_102 = arith.constant 0 : i32
      %dma_start3A_103 = tpu.memref_slice %arg8[%dma_start3A_96, %dma_start3A_102] : memref<4x80xi32, #tpu.memory_space<vmem>> -> memref<1x80xi32, #tpu.memory_space<vmem>>
      %dma_start3A_104 = tpu.memref_squeeze %dma_start3A_103 : memref<1x80xi32, #tpu.memory_space<vmem>> -> memref<80xi32, #tpu.memory_space<vmem>>
      %dma_start3A_105 = arith.constant 0 : i32
      %dma_start3A_106 = arith.constant 0 : i32
      %dma_start3A_107 = tpu.memref_slice %arg2[%dma_start3A_105, %dma_start3A_106] : memref<10000x128xf32, #tpu.memory_space<hbm>> -> memref<10000x128xf32, #tpu.memory_space<hbm>>
      tpu.enqueue_indirect_dma source(%dma_start3A_107 : memref<10000x128xf32, #tpu.memory_space<hbm>>) target(%dma_start3A_101 : memref<80x128xf32, #tpu.memory_space<vmem>>) offsets(%dma_start3A_104 : memref<80xi32, #tpu.memory_space<vmem>>) semaphore(%arg20 : memref<!tpu.dma_semaphore, #tpu.memory_space<semaphore_mem>>)
      %add3A_108 = arith.constant 80 : i32
      %add3A_109 = arith.addi %mul3A_9, %add3A_108 : i32
      %dma_wait3A_110 = arith.constant 1 : i32
      %dma_wait3A_111 = arith.constant 0 : i32
      %dma_wait3A_112 = tpu.memref_slice %arg8[%dma_wait3A_110, %dma_wait3A_111] : memref<4x80xi32, #tpu.memory_space<vmem>> -> memref<1x80xi32, #tpu.memory_space<vmem>>
      %dma_wait3A_113 = tpu.memref_squeeze %dma_wait3A_112 : memref<1x80xi32, #tpu.memory_space<vmem>> -> memref<80xi32, #tpu.memory_space<vmem>>
      %dma_wait3A_114 = tpu.memref_slice %arg4[%add3A_109] : memref<163840xi32, #tpu.memory_space<hbm>> -> memref<80xi32, #tpu.memory_space<hbm>>
      %dma_wait3A_115 = arith.constant 0 : i32
      %dma_wait3A_116 = tpu.memref_slice %arg8[%dma_wait3A_110, %dma_wait3A_115] : memref<4x80xi32, #tpu.memory_space<vmem>> -> memref<1x80xi32, #tpu.memory_space<vmem>>
      %dma_wait3A_117 = tpu.memref_squeeze %dma_wait3A_116 : memref<1x80xi32, #tpu.memory_space<vmem>> -> memref<80xi32, #tpu.memory_space<vmem>>
      %dma_wait3A_118 = tpu.memref_slice %arg4[%add3A_109] : memref<163840xi32, #tpu.memory_space<hbm>> -> memref<80xi32, #tpu.memory_space<hbm>>
      tpu.wait_dma2 semaphore(%arg13 : memref<!tpu.dma_semaphore, #tpu.memory_space<semaphore_mem>>) src(%dma_wait3A_118 : memref<80xi32, #tpu.memory_space<hbm>>) dst(%dma_wait3A_117 : memref<80xi32, #tpu.memory_space<vmem>>)
      %dma_wait3A_119 = arith.constant 1 : i32
      %dma_wait3A_120 = arith.constant 0 : i32
      %dma_wait3A_121 = tpu.memref_slice %arg9[%dma_wait3A_119, %dma_wait3A_120] : memref<4x80xi32, #tpu.memory_space<vmem>> -> memref<1x80xi32, #tpu.memory_space<vmem>>
      %dma_wait3A_122 = tpu.memref_squeeze %dma_wait3A_121 : memref<1x80xi32, #tpu.memory_space<vmem>> -> memref<80xi32, #tpu.memory_space<vmem>>
      %dma_wait3A_123 = tpu.memref_slice %arg5[%add3A_109] : memref<163840xi32, #tpu.memory_space<hbm>> -> memref<80xi32, #tpu.memory_space<hbm>>
      %dma_wait3A_124 = arith.constant 0 : i32
      %dma_wait3A_125 = tpu.memref_slice %arg9[%dma_wait3A_119, %dma_wait3A_124] : memref<4x80xi32, #tpu.memory_space<vmem>> -> memref<1x80xi32, #tpu.memory_space<vmem>>
      %dma_wait3A_126 = tpu.memref_squeeze %dma_wait3A_125 : memref<1x80xi32, #tpu.memory_space<vmem>> -> memref<80xi32, #tpu.memory_space<vmem>>
      %dma_wait3A_127 = tpu.memref_slice %arg5[%add3A_109] : memref<163840xi32, #tpu.memory_space<hbm>> -> memref<80xi32, #tpu.memory_space<hbm>>
      tpu.wait_dma2 semaphore(%arg17 : memref<!tpu.dma_semaphore, #tpu.memory_space<semaphore_mem>>) src(%dma_wait3A_127 : memref<80xi32, #tpu.memory_space<hbm>>) dst(%dma_wait3A_126 : memref<80xi32, #tpu.memory_space<vmem>>)
      %dma_start3A_128 = arith.constant 1 : i32
      %dma_start3A_129 = arith.constant 1 : i32
      %dma_start3A_130 = arith.constant 0 : i32
      %dma_start3A_131 = arith.constant 0 : i32
      %dma_start3A_132 = tpu.memref_slice %arg10[%dma_start3A_129, %dma_start3A_130, %dma_start3A_131] : memref<4x80x128xf32, #tpu.memory_space<vmem>> -> memref<1x80x128xf32, #tpu.memory_space<vmem>>
      %dma_start3A_133 = tpu.memref_squeeze %dma_start3A_132 : memref<1x80x128xf32, #tpu.memory_space<vmem>> -> memref<80x128xf32, #tpu.memory_space<vmem>>
      %dma_start3A_134 = arith.constant 0 : i32
      %dma_start3A_135 = tpu.memref_slice %arg8[%dma_start3A_128, %dma_start3A_134] : memref<4x80xi32, #tpu.memory_space<vmem>> -> memref<1x80xi32, #tpu.memory_space<vmem>>
      %dma_start3A_136 = tpu.memref_squeeze %dma_start3A_135 : memref<1x80xi32, #tpu.memory_space<vmem>> -> memref<80xi32, #tpu.memory_space<vmem>>
      %dma_start3A_137 = arith.constant 0 : i32
      %dma_start3A_138 = arith.constant 0 : i32
      %dma_start3A_139 = tpu.memref_slice %arg2[%dma_start3A_137, %dma_start3A_138] : memref<10000x128xf32, #tpu.memory_space<hbm>> -> memref<10000x128xf32, #tpu.memory_space<hbm>>
      tpu.enqueue_indirect_dma source(%dma_start3A_139 : memref<10000x128xf32, #tpu.memory_space<hbm>>) target(%dma_start3A_133 : memref<80x128xf32, #tpu.memory_space<vmem>>) offsets(%dma_start3A_136 : memref<80xi32, #tpu.memory_space<vmem>>) semaphore(%arg21 : memref<!tpu.dma_semaphore, #tpu.memory_space<semaphore_mem>>)
      %scan3A = arith.constant 0 : i32
      %scan3A_140 = arith.constant 32 : i32
      %scan3A_141 = arith.addi %scan3A, %scan3A_140 : i32
      %scan3A_142 = arith.constant 1 : i32
      scf.for %scan3A_167 = %scan3A to %scan3A_141 step %scan3A_142  : i32 {
        %mul3A_168 = arith.constant 1 : i32
        %mul3A_169 = arith.muli %scan3A_167, %mul3A_168 : i32
        %add3A_170 = arith.constant 0 : i32
        %add3A_171 = arith.addi %add3A_170, %mul3A_169 : i32
        %mul3A_172 = arith.constant 4 : i32
        %mul3A_173 = arith.muli %add3A_171, %mul3A_172 : i32
        %add3A_174 = arith.constant 0 : i32
        %add3A_175 = arith.addi %mul3A_173, %add3A_174 : i32
        %dma_wait3A_176 = arith.constant 0 : i32
        %dma_wait3A_177 = arith.constant 0 : i32
        %dma_wait3A_178 = arith.constant 0 : i32
        %dma_wait3A_179 = arith.constant 0 : i32
        %dma_wait3A_180 = tpu.memref_slice %arg10[%dma_wait3A_177, %dma_wait3A_178, %dma_wait3A_179] : memref<4x80x128xf32, #tpu.memory_space<vmem>> -> memref<1x80x128xf32, #tpu.memory_space<vmem>>
        %dma_wait3A_181 = tpu.memref_squeeze %dma_wait3A_180 : memref<1x80x128xf32, #tpu.memory_space<vmem>> -> memref<80x128xf32, #tpu.memory_space<vmem>>
        %dma_wait3A_182 = arith.constant 0 : i32
        %dma_wait3A_183 = tpu.memref_slice %arg8[%dma_wait3A_176, %dma_wait3A_182] : memref<4x80xi32, #tpu.memory_space<vmem>> -> memref<1x80xi32, #tpu.memory_space<vmem>>
        %dma_wait3A_184 = tpu.memref_squeeze %dma_wait3A_183 : memref<1x80xi32, #tpu.memory_space<vmem>> -> memref<80xi32, #tpu.memory_space<vmem>>
        %dma_wait3A_185 = arith.constant 0 : i32
        %dma_wait3A_186 = arith.constant 0 : i32
        %dma_wait3A_187 = tpu.memref_slice %arg2[%dma_wait3A_185, %dma_wait3A_186] : memref<10000x128xf32, #tpu.memory_space<hbm>> -> memref<10000x128xf32, #tpu.memory_space<hbm>>
        tpu.wait_indirect_dma semaphore(%arg20 : memref<!tpu.dma_semaphore, #tpu.memory_space<semaphore_mem>>) src(%dma_wait3A_187 : memref<10000x128xf32, #tpu.memory_space<hbm>>) dst(%dma_wait3A_181 : memref<80x128xf32, #tpu.memory_space<vmem>>)
        %dma_start3A_188 = arith.constant 0 : i32
        %dma_start3A_189 = arith.constant 0 : i32
        %dma_start3A_190 = arith.constant 0 : i32
        %dma_start3A_191 = arith.constant 0 : i32
        %dma_start3A_192 = tpu.memref_slice %arg10[%dma_start3A_188, %dma_start3A_190, %dma_start3A_191] : memref<4x80x128xf32, #tpu.memory_space<vmem>> -> memref<1x80x128xf32, #tpu.memory_space<vmem>>
        %dma_start3A_193 = tpu.memref_squeeze %dma_start3A_192 : memref<1x80x128xf32, #tpu.memory_space<vmem>> -> memref<80x128xf32, #tpu.memory_space<vmem>>
        %dma_start3A_194 = arith.constant 0 : i32
        %dma_start3A_195 = tpu.memref_slice %arg9[%dma_start3A_189, %dma_start3A_194] : memref<4x80xi32, #tpu.memory_space<vmem>> -> memref<1x80xi32, #tpu.memory_space<vmem>>
        %dma_start3A_196 = tpu.memref_squeeze %dma_start3A_195 : memref<1x80xi32, #tpu.memory_space<vmem>> -> memref<80xi32, #tpu.memory_space<vmem>>
        %dma_start3A_197 = arith.constant 0 : i32
        %dma_start3A_198 = arith.constant 0 : i32
        %dma_start3A_199 = tpu.memref_slice %arg11[%dma_start3A_197, %dma_start3A_198] : memref<10240x128xf32, #tpu.memory_space<vmem_shared>> -> memref<10240x128xf32, #tpu.memory_space<vmem_shared>>
        tpu.enqueue_indirect_dma source(%dma_start3A_193 : memref<80x128xf32, #tpu.memory_space<vmem>>) target(%dma_start3A_199 : memref<10240x128xf32, #tpu.memory_space<vmem_shared>>) offsets(%dma_start3A_196 : memref<80xi32, #tpu.memory_space<vmem>>) semaphore(%arg24 : memref<!tpu.dma_semaphore, #tpu.memory_space<semaphore_mem>>) {add = true}
        %ge3A = arith.constant 1 : i32
        %ge3A_200 = arith.cmpi sge, %add3A_175, %ge3A : i32
        %convert_element_type3A_201 = arith.extui %ge3A_200 : i1 to i32
        %cond3A_202 = arith.constant 0 : i32
        %cond3A_203 = arith.cmpi ne, %convert_element_type3A_201, %cond3A_202 : i32
        scf.if %cond3A_203 {
          %dma_wait3A_368 = arith.constant 3 : i32
          %dma_wait3A_369 = arith.constant 0 : i32
          %dma_wait3A_370 = arith.constant 0 : i32
          %dma_wait3A_371 = arith.constant 0 : i32
          %dma_wait3A_372 = tpu.memref_slice %arg10[%dma_wait3A_368, %dma_wait3A_370, %dma_wait3A_371] : memref<4x80x128xf32, #tpu.memory_space<vmem>> -> memref<1x80x128xf32, #tpu.memory_space<vmem>>
          %dma_wait3A_373 = tpu.memref_squeeze %dma_wait3A_372 : memref<1x80x128xf32, #tpu.memory_space<vmem>> -> memref<80x128xf32, #tpu.memory_space<vmem>>
          %dma_wait3A_374 = arith.constant 0 : i32
          %dma_wait3A_375 = tpu.memref_slice %arg9[%dma_wait3A_369, %dma_wait3A_374] : memref<4x80xi32, #tpu.memory_space<vmem>> -> memref<1x80xi32, #tpu.memory_space<vmem>>
          %dma_wait3A_376 = tpu.memref_squeeze %dma_wait3A_375 : memref<1x80xi32, #tpu.memory_space<vmem>> -> memref<80xi32, #tpu.memory_space<vmem>>
          %dma_wait3A_377 = arith.constant 0 : i32
          %dma_wait3A_378 = arith.constant 0 : i32
          %dma_wait3A_379 = tpu.memref_slice %arg11[%dma_wait3A_377, %dma_wait3A_378] : memref<10240x128xf32, #tpu.memory_space<vmem_shared>> -> memref<10240x128xf32, #tpu.memory_space<vmem_shared>>
          tpu.wait_indirect_dma semaphore(%arg27 : memref<!tpu.dma_semaphore, #tpu.memory_space<semaphore_mem>>) src(%dma_wait3A_373 : memref<80x128xf32, #tpu.memory_space<vmem>>) dst(%dma_wait3A_379 : memref<10240x128xf32, #tpu.memory_space<vmem_shared>>)
        } else {
        }
        %add3A_204 = arith.constant 4 : i32
        %add3A_205 = arith.addi %add3A_175, %add3A_204 : i32
        %sub3A = arith.constant 1 : i32
        %sub3A_206 = arith.subi %add3A_205, %sub3A : i32
        %lt3A_207 = arith.constant 128 : i32
        %lt3A_208 = arith.cmpi slt, %sub3A_206, %lt3A_207 : i32
        %convert_element_type3A_209 = arith.extui %lt3A_208 : i1 to i32
        %cond3A_210 = arith.constant 0 : i32
        %cond3A_211 = arith.cmpi ne, %convert_element_type3A_209, %cond3A_210 : i32
        scf.if %cond3A_211 {
          %mul3A_368 = arith.constant 80 : i32
          %mul3A_369 = arith.muli %sub3A_206, %mul3A_368 : i32
          %add3A_370 = arith.addi %mul3A_9, %mul3A_369 : i32
          %dma_start3A_371 = arith.constant 3 : i32
          %dma_start3A_372 = arith.constant 0 : i32
          %dma_start3A_373 = tpu.memref_slice %arg8[%dma_start3A_371, %dma_start3A_372] : memref<4x80xi32, #tpu.memory_space<vmem>> -> memref<1x80xi32, #tpu.memory_space<vmem>>
          %dma_start3A_374 = tpu.memref_squeeze %dma_start3A_373 : memref<1x80xi32, #tpu.memory_space<vmem>> -> memref<80xi32, #tpu.memory_space<vmem>>
          %dma_start3A_375 = tpu.memref_slice %arg4[%add3A_370] : memref<163840xi32, #tpu.memory_space<hbm>> -> memref<80xi32, #tpu.memory_space<hbm>>
          %dma_start3A_376 = arith.constant 0 : i32
          %dma_start3A_377 = tpu.memref_slice %arg8[%dma_start3A_371, %dma_start3A_376] : memref<4x80xi32, #tpu.memory_space<vmem>> -> memref<1x80xi32, #tpu.memory_space<vmem>>
          %dma_start3A_378 = tpu.memref_squeeze %dma_start3A_377 : memref<1x80xi32, #tpu.memory_space<vmem>> -> memref<80xi32, #tpu.memory_space<vmem>>
          %dma_start3A_379 = tpu.memref_slice %arg4[%add3A_370] : memref<163840xi32, #tpu.memory_space<hbm>> -> memref<80xi32, #tpu.memory_space<hbm>>
          tpu.enqueue_dma source(%dma_start3A_379 : memref<80xi32, #tpu.memory_space<hbm>>) target(%dma_start3A_378 : memref<80xi32, #tpu.memory_space<vmem>>) target_semaphore(%arg15 : memref<!tpu.dma_semaphore, #tpu.memory_space<semaphore_mem>>)
          %dma_start3A_380 = arith.constant 3 : i32
          %dma_start3A_381 = arith.constant 0 : i32
          %dma_start3A_382 = tpu.memref_slice %arg9[%dma_start3A_380, %dma_start3A_381] : memref<4x80xi32, #tpu.memory_space<vmem>> -> memref<1x80xi32, #tpu.memory_space<vmem>>
          %dma_start3A_383 = tpu.memref_squeeze %dma_start3A_382 : memref<1x80xi32, #tpu.memory_space<vmem>> -> memref<80xi32, #tpu.memory_space<vmem>>
          %dma_start3A_384 = tpu.memref_slice %arg5[%add3A_370] : memref<163840xi32, #tpu.memory_space<hbm>> -> memref<80xi32, #tpu.memory_space<hbm>>
          %dma_start3A_385 = arith.constant 0 : i32
          %dma_start3A_386 = tpu.memref_slice %arg9[%dma_start3A_380, %dma_start3A_385] : memref<4x80xi32, #tpu.memory_space<vmem>> -> memref<1x80xi32, #tpu.memory_space<vmem>>
          %dma_start3A_387 = tpu.memref_squeeze %dma_start3A_386 : memref<1x80xi32, #tpu.memory_space<vmem>> -> memref<80xi32, #tpu.memory_space<vmem>>
          %dma_start3A_388 = tpu.memref_slice %arg5[%add3A_370] : memref<163840xi32, #tpu.memory_space<hbm>> -> memref<80xi32, #tpu.memory_space<hbm>>
          tpu.enqueue_dma source(%dma_start3A_388 : memref<80xi32, #tpu.memory_space<hbm>>) target(%dma_start3A_387 : memref<80xi32, #tpu.memory_space<vmem>>) target_semaphore(%arg19 : memref<!tpu.dma_semaphore, #tpu.memory_space<semaphore_mem>>)
        } else {
        }
        %add3A_212 = arith.constant 4 : i32
        %add3A_213 = arith.addi %add3A_175, %add3A_212 : i32
        %sub3A_214 = arith.constant 2 : i32
        %sub3A_215 = arith.subi %add3A_213, %sub3A_214 : i32
        %lt3A_216 = arith.constant 128 : i32
        %lt3A_217 = arith.cmpi slt, %sub3A_215, %lt3A_216 : i32
        %convert_element_type3A_218 = arith.extui %lt3A_217 : i1 to i32
        %cond3A_219 = arith.constant 0 : i32
        %cond3A_220 = arith.cmpi ne, %convert_element_type3A_218, %cond3A_219 : i32
        scf.if %cond3A_220 {
          %add3A_368 = arith.constant 4 : i32
          %add3A_369 = arith.addi %add3A_175, %add3A_368 : i32
          %sub3A_370 = arith.constant 2 : i32
          %sub3A_371 = arith.subi %add3A_369, %sub3A_370 : i32
          %mul3A_372 = arith.constant 80 : i32
          %mul3A_373 = arith.muli %sub3A_371, %mul3A_372 : i32
          %add3A_374 = arith.addi %mul3A_9, %mul3A_373 : i32
          %dma_wait3A_375 = arith.constant 2 : i32
          %dma_wait3A_376 = arith.constant 0 : i32
          %dma_wait3A_377 = tpu.memref_slice %arg8[%dma_wait3A_375, %dma_wait3A_376] : memref<4x80xi32, #tpu.memory_space<vmem>> -> memref<1x80xi32, #tpu.memory_space<vmem>>
          %dma_wait3A_378 = tpu.memref_squeeze %dma_wait3A_377 : memref<1x80xi32, #tpu.memory_space<vmem>> -> memref<80xi32, #tpu.memory_space<vmem>>
          %dma_wait3A_379 = tpu.memref_slice %arg4[%add3A_374] : memref<163840xi32, #tpu.memory_space<hbm>> -> memref<80xi32, #tpu.memory_space<hbm>>
          %dma_wait3A_380 = arith.constant 0 : i32
          %dma_wait3A_381 = tpu.memref_slice %arg8[%dma_wait3A_375, %dma_wait3A_380] : memref<4x80xi32, #tpu.memory_space<vmem>> -> memref<1x80xi32, #tpu.memory_space<vmem>>
          %dma_wait3A_382 = tpu.memref_squeeze %dma_wait3A_381 : memref<1x80xi32, #tpu.memory_space<vmem>> -> memref<80xi32, #tpu.memory_space<vmem>>
          %dma_wait3A_383 = tpu.memref_slice %arg4[%add3A_374] : memref<163840xi32, #tpu.memory_space<hbm>> -> memref<80xi32, #tpu.memory_space<hbm>>
          tpu.wait_dma2 semaphore(%arg14 : memref<!tpu.dma_semaphore, #tpu.memory_space<semaphore_mem>>) src(%dma_wait3A_383 : memref<80xi32, #tpu.memory_space<hbm>>) dst(%dma_wait3A_382 : memref<80xi32, #tpu.memory_space<vmem>>)
          %dma_wait3A_384 = arith.constant 2 : i32
          %dma_wait3A_385 = arith.constant 0 : i32
          %dma_wait3A_386 = tpu.memref_slice %arg9[%dma_wait3A_384, %dma_wait3A_385] : memref<4x80xi32, #tpu.memory_space<vmem>> -> memref<1x80xi32, #tpu.memory_space<vmem>>
          %dma_wait3A_387 = tpu.memref_squeeze %dma_wait3A_386 : memref<1x80xi32, #tpu.memory_space<vmem>> -> memref<80xi32, #tpu.memory_space<vmem>>
          %dma_wait3A_388 = tpu.memref_slice %arg5[%add3A_374] : memref<163840xi32, #tpu.memory_space<hbm>> -> memref<80xi32, #tpu.memory_space<hbm>>
          %dma_wait3A_389 = arith.constant 0 : i32
          %dma_wait3A_390 = tpu.memref_slice %arg9[%dma_wait3A_384, %dma_wait3A_389] : memref<4x80xi32, #tpu.memory_space<vmem>> -> memref<1x80xi32, #tpu.memory_space<vmem>>
          %dma_wait3A_391 = tpu.memref_squeeze %dma_wait3A_390 : memref<1x80xi32, #tpu.memory_space<vmem>> -> memref<80xi32, #tpu.memory_space<vmem>>
          %dma_wait3A_392 = tpu.memref_slice %arg5[%add3A_374] : memref<163840xi32, #tpu.memory_space<hbm>> -> memref<80xi32, #tpu.memory_space<hbm>>
          tpu.wait_dma2 semaphore(%arg18 : memref<!tpu.dma_semaphore, #tpu.memory_space<semaphore_mem>>) src(%dma_wait3A_392 : memref<80xi32, #tpu.memory_space<hbm>>) dst(%dma_wait3A_391 : memref<80xi32, #tpu.memory_space<vmem>>)
          %add3A_393 = arith.constant 4 : i32
          %add3A_394 = arith.addi %add3A_175, %add3A_393 : i32
          %sub3A_395 = arith.constant 2 : i32
          %sub3A_396 = arith.subi %add3A_394, %sub3A_395 : i32
          %dma_start3A_397 = arith.constant 2 : i32
          %dma_start3A_398 = arith.constant 2 : i32
          %dma_start3A_399 = arith.constant 0 : i32
          %dma_start3A_400 = arith.constant 0 : i32
          %dma_start3A_401 = tpu.memref_slice %arg10[%dma_start3A_398, %dma_start3A_399, %dma_start3A_400] : memref<4x80x128xf32, #tpu.memory_space<vmem>> -> memref<1x80x128xf32, #tpu.memory_space<vmem>>
          %dma_start3A_402 = tpu.memref_squeeze %dma_start3A_401 : memref<1x80x128xf32, #tpu.memory_space<vmem>> -> memref<80x128xf32, #tpu.memory_space<vmem>>
          %dma_start3A_403 = arith.constant 0 : i32
          %dma_start3A_404 = tpu.memref_slice %arg8[%dma_start3A_397, %dma_start3A_403] : memref<4x80xi32, #tpu.memory_space<vmem>> -> memref<1x80xi32, #tpu.memory_space<vmem>>
          %dma_start3A_405 = tpu.memref_squeeze %dma_start3A_404 : memref<1x80xi32, #tpu.memory_space<vmem>> -> memref<80xi32, #tpu.memory_space<vmem>>
          %dma_start3A_406 = arith.constant 0 : i32
          %dma_start3A_407 = arith.constant 0 : i32
          %dma_start3A_408 = tpu.memref_slice %arg2[%dma_start3A_406, %dma_start3A_407] : memref<10000x128xf32, #tpu.memory_space<hbm>> -> memref<10000x128xf32, #tpu.memory_space<hbm>>
          tpu.enqueue_indirect_dma source(%dma_start3A_408 : memref<10000x128xf32, #tpu.memory_space<hbm>>) target(%dma_start3A_402 : memref<80x128xf32, #tpu.memory_space<vmem>>) offsets(%dma_start3A_405 : memref<80xi32, #tpu.memory_space<vmem>>) semaphore(%arg22 : memref<!tpu.dma_semaphore, #tpu.memory_space<semaphore_mem>>)
        } else {
        }
        %add3A_221 = arith.constant 1 : i32
        %add3A_222 = arith.addi %mul3A_173, %add3A_221 : i32
        %dma_wait3A_223 = arith.constant 1 : i32
        %dma_wait3A_224 = arith.constant 1 : i32
        %dma_wait3A_225 = arith.constant 0 : i32
        %dma_wait3A_226 = arith.constant 0 : i32
        %dma_wait3A_227 = tpu.memref_slice %arg10[%dma_wait3A_224, %dma_wait3A_225, %dma_wait3A_226] : memref<4x80x128xf32, #tpu.memory_space<vmem>> -> memref<1x80x128xf32, #tpu.memory_space<vmem>>
        %dma_wait3A_228 = tpu.memref_squeeze %dma_wait3A_227 : memref<1x80x128xf32, #tpu.memory_space<vmem>> -> memref<80x128xf32, #tpu.memory_space<vmem>>
        %dma_wait3A_229 = arith.constant 0 : i32
        %dma_wait3A_230 = tpu.memref_slice %arg8[%dma_wait3A_223, %dma_wait3A_229] : memref<4x80xi32, #tpu.memory_space<vmem>> -> memref<1x80xi32, #tpu.memory_space<vmem>>
        %dma_wait3A_231 = tpu.memref_squeeze %dma_wait3A_230 : memref<1x80xi32, #tpu.memory_space<vmem>> -> memref<80xi32, #tpu.memory_space<vmem>>
        %dma_wait3A_232 = arith.constant 0 : i32
        %dma_wait3A_233 = arith.constant 0 : i32
        %dma_wait3A_234 = tpu.memref_slice %arg2[%dma_wait3A_232, %dma_wait3A_233] : memref<10000x128xf32, #tpu.memory_space<hbm>> -> memref<10000x128xf32, #tpu.memory_space<hbm>>
        tpu.wait_indirect_dma semaphore(%arg21 : memref<!tpu.dma_semaphore, #tpu.memory_space<semaphore_mem>>) src(%dma_wait3A_234 : memref<10000x128xf32, #tpu.memory_space<hbm>>) dst(%dma_wait3A_228 : memref<80x128xf32, #tpu.memory_space<vmem>>)
        %dma_start3A_235 = arith.constant 1 : i32
        %dma_start3A_236 = arith.constant 1 : i32
        %dma_start3A_237 = arith.constant 0 : i32
        %dma_start3A_238 = arith.constant 0 : i32
        %dma_start3A_239 = tpu.memref_slice %arg10[%dma_start3A_235, %dma_start3A_237, %dma_start3A_238] : memref<4x80x128xf32, #tpu.memory_space<vmem>> -> memref<1x80x128xf32, #tpu.memory_space<vmem>>
        %dma_start3A_240 = tpu.memref_squeeze %dma_start3A_239 : memref<1x80x128xf32, #tpu.memory_space<vmem>> -> memref<80x128xf32, #tpu.memory_space<vmem>>
        %dma_start3A_241 = arith.constant 0 : i32
        %dma_start3A_242 = tpu.memref_slice %arg9[%dma_start3A_236, %dma_start3A_241] : memref<4x80xi32, #tpu.memory_space<vmem>> -> memref<1x80xi32, #tpu.memory_space<vmem>>
        %dma_start3A_243 = tpu.memref_squeeze %dma_start3A_242 : memref<1x80xi32, #tpu.memory_space<vmem>> -> memref<80xi32, #tpu.memory_space<vmem>>
        %dma_start3A_244 = arith.constant 0 : i32
        %dma_start3A_245 = arith.constant 0 : i32
        %dma_start3A_246 = tpu.memref_slice %arg11[%dma_start3A_244, %dma_start3A_245] : memref<10240x128xf32, #tpu.memory_space<vmem_shared>> -> memref<10240x128xf32, #tpu.memory_space<vmem_shared>>
        tpu.enqueue_indirect_dma source(%dma_start3A_240 : memref<80x128xf32, #tpu.memory_space<vmem>>) target(%dma_start3A_246 : memref<10240x128xf32, #tpu.memory_space<vmem_shared>>) offsets(%dma_start3A_243 : memref<80xi32, #tpu.memory_space<vmem>>) semaphore(%arg25 : memref<!tpu.dma_semaphore, #tpu.memory_space<semaphore_mem>>) {add = true}
        %ge3A_247 = arith.constant 1 : i32
        %ge3A_248 = arith.cmpi sge, %add3A_222, %ge3A_247 : i32
        %convert_element_type3A_249 = arith.extui %ge3A_248 : i1 to i32
        %cond3A_250 = arith.constant 0 : i32
        %cond3A_251 = arith.cmpi ne, %convert_element_type3A_249, %cond3A_250 : i32
        scf.if %cond3A_251 {
          %dma_wait3A_368 = arith.constant 0 : i32
          %dma_wait3A_369 = arith.constant 0 : i32
          %dma_wait3A_370 = arith.constant 0 : i32
          %dma_wait3A_371 = arith.constant 0 : i32
          %dma_wait3A_372 = tpu.memref_slice %arg10[%dma_wait3A_368, %dma_wait3A_370, %dma_wait3A_371] : memref<4x80x128xf32, #tpu.memory_space<vmem>> -> memref<1x80x128xf32, #tpu.memory_space<vmem>>
          %dma_wait3A_373 = tpu.memref_squeeze %dma_wait3A_372 : memref<1x80x128xf32, #tpu.memory_space<vmem>> -> memref<80x128xf32, #tpu.memory_space<vmem>>
          %dma_wait3A_374 = arith.constant 0 : i32
          %dma_wait3A_375 = tpu.memref_slice %arg9[%dma_wait3A_369, %dma_wait3A_374] : memref<4x80xi32, #tpu.memory_space<vmem>> -> memref<1x80xi32, #tpu.memory_space<vmem>>
          %dma_wait3A_376 = tpu.memref_squeeze %dma_wait3A_375 : memref<1x80xi32, #tpu.memory_space<vmem>> -> memref<80xi32, #tpu.memory_space<vmem>>
          %dma_wait3A_377 = arith.constant 0 : i32
          %dma_wait3A_378 = arith.constant 0 : i32
          %dma_wait3A_379 = tpu.memref_slice %arg11[%dma_wait3A_377, %dma_wait3A_378] : memref<10240x128xf32, #tpu.memory_space<vmem_shared>> -> memref<10240x128xf32, #tpu.memory_space<vmem_shared>>
          tpu.wait_indirect_dma semaphore(%arg24 : memref<!tpu.dma_semaphore, #tpu.memory_space<semaphore_mem>>) src(%dma_wait3A_373 : memref<80x128xf32, #tpu.memory_space<vmem>>) dst(%dma_wait3A_379 : memref<10240x128xf32, #tpu.memory_space<vmem_shared>>)
        } else {
        }
        %add3A_252 = arith.constant 4 : i32
        %add3A_253 = arith.addi %add3A_222, %add3A_252 : i32
        %sub3A_254 = arith.constant 1 : i32
        %sub3A_255 = arith.subi %add3A_253, %sub3A_254 : i32
        %lt3A_256 = arith.constant 128 : i32
        %lt3A_257 = arith.cmpi slt, %sub3A_255, %lt3A_256 : i32
        %convert_element_type3A_258 = arith.extui %lt3A_257 : i1 to i32
        %cond3A_259 = arith.constant 0 : i32
        %cond3A_260 = arith.cmpi ne, %convert_element_type3A_258, %cond3A_259 : i32
        scf.if %cond3A_260 {
          %mul3A_368 = arith.constant 80 : i32
          %mul3A_369 = arith.muli %sub3A_255, %mul3A_368 : i32
          %add3A_370 = arith.addi %mul3A_9, %mul3A_369 : i32
          %dma_start3A_371 = arith.constant 0 : i32
          %dma_start3A_372 = arith.constant 0 : i32
          %dma_start3A_373 = tpu.memref_slice %arg8[%dma_start3A_371, %dma_start3A_372] : memref<4x80xi32, #tpu.memory_space<vmem>> -> memref<1x80xi32, #tpu.memory_space<vmem>>
          %dma_start3A_374 = tpu.memref_squeeze %dma_start3A_373 : memref<1x80xi32, #tpu.memory_space<vmem>> -> memref<80xi32, #tpu.memory_space<vmem>>
          %dma_start3A_375 = tpu.memref_slice %arg4[%add3A_370] : memref<163840xi32, #tpu.memory_space<hbm>> -> memref<80xi32, #tpu.memory_space<hbm>>
          %dma_start3A_376 = arith.constant 0 : i32
          %dma_start3A_377 = tpu.memref_slice %arg8[%dma_start3A_371, %dma_start3A_376] : memref<4x80xi32, #tpu.memory_space<vmem>> -> memref<1x80xi32, #tpu.memory_space<vmem>>
          %dma_start3A_378 = tpu.memref_squeeze %dma_start3A_377 : memref<1x80xi32, #tpu.memory_space<vmem>> -> memref<80xi32, #tpu.memory_space<vmem>>
          %dma_start3A_379 = tpu.memref_slice %arg4[%add3A_370] : memref<163840xi32, #tpu.memory_space<hbm>> -> memref<80xi32, #tpu.memory_space<hbm>>
          tpu.enqueue_dma source(%dma_start3A_379 : memref<80xi32, #tpu.memory_space<hbm>>) target(%dma_start3A_378 : memref<80xi32, #tpu.memory_space<vmem>>) target_semaphore(%arg12 : memref<!tpu.dma_semaphore, #tpu.memory_space<semaphore_mem>>)
          %dma_start3A_380 = arith.constant 0 : i32
          %dma_start3A_381 = arith.constant 0 : i32
          %dma_start3A_382 = tpu.memref_slice %arg9[%dma_start3A_380, %dma_start3A_381] : memref<4x80xi32, #tpu.memory_space<vmem>> -> memref<1x80xi32, #tpu.memory_space<vmem>>
          %dma_start3A_383 = tpu.memref_squeeze %dma_start3A_382 : memref<1x80xi32, #tpu.memory_space<vmem>> -> memref<80xi32, #tpu.memory_space<vmem>>
          %dma_start3A_384 = tpu.memref_slice %arg5[%add3A_370] : memref<163840xi32, #tpu.memory_space<hbm>> -> memref<80xi32, #tpu.memory_space<hbm>>
          %dma_start3A_385 = arith.constant 0 : i32
          %dma_start3A_386 = tpu.memref_slice %arg9[%dma_start3A_380, %dma_start3A_385] : memref<4x80xi32, #tpu.memory_space<vmem>> -> memref<1x80xi32, #tpu.memory_space<vmem>>
          %dma_start3A_387 = tpu.memref_squeeze %dma_start3A_386 : memref<1x80xi32, #tpu.memory_space<vmem>> -> memref<80xi32, #tpu.memory_space<vmem>>
          %dma_start3A_388 = tpu.memref_slice %arg5[%add3A_370] : memref<163840xi32, #tpu.memory_space<hbm>> -> memref<80xi32, #tpu.memory_space<hbm>>
          tpu.enqueue_dma source(%dma_start3A_388 : memref<80xi32, #tpu.memory_space<hbm>>) target(%dma_start3A_387 : memref<80xi32, #tpu.memory_space<vmem>>) target_semaphore(%arg16 : memref<!tpu.dma_semaphore, #tpu.memory_space<semaphore_mem>>)
        } else {
        }
        %add3A_261 = arith.constant 4 : i32
        %add3A_262 = arith.addi %add3A_222, %add3A_261 : i32
        %sub3A_263 = arith.constant 2 : i32
        %sub3A_264 = arith.subi %add3A_262, %sub3A_263 : i32
        %lt3A_265 = arith.constant 128 : i32
        %lt3A_266 = arith.cmpi slt, %sub3A_264, %lt3A_265 : i32
        %convert_element_type3A_267 = arith.extui %lt3A_266 : i1 to i32
        %cond3A_268 = arith.constant 0 : i32
        %cond3A_269 = arith.cmpi ne, %convert_element_type3A_267, %cond3A_268 : i32
        scf.if %cond3A_269 {
          %add3A_368 = arith.constant 4 : i32
          %add3A_369 = arith.addi %add3A_222, %add3A_368 : i32
          %sub3A_370 = arith.constant 2 : i32
          %sub3A_371 = arith.subi %add3A_369, %sub3A_370 : i32
          %mul3A_372 = arith.constant 80 : i32
          %mul3A_373 = arith.muli %sub3A_371, %mul3A_372 : i32
          %add3A_374 = arith.addi %mul3A_9, %mul3A_373 : i32
          %dma_wait3A_375 = arith.constant 3 : i32
          %dma_wait3A_376 = arith.constant 0 : i32
          %dma_wait3A_377 = tpu.memref_slice %arg8[%dma_wait3A_375, %dma_wait3A_376] : memref<4x80xi32, #tpu.memory_space<vmem>> -> memref<1x80xi32, #tpu.memory_space<vmem>>
          %dma_wait3A_378 = tpu.memref_squeeze %dma_wait3A_377 : memref<1x80xi32, #tpu.memory_space<vmem>> -> memref<80xi32, #tpu.memory_space<vmem>>
          %dma_wait3A_379 = tpu.memref_slice %arg4[%add3A_374] : memref<163840xi32, #tpu.memory_space<hbm>> -> memref<80xi32, #tpu.memory_space<hbm>>
          %dma_wait3A_380 = arith.constant 0 : i32
          %dma_wait3A_381 = tpu.memref_slice %arg8[%dma_wait3A_375, %dma_wait3A_380] : memref<4x80xi32, #tpu.memory_space<vmem>> -> memref<1x80xi32, #tpu.memory_space<vmem>>
          %dma_wait3A_382 = tpu.memref_squeeze %dma_wait3A_381 : memref<1x80xi32, #tpu.memory_space<vmem>> -> memref<80xi32, #tpu.memory_space<vmem>>
          %dma_wait3A_383 = tpu.memref_slice %arg4[%add3A_374] : memref<163840xi32, #tpu.memory_space<hbm>> -> memref<80xi32, #tpu.memory_space<hbm>>
          tpu.wait_dma2 semaphore(%arg15 : memref<!tpu.dma_semaphore, #tpu.memory_space<semaphore_mem>>) src(%dma_wait3A_383 : memref<80xi32, #tpu.memory_space<hbm>>) dst(%dma_wait3A_382 : memref<80xi32, #tpu.memory_space<vmem>>)
          %dma_wait3A_384 = arith.constant 3 : i32
          %dma_wait3A_385 = arith.constant 0 : i32
          %dma_wait3A_386 = tpu.memref_slice %arg9[%dma_wait3A_384, %dma_wait3A_385] : memref<4x80xi32, #tpu.memory_space<vmem>> -> memref<1x80xi32, #tpu.memory_space<vmem>>
          %dma_wait3A_387 = tpu.memref_squeeze %dma_wait3A_386 : memref<1x80xi32, #tpu.memory_space<vmem>> -> memref<80xi32, #tpu.memory_space<vmem>>
          %dma_wait3A_388 = tpu.memref_slice %arg5[%add3A_374] : memref<163840xi32, #tpu.memory_space<hbm>> -> memref<80xi32, #tpu.memory_space<hbm>>
          %dma_wait3A_389 = arith.constant 0 : i32
          %dma_wait3A_390 = tpu.memref_slice %arg9[%dma_wait3A_384, %dma_wait3A_389] : memref<4x80xi32, #tpu.memory_space<vmem>> -> memref<1x80xi32, #tpu.memory_space<vmem>>
          %dma_wait3A_391 = tpu.memref_squeeze %dma_wait3A_390 : memref<1x80xi32, #tpu.memory_space<vmem>> -> memref<80xi32, #tpu.memory_space<vmem>>
          %dma_wait3A_392 = tpu.memref_slice %arg5[%add3A_374] : memref<163840xi32, #tpu.memory_space<hbm>> -> memref<80xi32, #tpu.memory_space<hbm>>
          tpu.wait_dma2 semaphore(%arg19 : memref<!tpu.dma_semaphore, #tpu.memory_space<semaphore_mem>>) src(%dma_wait3A_392 : memref<80xi32, #tpu.memory_space<hbm>>) dst(%dma_wait3A_391 : memref<80xi32, #tpu.memory_space<vmem>>)
          %add3A_393 = arith.constant 4 : i32
          %add3A_394 = arith.addi %add3A_222, %add3A_393 : i32
          %sub3A_395 = arith.constant 2 : i32
          %sub3A_396 = arith.subi %add3A_394, %sub3A_395 : i32
          %dma_start3A_397 = arith.constant 3 : i32
          %dma_start3A_398 = arith.constant 3 : i32
          %dma_start3A_399 = arith.constant 0 : i32
          %dma_start3A_400 = arith.constant 0 : i32
          %dma_start3A_401 = tpu.memref_slice %arg10[%dma_start3A_398, %dma_start3A_399, %dma_start3A_400] : memref<4x80x128xf32, #tpu.memory_space<vmem>> -> memref<1x80x128xf32, #tpu.memory_space<vmem>>
          %dma_start3A_402 = tpu.memref_squeeze %dma_start3A_401 : memref<1x80x128xf32, #tpu.memory_space<vmem>> -> memref<80x128xf32, #tpu.memory_space<vmem>>
          %dma_start3A_403 = arith.constant 0 : i32
          %dma_start3A_404 = tpu.memref_slice %arg8[%dma_start3A_397, %dma_start3A_403] : memref<4x80xi32, #tpu.memory_space<vmem>> -> memref<1x80xi32, #tpu.memory_space<vmem>>
          %dma_start3A_405 = tpu.memref_squeeze %dma_start3A_404 : memref<1x80xi32, #tpu.memory_space<vmem>> -> memref<80xi32, #tpu.memory_space<vmem>>
          %dma_start3A_406 = arith.constant 0 : i32
          %dma_start3A_407 = arith.constant 0 : i32
          %dma_start3A_408 = tpu.memref_slice %arg2[%dma_start3A_406, %dma_start3A_407] : memref<10000x128xf32, #tpu.memory_space<hbm>> -> memref<10000x128xf32, #tpu.memory_space<hbm>>
          tpu.enqueue_indirect_dma source(%dma_start3A_408 : memref<10000x128xf32, #tpu.memory_space<hbm>>) target(%dma_start3A_402 : memref<80x128xf32, #tpu.memory_space<vmem>>) offsets(%dma_start3A_405 : memref<80xi32, #tpu.memory_space<vmem>>) semaphore(%arg23 : memref<!tpu.dma_semaphore, #tpu.memory_space<semaphore_mem>>)
        } else {
        }
        %add3A_270 = arith.constant 2 : i32
        %add3A_271 = arith.addi %mul3A_173, %add3A_270 : i32
        %dma_wait3A_272 = arith.constant 2 : i32
        %dma_wait3A_273 = arith.constant 2 : i32
        %dma_wait3A_274 = arith.constant 0 : i32
        %dma_wait3A_275 = arith.constant 0 : i32
        %dma_wait3A_276 = tpu.memref_slice %arg10[%dma_wait3A_273, %dma_wait3A_274, %dma_wait3A_275] : memref<4x80x128xf32, #tpu.memory_space<vmem>> -> memref<1x80x128xf32, #tpu.memory_space<vmem>>
        %dma_wait3A_277 = tpu.memref_squeeze %dma_wait3A_276 : memref<1x80x128xf32, #tpu.memory_space<vmem>> -> memref<80x128xf32, #tpu.memory_space<vmem>>
        %dma_wait3A_278 = arith.constant 0 : i32
        %dma_wait3A_279 = tpu.memref_slice %arg8[%dma_wait3A_272, %dma_wait3A_278] : memref<4x80xi32, #tpu.memory_space<vmem>> -> memref<1x80xi32, #tpu.memory_space<vmem>>
        %dma_wait3A_280 = tpu.memref_squeeze %dma_wait3A_279 : memref<1x80xi32, #tpu.memory_space<vmem>> -> memref<80xi32, #tpu.memory_space<vmem>>
        %dma_wait3A_281 = arith.constant 0 : i32
        %dma_wait3A_282 = arith.constant 0 : i32
        %dma_wait3A_283 = tpu.memref_slice %arg2[%dma_wait3A_281, %dma_wait3A_282] : memref<10000x128xf32, #tpu.memory_space<hbm>> -> memref<10000x128xf32, #tpu.memory_space<hbm>>
        tpu.wait_indirect_dma semaphore(%arg22 : memref<!tpu.dma_semaphore, #tpu.memory_space<semaphore_mem>>) src(%dma_wait3A_283 : memref<10000x128xf32, #tpu.memory_space<hbm>>) dst(%dma_wait3A_277 : memref<80x128xf32, #tpu.memory_space<vmem>>)
        %dma_start3A_284 = arith.constant 2 : i32
        %dma_start3A_285 = arith.constant 2 : i32
        %dma_start3A_286 = arith.constant 0 : i32
        %dma_start3A_287 = arith.constant 0 : i32
        %dma_start3A_288 = tpu.memref_slice %arg10[%dma_start3A_284, %dma_start3A_286, %dma_start3A_287] : memref<4x80x128xf32, #tpu.memory_space<vmem>> -> memref<1x80x128xf32, #tpu.memory_space<vmem>>
        %dma_start3A_289 = tpu.memref_squeeze %dma_start3A_288 : memref<1x80x128xf32, #tpu.memory_space<vmem>> -> memref<80x128xf32, #tpu.memory_space<vmem>>
        %dma_start3A_290 = arith.constant 0 : i32
        %dma_start3A_291 = tpu.memref_slice %arg9[%dma_start3A_285, %dma_start3A_290] : memref<4x80xi32, #tpu.memory_space<vmem>> -> memref<1x80xi32, #tpu.memory_space<vmem>>
        %dma_start3A_292 = tpu.memref_squeeze %dma_start3A_291 : memref<1x80xi32, #tpu.memory_space<vmem>> -> memref<80xi32, #tpu.memory_space<vmem>>
        %dma_start3A_293 = arith.constant 0 : i32
        %dma_start3A_294 = arith.constant 0 : i32
        %dma_start3A_295 = tpu.memref_slice %arg11[%dma_start3A_293, %dma_start3A_294] : memref<10240x128xf32, #tpu.memory_space<vmem_shared>> -> memref<10240x128xf32, #tpu.memory_space<vmem_shared>>
        tpu.enqueue_indirect_dma source(%dma_start3A_289 : memref<80x128xf32, #tpu.memory_space<vmem>>) target(%dma_start3A_295 : memref<10240x128xf32, #tpu.memory_space<vmem_shared>>) offsets(%dma_start3A_292 : memref<80xi32, #tpu.memory_space<vmem>>) semaphore(%arg26 : memref<!tpu.dma_semaphore, #tpu.memory_space<semaphore_mem>>) {add = true}
        %ge3A_296 = arith.constant 1 : i32
        %ge3A_297 = arith.cmpi sge, %add3A_271, %ge3A_296 : i32
        %convert_element_type3A_298 = arith.extui %ge3A_297 : i1 to i32
        %cond3A_299 = arith.constant 0 : i32
        %cond3A_300 = arith.cmpi ne, %convert_element_type3A_298, %cond3A_299 : i32
        scf.if %cond3A_300 {
          %dma_wait3A_368 = arith.constant 1 : i32
          %dma_wait3A_369 = arith.constant 0 : i32
          %dma_wait3A_370 = arith.constant 0 : i32
          %dma_wait3A_371 = arith.constant 0 : i32
          %dma_wait3A_372 = tpu.memref_slice %arg10[%dma_wait3A_368, %dma_wait3A_370, %dma_wait3A_371] : memref<4x80x128xf32, #tpu.memory_space<vmem>> -> memref<1x80x128xf32, #tpu.memory_space<vmem>>
          %dma_wait3A_373 = tpu.memref_squeeze %dma_wait3A_372 : memref<1x80x128xf32, #tpu.memory_space<vmem>> -> memref<80x128xf32, #tpu.memory_space<vmem>>
          %dma_wait3A_374 = arith.constant 0 : i32
          %dma_wait3A_375 = tpu.memref_slice %arg9[%dma_wait3A_369, %dma_wait3A_374] : memref<4x80xi32, #tpu.memory_space<vmem>> -> memref<1x80xi32, #tpu.memory_space<vmem>>
          %dma_wait3A_376 = tpu.memref_squeeze %dma_wait3A_375 : memref<1x80xi32, #tpu.memory_space<vmem>> -> memref<80xi32, #tpu.memory_space<vmem>>
          %dma_wait3A_377 = arith.constant 0 : i32
          %dma_wait3A_378 = arith.constant 0 : i32
          %dma_wait3A_379 = tpu.memref_slice %arg11[%dma_wait3A_377, %dma_wait3A_378] : memref<10240x128xf32, #tpu.memory_space<vmem_shared>> -> memref<10240x128xf32, #tpu.memory_space<vmem_shared>>
          tpu.wait_indirect_dma semaphore(%arg25 : memref<!tpu.dma_semaphore, #tpu.memory_space<semaphore_mem>>) src(%dma_wait3A_373 : memref<80x128xf32, #tpu.memory_space<vmem>>) dst(%dma_wait3A_379 : memref<10240x128xf32, #tpu.memory_space<vmem_shared>>)
        } else {
        }
        %add3A_301 = arith.constant 4 : i32
        %add3A_302 = arith.addi %add3A_271, %add3A_301 : i32
        %sub3A_303 = arith.constant 1 : i32
        %sub3A_304 = arith.subi %add3A_302, %sub3A_303 : i32
        %lt3A_305 = arith.constant 128 : i32
        %lt3A_306 = arith.cmpi slt, %sub3A_304, %lt3A_305 : i32
        %convert_element_type3A_307 = arith.extui %lt3A_306 : i1 to i32
        %cond3A_308 = arith.constant 0 : i32
        %cond3A_309 = arith.cmpi ne, %convert_element_type3A_307, %cond3A_308 : i32
        scf.if %cond3A_309 {
          %mul3A_368 = arith.constant 80 : i32
          %mul3A_369 = arith.muli %sub3A_304, %mul3A_368 : i32
          %add3A_370 = arith.addi %mul3A_9, %mul3A_369 : i32
          %dma_start3A_371 = arith.constant 1 : i32
          %dma_start3A_372 = arith.constant 0 : i32
          %dma_start3A_373 = tpu.memref_slice %arg8[%dma_start3A_371, %dma_start3A_372] : memref<4x80xi32, #tpu.memory_space<vmem>> -> memref<1x80xi32, #tpu.memory_space<vmem>>
          %dma_start3A_374 = tpu.memref_squeeze %dma_start3A_373 : memref<1x80xi32, #tpu.memory_space<vmem>> -> memref<80xi32, #tpu.memory_space<vmem>>
          %dma_start3A_375 = tpu.memref_slice %arg4[%add3A_370] : memref<163840xi32, #tpu.memory_space<hbm>> -> memref<80xi32, #tpu.memory_space<hbm>>
          %dma_start3A_376 = arith.constant 0 : i32
          %dma_start3A_377 = tpu.memref_slice %arg8[%dma_start3A_371, %dma_start3A_376] : memref<4x80xi32, #tpu.memory_space<vmem>> -> memref<1x80xi32, #tpu.memory_space<vmem>>
          %dma_start3A_378 = tpu.memref_squeeze %dma_start3A_377 : memref<1x80xi32, #tpu.memory_space<vmem>> -> memref<80xi32, #tpu.memory_space<vmem>>
          %dma_start3A_379 = tpu.memref_slice %arg4[%add3A_370] : memref<163840xi32, #tpu.memory_space<hbm>> -> memref<80xi32, #tpu.memory_space<hbm>>
          tpu.enqueue_dma source(%dma_start3A_379 : memref<80xi32, #tpu.memory_space<hbm>>) target(%dma_start3A_378 : memref<80xi32, #tpu.memory_space<vmem>>) target_semaphore(%arg13 : memref<!tpu.dma_semaphore, #tpu.memory_space<semaphore_mem>>)
          %dma_start3A_380 = arith.constant 1 : i32
          %dma_start3A_381 = arith.constant 0 : i32
          %dma_start3A_382 = tpu.memref_slice %arg9[%dma_start3A_380, %dma_start3A_381] : memref<4x80xi32, #tpu.memory_space<vmem>> -> memref<1x80xi32, #tpu.memory_space<vmem>>
          %dma_start3A_383 = tpu.memref_squeeze %dma_start3A_382 : memref<1x80xi32, #tpu.memory_space<vmem>> -> memref<80xi32, #tpu.memory_space<vmem>>
          %dma_start3A_384 = tpu.memref_slice %arg5[%add3A_370] : memref<163840xi32, #tpu.memory_space<hbm>> -> memref<80xi32, #tpu.memory_space<hbm>>
          %dma_start3A_385 = arith.constant 0 : i32
          %dma_start3A_386 = tpu.memref_slice %arg9[%dma_start3A_380, %dma_start3A_385] : memref<4x80xi32, #tpu.memory_space<vmem>> -> memref<1x80xi32, #tpu.memory_space<vmem>>
          %dma_start3A_387 = tpu.memref_squeeze %dma_start3A_386 : memref<1x80xi32, #tpu.memory_space<vmem>> -> memref<80xi32, #tpu.memory_space<vmem>>
          %dma_start3A_388 = tpu.memref_slice %arg5[%add3A_370] : memref<163840xi32, #tpu.memory_space<hbm>> -> memref<80xi32, #tpu.memory_space<hbm>>
          tpu.enqueue_dma source(%dma_start3A_388 : memref<80xi32, #tpu.memory_space<hbm>>) target(%dma_start3A_387 : memref<80xi32, #tpu.memory_space<vmem>>) target_semaphore(%arg17 : memref<!tpu.dma_semaphore, #tpu.memory_space<semaphore_mem>>)
        } else {
        }
        %add3A_310 = arith.constant 4 : i32
        %add3A_311 = arith.addi %add3A_271, %add3A_310 : i32
        %sub3A_312 = arith.constant 2 : i32
        %sub3A_313 = arith.subi %add3A_311, %sub3A_312 : i32
        %lt3A_314 = arith.constant 128 : i32
        %lt3A_315 = arith.cmpi slt, %sub3A_313, %lt3A_314 : i32
        %convert_element_type3A_316 = arith.extui %lt3A_315 : i1 to i32
        %cond3A_317 = arith.constant 0 : i32
        %cond3A_318 = arith.cmpi ne, %convert_element_type3A_316, %cond3A_317 : i32
        scf.if %cond3A_318 {
          %add3A_368 = arith.constant 4 : i32
          %add3A_369 = arith.addi %add3A_271, %add3A_368 : i32
          %sub3A_370 = arith.constant 2 : i32
          %sub3A_371 = arith.subi %add3A_369, %sub3A_370 : i32
          %mul3A_372 = arith.constant 80 : i32
          %mul3A_373 = arith.muli %sub3A_371, %mul3A_372 : i32
          %add3A_374 = arith.addi %mul3A_9, %mul3A_373 : i32
          %dma_wait3A_375 = arith.constant 0 : i32
          %dma_wait3A_376 = arith.constant 0 : i32
          %dma_wait3A_377 = tpu.memref_slice %arg8[%dma_wait3A_375, %dma_wait3A_376] : memref<4x80xi32, #tpu.memory_space<vmem>> -> memref<1x80xi32, #tpu.memory_space<vmem>>
          %dma_wait3A_378 = tpu.memref_squeeze %dma_wait3A_377 : memref<1x80xi32, #tpu.memory_space<vmem>> -> memref<80xi32, #tpu.memory_space<vmem>>
          %dma_wait3A_379 = tpu.memref_slice %arg4[%add3A_374] : memref<163840xi32, #tpu.memory_space<hbm>> -> memref<80xi32, #tpu.memory_space<hbm>>
          %dma_wait3A_380 = arith.constant 0 : i32
          %dma_wait3A_381 = tpu.memref_slice %arg8[%dma_wait3A_375, %dma_wait3A_380] : memref<4x80xi32, #tpu.memory_space<vmem>> -> memref<1x80xi32, #tpu.memory_space<vmem>>
          %dma_wait3A_382 = tpu.memref_squeeze %dma_wait3A_381 : memref<1x80xi32, #tpu.memory_space<vmem>> -> memref<80xi32, #tpu.memory_space<vmem>>
          %dma_wait3A_383 = tpu.memref_slice %arg4[%add3A_374] : memref<163840xi32, #tpu.memory_space<hbm>> -> memref<80xi32, #tpu.memory_space<hbm>>
          tpu.wait_dma2 semaphore(%arg12 : memref<!tpu.dma_semaphore, #tpu.memory_space<semaphore_mem>>) src(%dma_wait3A_383 : memref<80xi32, #tpu.memory_space<hbm>>) dst(%dma_wait3A_382 : memref<80xi32, #tpu.memory_space<vmem>>)
          %dma_wait3A_384 = arith.constant 0 : i32
          %dma_wait3A_385 = arith.constant 0 : i32
          %dma_wait3A_386 = tpu.memref_slice %arg9[%dma_wait3A_384, %dma_wait3A_385] : memref<4x80xi32, #tpu.memory_space<vmem>> -> memref<1x80xi32, #tpu.memory_space<vmem>>
          %dma_wait3A_387 = tpu.memref_squeeze %dma_wait3A_386 : memref<1x80xi32, #tpu.memory_space<vmem>> -> memref<80xi32, #tpu.memory_space<vmem>>
          %dma_wait3A_388 = tpu.memref_slice %arg5[%add3A_374] : memref<163840xi32, #tpu.memory_space<hbm>> -> memref<80xi32, #tpu.memory_space<hbm>>
          %dma_wait3A_389 = arith.constant 0 : i32
          %dma_wait3A_390 = tpu.memref_slice %arg9[%dma_wait3A_384, %dma_wait3A_389] : memref<4x80xi32, #tpu.memory_space<vmem>> -> memref<1x80xi32, #tpu.memory_space<vmem>>
          %dma_wait3A_391 = tpu.memref_squeeze %dma_wait3A_390 : memref<1x80xi32, #tpu.memory_space<vmem>> -> memref<80xi32, #tpu.memory_space<vmem>>
          %dma_wait3A_392 = tpu.memref_slice %arg5[%add3A_374] : memref<163840xi32, #tpu.memory_space<hbm>> -> memref<80xi32, #tpu.memory_space<hbm>>
          tpu.wait_dma2 semaphore(%arg16 : memref<!tpu.dma_semaphore, #tpu.memory_space<semaphore_mem>>) src(%dma_wait3A_392 : memref<80xi32, #tpu.memory_space<hbm>>) dst(%dma_wait3A_391 : memref<80xi32, #tpu.memory_space<vmem>>)
          %add3A_393 = arith.constant 4 : i32
          %add3A_394 = arith.addi %add3A_271, %add3A_393 : i32
          %sub3A_395 = arith.constant 2 : i32
          %sub3A_396 = arith.subi %add3A_394, %sub3A_395 : i32
          %dma_start3A_397 = arith.constant 0 : i32
          %dma_start3A_398 = arith.constant 0 : i32
          %dma_start3A_399 = arith.constant 0 : i32
          %dma_start3A_400 = arith.constant 0 : i32
          %dma_start3A_401 = tpu.memref_slice %arg10[%dma_start3A_398, %dma_start3A_399, %dma_start3A_400] : memref<4x80x128xf32, #tpu.memory_space<vmem>> -> memref<1x80x128xf32, #tpu.memory_space<vmem>>
          %dma_start3A_402 = tpu.memref_squeeze %dma_start3A_401 : memref<1x80x128xf32, #tpu.memory_space<vmem>> -> memref<80x128xf32, #tpu.memory_space<vmem>>
          %dma_start3A_403 = arith.constant 0 : i32
          %dma_start3A_404 = tpu.memref_slice %arg8[%dma_start3A_397, %dma_start3A_403] : memref<4x80xi32, #tpu.memory_space<vmem>> -> memref<1x80xi32, #tpu.memory_space<vmem>>
          %dma_start3A_405 = tpu.memref_squeeze %dma_start3A_404 : memref<1x80xi32, #tpu.memory_space<vmem>> -> memref<80xi32, #tpu.memory_space<vmem>>
          %dma_start3A_406 = arith.constant 0 : i32
          %dma_start3A_407 = arith.constant 0 : i32
          %dma_start3A_408 = tpu.memref_slice %arg2[%dma_start3A_406, %dma_start3A_407] : memref<10000x128xf32, #tpu.memory_space<hbm>> -> memref<10000x128xf32, #tpu.memory_space<hbm>>
          tpu.enqueue_indirect_dma source(%dma_start3A_408 : memref<10000x128xf32, #tpu.memory_space<hbm>>) target(%dma_start3A_402 : memref<80x128xf32, #tpu.memory_space<vmem>>) offsets(%dma_start3A_405 : memref<80xi32, #tpu.memory_space<vmem>>) semaphore(%arg20 : memref<!tpu.dma_semaphore, #tpu.memory_space<semaphore_mem>>)
        } else {
        }
        %add3A_319 = arith.constant 3 : i32
        %add3A_320 = arith.addi %mul3A_173, %add3A_319 : i32
        %dma_wait3A_321 = arith.constant 3 : i32
        %dma_wait3A_322 = arith.constant 3 : i32
        %dma_wait3A_323 = arith.constant 0 : i32
        %dma_wait3A_324 = arith.constant 0 : i32
        %dma_wait3A_325 = tpu.memref_slice %arg10[%dma_wait3A_322, %dma_wait3A_323, %dma_wait3A_324] : memref<4x80x128xf32, #tpu.memory_space<vmem>> -> memref<1x80x128xf32, #tpu.memory_space<vmem>>
        %dma_wait3A_326 = tpu.memref_squeeze %dma_wait3A_325 : memref<1x80x128xf32, #tpu.memory_space<vmem>> -> memref<80x128xf32, #tpu.memory_space<vmem>>
        %dma_wait3A_327 = arith.constant 0 : i32
        %dma_wait3A_328 = tpu.memref_slice %arg8[%dma_wait3A_321, %dma_wait3A_327] : memref<4x80xi32, #tpu.memory_space<vmem>> -> memref<1x80xi32, #tpu.memory_space<vmem>>
        %dma_wait3A_329 = tpu.memref_squeeze %dma_wait3A_328 : memref<1x80xi32, #tpu.memory_space<vmem>> -> memref<80xi32, #tpu.memory_space<vmem>>
        %dma_wait3A_330 = arith.constant 0 : i32
        %dma_wait3A_331 = arith.constant 0 : i32
        %dma_wait3A_332 = tpu.memref_slice %arg2[%dma_wait3A_330, %dma_wait3A_331] : memref<10000x128xf32, #tpu.memory_space<hbm>> -> memref<10000x128xf32, #tpu.memory_space<hbm>>
        tpu.wait_indirect_dma semaphore(%arg23 : memref<!tpu.dma_semaphore, #tpu.memory_space<semaphore_mem>>) src(%dma_wait3A_332 : memref<10000x128xf32, #tpu.memory_space<hbm>>) dst(%dma_wait3A_326 : memref<80x128xf32, #tpu.memory_space<vmem>>)
        %dma_start3A_333 = arith.constant 3 : i32
        %dma_start3A_334 = arith.constant 3 : i32
        %dma_start3A_335 = arith.constant 0 : i32
        %dma_start3A_336 = arith.constant 0 : i32
        %dma_start3A_337 = tpu.memref_slice %arg10[%dma_start3A_333, %dma_start3A_335, %dma_start3A_336] : memref<4x80x128xf32, #tpu.memory_space<vmem>> -> memref<1x80x128xf32, #tpu.memory_space<vmem>>
        %dma_start3A_338 = tpu.memref_squeeze %dma_start3A_337 : memref<1x80x128xf32, #tpu.memory_space<vmem>> -> memref<80x128xf32, #tpu.memory_space<vmem>>
        %dma_start3A_339 = arith.constant 0 : i32
        %dma_start3A_340 = tpu.memref_slice %arg9[%dma_start3A_334, %dma_start3A_339] : memref<4x80xi32, #tpu.memory_space<vmem>> -> memref<1x80xi32, #tpu.memory_space<vmem>>
        %dma_start3A_341 = tpu.memref_squeeze %dma_start3A_340 : memref<1x80xi32, #tpu.memory_space<vmem>> -> memref<80xi32, #tpu.memory_space<vmem>>
        %dma_start3A_342 = arith.constant 0 : i32
        %dma_start3A_343 = arith.constant 0 : i32
        %dma_start3A_344 = tpu.memref_slice %arg11[%dma_start3A_342, %dma_start3A_343] : memref<10240x128xf32, #tpu.memory_space<vmem_shared>> -> memref<10240x128xf32, #tpu.memory_space<vmem_shared>>
        tpu.enqueue_indirect_dma source(%dma_start3A_338 : memref<80x128xf32, #tpu.memory_space<vmem>>) target(%dma_start3A_344 : memref<10240x128xf32, #tpu.memory_space<vmem_shared>>) offsets(%dma_start3A_341 : memref<80xi32, #tpu.memory_space<vmem>>) semaphore(%arg27 : memref<!tpu.dma_semaphore, #tpu.memory_space<semaphore_mem>>) {add = true}
        %ge3A_345 = arith.constant 1 : i32
        %ge3A_346 = arith.cmpi sge, %add3A_320, %ge3A_345 : i32
        %convert_element_type3A_347 = arith.extui %ge3A_346 : i1 to i32
        %cond3A_348 = arith.constant 0 : i32
        %cond3A_349 = arith.cmpi ne, %convert_element_type3A_347, %cond3A_348 : i32
        scf.if %cond3A_349 {
          %dma_wait3A_368 = arith.constant 2 : i32
          %dma_wait3A_369 = arith.constant 0 : i32
          %dma_wait3A_370 = arith.constant 0 : i32
          %dma_wait3A_371 = arith.constant 0 : i32
          %dma_wait3A_372 = tpu.memref_slice %arg10[%dma_wait3A_368, %dma_wait3A_370, %dma_wait3A_371] : memref<4x80x128xf32, #tpu.memory_space<vmem>> -> memref<1x80x128xf32, #tpu.memory_space<vmem>>
          %dma_wait3A_373 = tpu.memref_squeeze %dma_wait3A_372 : memref<1x80x128xf32, #tpu.memory_space<vmem>> -> memref<80x128xf32, #tpu.memory_space<vmem>>
          %dma_wait3A_374 = arith.constant 0 : i32
          %dma_wait3A_375 = tpu.memref_slice %arg9[%dma_wait3A_369, %dma_wait3A_374] : memref<4x80xi32, #tpu.memory_space<vmem>> -> memref<1x80xi32, #tpu.memory_space<vmem>>
          %dma_wait3A_376 = tpu.memref_squeeze %dma_wait3A_375 : memref<1x80xi32, #tpu.memory_space<vmem>> -> memref<80xi32, #tpu.memory_space<vmem>>
          %dma_wait3A_377 = arith.constant 0 : i32
          %dma_wait3A_378 = arith.constant 0 : i32
          %dma_wait3A_379 = tpu.memref_slice %arg11[%dma_wait3A_377, %dma_wait3A_378] : memref<10240x128xf32, #tpu.memory_space<vmem_shared>> -> memref<10240x128xf32, #tpu.memory_space<vmem_shared>>
          tpu.wait_indirect_dma semaphore(%arg26 : memref<!tpu.dma_semaphore, #tpu.memory_space<semaphore_mem>>) src(%dma_wait3A_373 : memref<80x128xf32, #tpu.memory_space<vmem>>) dst(%dma_wait3A_379 : memref<10240x128xf32, #tpu.memory_space<vmem_shared>>)
        } else {
        }
        %add3A_350 = arith.constant 4 : i32
        %add3A_351 = arith.addi %add3A_320, %add3A_350 : i32
        %sub3A_352 = arith.constant 1 : i32
        %sub3A_353 = arith.subi %add3A_351, %sub3A_352 : i32
        %lt3A_354 = arith.constant 128 : i32
        %lt3A_355 = arith.cmpi slt, %sub3A_353, %lt3A_354 : i32
        %convert_element_type3A_356 = arith.extui %lt3A_355 : i1 to i32
        %cond3A_357 = arith.constant 0 : i32
        %cond3A_358 = arith.cmpi ne, %convert_element_type3A_356, %cond3A_357 : i32
        scf.if %cond3A_358 {
          %mul3A_368 = arith.constant 80 : i32
          %mul3A_369 = arith.muli %sub3A_353, %mul3A_368 : i32
          %add3A_370 = arith.addi %mul3A_9, %mul3A_369 : i32
          %dma_start3A_371 = arith.constant 2 : i32
          %dma_start3A_372 = arith.constant 0 : i32
          %dma_start3A_373 = tpu.memref_slice %arg8[%dma_start3A_371, %dma_start3A_372] : memref<4x80xi32, #tpu.memory_space<vmem>> -> memref<1x80xi32, #tpu.memory_space<vmem>>
          %dma_start3A_374 = tpu.memref_squeeze %dma_start3A_373 : memref<1x80xi32, #tpu.memory_space<vmem>> -> memref<80xi32, #tpu.memory_space<vmem>>
          %dma_start3A_375 = tpu.memref_slice %arg4[%add3A_370] : memref<163840xi32, #tpu.memory_space<hbm>> -> memref<80xi32, #tpu.memory_space<hbm>>
          %dma_start3A_376 = arith.constant 0 : i32
          %dma_start3A_377 = tpu.memref_slice %arg8[%dma_start3A_371, %dma_start3A_376] : memref<4x80xi32, #tpu.memory_space<vmem>> -> memref<1x80xi32, #tpu.memory_space<vmem>>
          %dma_start3A_378 = tpu.memref_squeeze %dma_start3A_377 : memref<1x80xi32, #tpu.memory_space<vmem>> -> memref<80xi32, #tpu.memory_space<vmem>>
          %dma_start3A_379 = tpu.memref_slice %arg4[%add3A_370] : memref<163840xi32, #tpu.memory_space<hbm>> -> memref<80xi32, #tpu.memory_space<hbm>>
          tpu.enqueue_dma source(%dma_start3A_379 : memref<80xi32, #tpu.memory_space<hbm>>) target(%dma_start3A_378 : memref<80xi32, #tpu.memory_space<vmem>>) target_semaphore(%arg14 : memref<!tpu.dma_semaphore, #tpu.memory_space<semaphore_mem>>)
          %dma_start3A_380 = arith.constant 2 : i32
          %dma_start3A_381 = arith.constant 0 : i32
          %dma_start3A_382 = tpu.memref_slice %arg9[%dma_start3A_380, %dma_start3A_381] : memref<4x80xi32, #tpu.memory_space<vmem>> -> memref<1x80xi32, #tpu.memory_space<vmem>>
          %dma_start3A_383 = tpu.memref_squeeze %dma_start3A_382 : memref<1x80xi32, #tpu.memory_space<vmem>> -> memref<80xi32, #tpu.memory_space<vmem>>
          %dma_start3A_384 = tpu.memref_slice %arg5[%add3A_370] : memref<163840xi32, #tpu.memory_space<hbm>> -> memref<80xi32, #tpu.memory_space<hbm>>
          %dma_start3A_385 = arith.constant 0 : i32
          %dma_start3A_386 = tpu.memref_slice %arg9[%dma_start3A_380, %dma_start3A_385] : memref<4x80xi32, #tpu.memory_space<vmem>> -> memref<1x80xi32, #tpu.memory_space<vmem>>
          %dma_start3A_387 = tpu.memref_squeeze %dma_start3A_386 : memref<1x80xi32, #tpu.memory_space<vmem>> -> memref<80xi32, #tpu.memory_space<vmem>>
          %dma_start3A_388 = tpu.memref_slice %arg5[%add3A_370] : memref<163840xi32, #tpu.memory_space<hbm>> -> memref<80xi32, #tpu.memory_space<hbm>>
          tpu.enqueue_dma source(%dma_start3A_388 : memref<80xi32, #tpu.memory_space<hbm>>) target(%dma_start3A_387 : memref<80xi32, #tpu.memory_space<vmem>>) target_semaphore(%arg18 : memref<!tpu.dma_semaphore, #tpu.memory_space<semaphore_mem>>)
        } else {
        }
        %add3A_359 = arith.constant 4 : i32
        %add3A_360 = arith.addi %add3A_320, %add3A_359 : i32
        %sub3A_361 = arith.constant 2 : i32
        %sub3A_362 = arith.subi %add3A_360, %sub3A_361 : i32
        %lt3A_363 = arith.constant 128 : i32
        %lt3A_364 = arith.cmpi slt, %sub3A_362, %lt3A_363 : i32
        %convert_element_type3A_365 = arith.extui %lt3A_364 : i1 to i32
        %cond3A_366 = arith.constant 0 : i32
        %cond3A_367 = arith.cmpi ne, %convert_element_type3A_365, %cond3A_366 : i32
        scf.if %cond3A_367 {
          %add3A_368 = arith.constant 4 : i32
          %add3A_369 = arith.addi %add3A_320, %add3A_368 : i32
          %sub3A_370 = arith.constant 2 : i32
          %sub3A_371 = arith.subi %add3A_369, %sub3A_370 : i32
          %mul3A_372 = arith.constant 80 : i32
          %mul3A_373 = arith.muli %sub3A_371, %mul3A_372 : i32
          %add3A_374 = arith.addi %mul3A_9, %mul3A_373 : i32
          %dma_wait3A_375 = arith.constant 1 : i32
          %dma_wait3A_376 = arith.constant 0 : i32
          %dma_wait3A_377 = tpu.memref_slice %arg8[%dma_wait3A_375, %dma_wait3A_376] : memref<4x80xi32, #tpu.memory_space<vmem>> -> memref<1x80xi32, #tpu.memory_space<vmem>>
          %dma_wait3A_378 = tpu.memref_squeeze %dma_wait3A_377 : memref<1x80xi32, #tpu.memory_space<vmem>> -> memref<80xi32, #tpu.memory_space<vmem>>
          %dma_wait3A_379 = tpu.memref_slice %arg4[%add3A_374] : memref<163840xi32, #tpu.memory_space<hbm>> -> memref<80xi32, #tpu.memory_space<hbm>>
          %dma_wait3A_380 = arith.constant 0 : i32
          %dma_wait3A_381 = tpu.memref_slice %arg8[%dma_wait3A_375, %dma_wait3A_380] : memref<4x80xi32, #tpu.memory_space<vmem>> -> memref<1x80xi32, #tpu.memory_space<vmem>>
          %dma_wait3A_382 = tpu.memref_squeeze %dma_wait3A_381 : memref<1x80xi32, #tpu.memory_space<vmem>> -> memref<80xi32, #tpu.memory_space<vmem>>
          %dma_wait3A_383 = tpu.memref_slice %arg4[%add3A_374] : memref<163840xi32, #tpu.memory_space<hbm>> -> memref<80xi32, #tpu.memory_space<hbm>>
          tpu.wait_dma2 semaphore(%arg13 : memref<!tpu.dma_semaphore, #tpu.memory_space<semaphore_mem>>) src(%dma_wait3A_383 : memref<80xi32, #tpu.memory_space<hbm>>) dst(%dma_wait3A_382 : memref<80xi32, #tpu.memory_space<vmem>>)
          %dma_wait3A_384 = arith.constant 1 : i32
          %dma_wait3A_385 = arith.constant 0 : i32
          %dma_wait3A_386 = tpu.memref_slice %arg9[%dma_wait3A_384, %dma_wait3A_385] : memref<4x80xi32, #tpu.memory_space<vmem>> -> memref<1x80xi32, #tpu.memory_space<vmem>>
          %dma_wait3A_387 = tpu.memref_squeeze %dma_wait3A_386 : memref<1x80xi32, #tpu.memory_space<vmem>> -> memref<80xi32, #tpu.memory_space<vmem>>
          %dma_wait3A_388 = tpu.memref_slice %arg5[%add3A_374] : memref<163840xi32, #tpu.memory_space<hbm>> -> memref<80xi32, #tpu.memory_space<hbm>>
          %dma_wait3A_389 = arith.constant 0 : i32
          %dma_wait3A_390 = tpu.memref_slice %arg9[%dma_wait3A_384, %dma_wait3A_389] : memref<4x80xi32, #tpu.memory_space<vmem>> -> memref<1x80xi32, #tpu.memory_space<vmem>>
          %dma_wait3A_391 = tpu.memref_squeeze %dma_wait3A_390 : memref<1x80xi32, #tpu.memory_space<vmem>> -> memref<80xi32, #tpu.memory_space<vmem>>
          %dma_wait3A_392 = tpu.memref_slice %arg5[%add3A_374] : memref<163840xi32, #tpu.memory_space<hbm>> -> memref<80xi32, #tpu.memory_space<hbm>>
          tpu.wait_dma2 semaphore(%arg17 : memref<!tpu.dma_semaphore, #tpu.memory_space<semaphore_mem>>) src(%dma_wait3A_392 : memref<80xi32, #tpu.memory_space<hbm>>) dst(%dma_wait3A_391 : memref<80xi32, #tpu.memory_space<vmem>>)
          %add3A_393 = arith.constant 4 : i32
          %add3A_394 = arith.addi %add3A_320, %add3A_393 : i32
          %sub3A_395 = arith.constant 2 : i32
          %sub3A_396 = arith.subi %add3A_394, %sub3A_395 : i32
          %dma_start3A_397 = arith.constant 1 : i32
          %dma_start3A_398 = arith.constant 1 : i32
          %dma_start3A_399 = arith.constant 0 : i32
          %dma_start3A_400 = arith.constant 0 : i32
          %dma_start3A_401 = tpu.memref_slice %arg10[%dma_start3A_398, %dma_start3A_399, %dma_start3A_400] : memref<4x80x128xf32, #tpu.memory_space<vmem>> -> memref<1x80x128xf32, #tpu.memory_space<vmem>>
          %dma_start3A_402 = tpu.memref_squeeze %dma_start3A_401 : memref<1x80x128xf32, #tpu.memory_space<vmem>> -> memref<80x128xf32, #tpu.memory_space<vmem>>
          %dma_start3A_403 = arith.constant 0 : i32
          %dma_start3A_404 = tpu.memref_slice %arg8[%dma_start3A_397, %dma_start3A_403] : memref<4x80xi32, #tpu.memory_space<vmem>> -> memref<1x80xi32, #tpu.memory_space<vmem>>
          %dma_start3A_405 = tpu.memref_squeeze %dma_start3A_404 : memref<1x80xi32, #tpu.memory_space<vmem>> -> memref<80xi32, #tpu.memory_space<vmem>>
          %dma_start3A_406 = arith.constant 0 : i32
          %dma_start3A_407 = arith.constant 0 : i32
          %dma_start3A_408 = tpu.memref_slice %arg2[%dma_start3A_406, %dma_start3A_407] : memref<10000x128xf32, #tpu.memory_space<hbm>> -> memref<10000x128xf32, #tpu.memory_space<hbm>>
          tpu.enqueue_indirect_dma source(%dma_start3A_408 : memref<10000x128xf32, #tpu.memory_space<hbm>>) target(%dma_start3A_402 : memref<80x128xf32, #tpu.memory_space<vmem>>) offsets(%dma_start3A_405 : memref<80xi32, #tpu.memory_space<vmem>>) semaphore(%arg21 : memref<!tpu.dma_semaphore, #tpu.memory_space<semaphore_mem>>)
        } else {
        }
      }
      %scan3A_143 = arith.constant 32 : i32
      %dma_wait3A_144 = arith.constant 3 : i32
      %dma_wait3A_145 = arith.constant 0 : i32
      %dma_wait3A_146 = arith.constant 0 : i32
      %dma_wait3A_147 = arith.constant 0 : i32
      %dma_wait3A_148 = tpu.memref_slice %arg10[%dma_wait3A_144, %dma_wait3A_146, %dma_wait3A_147] : memref<4x80x128xf32, #tpu.memory_space<vmem>> -> memref<1x80x128xf32, #tpu.memory_space<vmem>>
      %dma_wait3A_149 = tpu.memref_squeeze %dma_wait3A_148 : memref<1x80x128xf32, #tpu.memory_space<vmem>> -> memref<80x128xf32, #tpu.memory_space<vmem>>
      %dma_wait3A_150 = arith.constant 0 : i32
      %dma_wait3A_151 = tpu.memref_slice %arg9[%dma_wait3A_145, %dma_wait3A_150] : memref<4x80xi32, #tpu.memory_space<vmem>> -> memref<1x80xi32, #tpu.memory_space<vmem>>
      %dma_wait3A_152 = tpu.memref_squeeze %dma_wait3A_151 : memref<1x80xi32, #tpu.memory_space<vmem>> -> memref<80xi32, #tpu.memory_space<vmem>>
      %dma_wait3A_153 = arith.constant 0 : i32
      %dma_wait3A_154 = arith.constant 0 : i32
      %dma_wait3A_155 = tpu.memref_slice %arg11[%dma_wait3A_153, %dma_wait3A_154] : memref<10240x128xf32, #tpu.memory_space<vmem_shared>> -> memref<10240x128xf32, #tpu.memory_space<vmem_shared>>
      tpu.wait_indirect_dma semaphore(%arg27 : memref<!tpu.dma_semaphore, #tpu.memory_space<semaphore_mem>>) src(%dma_wait3A_149 : memref<80x128xf32, #tpu.memory_space<vmem>>) dst(%dma_wait3A_155 : memref<10240x128xf32, #tpu.memory_space<vmem_shared>>)
      %barrier3A_156 = arith.constant 0 : index
      tpu.barrier barrier_id(%barrier3A_156)
      %lt3A_157 = arith.constant 15 : i32
      %lt3A_158 = arith.cmpi slt, %arg1, %lt3A_157 : i32
      %convert_element_type3A_159 = arith.extui %lt3A_158 : i1 to i32
      %cond3A_160 = arith.constant 0 : i32
      %cond3A_161 = arith.cmpi ne, %convert_element_type3A_159, %cond3A_160 : i32
      scf.if %cond3A_161 {
        "tpu.region"() ({
          %run_scoped3A = tpu.sem_alloc : memref<!tpu.dma_semaphore, #tpu.memory_space<semaphore_mem>>
          %dma_start3A_167 = arith.constant 0 : i32
          %dma_start3A_168 = tpu.memref_slice %arg6[%mul3A_7, %dma_start3A_167] : memref<10000x128xf32, #tpu.memory_space<hbm>> -> memref<640x128xf32, #tpu.memory_space<hbm>>
          %dma_start3A_169 = arith.constant 0 : i32
          %dma_start3A_170 = tpu.memref_slice %arg11[%mul3A_7, %dma_start3A_169] : memref<10240x128xf32, #tpu.memory_space<vmem_shared>> -> memref<640x128xf32, #tpu.memory_space<vmem_shared>>
          tpu.enqueue_dma source(%dma_start3A_170 : memref<640x128xf32, #tpu.memory_space<vmem_shared>>) target(%dma_start3A_168 : memref<640x128xf32, #tpu.memory_space<hbm>>) target_semaphore(%run_scoped3A : memref<!tpu.dma_semaphore, #tpu.memory_space<semaphore_mem>>)
          %dma_wait3A_171 = arith.constant 0 : i32
          %dma_wait3A_172 = tpu.memref_slice %arg6[%mul3A_7, %dma_wait3A_171] : memref<10000x128xf32, #tpu.memory_space<hbm>> -> memref<640x128xf32, #tpu.memory_space<hbm>>
          %dma_wait3A_173 = arith.constant 0 : i32
          %dma_wait3A_174 = tpu.memref_slice %arg11[%mul3A_7, %dma_wait3A_173] : memref<10240x128xf32, #tpu.memory_space<vmem_shared>> -> memref<640x128xf32, #tpu.memory_space<vmem_shared>>
          tpu.wait_dma2 semaphore(%run_scoped3A : memref<!tpu.dma_semaphore, #tpu.memory_space<semaphore_mem>>) src(%dma_wait3A_174 : memref<640x128xf32, #tpu.memory_space<vmem_shared>>) dst(%dma_wait3A_172 : memref<640x128xf32, #tpu.memory_space<hbm>>)
          tpu.yield
        }) : () -> ()
      } else {
      }
      %eq3A_162 = arith.constant 15 : i32
      %eq3A_163 = arith.cmpi eq, %arg1, %eq3A_162 : i32
      %convert_element_type3A_164 = arith.extui %eq3A_163 : i1 to i32
      %cond3A_165 = arith.constant 0 : i32
      %cond3A_166 = arith.cmpi ne, %convert_element_type3A_164, %cond3A_165 : i32
      scf.if %cond3A_166 {
        "tpu.region"() ({
          %run_scoped3A = tpu.sem_alloc : memref<!tpu.dma_semaphore, #tpu.memory_space<semaphore_mem>>
          %dma_start3A_167 = arith.constant 0 : i32
          %dma_start3A_168 = tpu.memref_slice %arg6[%mul3A_7, %dma_start3A_167] : memref<10000x128xf32, #tpu.memory_space<hbm>> -> memref<400x128xf32, #tpu.memory_space<hbm>>
          %dma_start3A_169 = arith.constant 0 : i32
          %dma_start3A_170 = tpu.memref_slice %arg11[%mul3A_7, %dma_start3A_169] : memref<10240x128xf32, #tpu.memory_space<vmem_shared>> -> memref<400x128xf32, #tpu.memory_space<vmem_shared>>
          tpu.enqueue_dma source(%dma_start3A_170 : memref<400x128xf32, #tpu.memory_space<vmem_shared>>) target(%dma_start3A_168 : memref<400x128xf32, #tpu.memory_space<hbm>>) target_semaphore(%run_scoped3A : memref<!tpu.dma_semaphore, #tpu.memory_space<semaphore_mem>>)
          %dma_wait3A_171 = arith.constant 0 : i32
          %dma_wait3A_172 = tpu.memref_slice %arg6[%mul3A_7, %dma_wait3A_171] : memref<10000x128xf32, #tpu.memory_space<hbm>> -> memref<400x128xf32, #tpu.memory_space<hbm>>
          %dma_wait3A_173 = arith.constant 0 : i32
          %dma_wait3A_174 = tpu.memref_slice %arg11[%mul3A_7, %dma_wait3A_173] : memref<10240x128xf32, #tpu.memory_space<vmem_shared>> -> memref<400x128xf32, #tpu.memory_space<vmem_shared>>
          tpu.wait_dma2 semaphore(%run_scoped3A : memref<!tpu.dma_semaphore, #tpu.memory_space<semaphore_mem>>) src(%dma_wait3A_174 : memref<400x128xf32, #tpu.memory_space<vmem_shared>>) dst(%dma_wait3A_172 : memref<400x128xf32, #tpu.memory_space<hbm>>)
          tpu.yield
        }) : () -> ()
      } else {
      }
    } else {
    }
    %eq3A_2 = arith.constant 1 : i32
    %eq3A_3 = arith.cmpi eq, %arg0, %eq3A_2 : i32
    %convert_element_type3A_4 = arith.extui %eq3A_3 : i1 to i32
    %cond3A_5 = arith.constant 0 : i32
    %cond3A_6 = arith.cmpi ne, %convert_element_type3A_4, %cond3A_5 : i32
    scf.if %cond3A_6 {
      %mul3A = arith.constant 640 : i32
      %mul3A_7 = arith.muli %arg1, %mul3A : i32
      %mul3A_8 = arith.constant 10240 : i32
      %mul3A_9 = arith.muli %arg1, %mul3A_8 : i32
      %lt3A = arith.constant 15 : i32
      %lt3A_10 = arith.cmpi slt, %arg1, %lt3A : i32
      %convert_element_type3A_11 = arith.extui %lt3A_10 : i1 to i32
      %cond3A_12 = arith.constant 0 : i32
      %cond3A_13 = arith.cmpi ne, %convert_element_type3A_11, %cond3A_12 : i32
      scf.if %cond3A_13 {
        "tpu.region"() ({
          %run_scoped3A = tpu.sem_alloc : memref<!tpu.dma_semaphore, #tpu.memory_space<semaphore_mem>>
          %dma_start3A_167 = arith.constant 0 : i32
          %dma_start3A_168 = tpu.memref_slice %arg11[%mul3A_7, %dma_start3A_167] : memref<10240x128xf32, #tpu.memory_space<vmem_shared>> -> memref<640x128xf32, #tpu.memory_space<vmem_shared>>
          %dma_start3A_169 = arith.constant 0 : i32
          %dma_start3A_170 = tpu.memref_slice %arg3[%mul3A_7, %dma_start3A_169] : memref<10000x128xf32, #tpu.memory_space<hbm>> -> memref<640x128xf32, #tpu.memory_space<hbm>>
          tpu.enqueue_dma source(%dma_start3A_170 : memref<640x128xf32, #tpu.memory_space<hbm>>) target(%dma_start3A_168 : memref<640x128xf32, #tpu.memory_space<vmem_shared>>) target_semaphore(%run_scoped3A : memref<!tpu.dma_semaphore, #tpu.memory_space<semaphore_mem>>)
          %dma_wait3A_171 = arith.constant 0 : i32
          %dma_wait3A_172 = tpu.memref_slice %arg11[%mul3A_7, %dma_wait3A_171] : memref<10240x128xf32, #tpu.memory_space<vmem_shared>> -> memref<640x128xf32, #tpu.memory_space<vmem_shared>>
          %dma_wait3A_173 = arith.constant 0 : i32
          %dma_wait3A_174 = tpu.memref_slice %arg3[%mul3A_7, %dma_wait3A_173] : memref<10000x128xf32, #tpu.memory_space<hbm>> -> memref<640x128xf32, #tpu.memory_space<hbm>>
          tpu.wait_dma2 semaphore(%run_scoped3A : memref<!tpu.dma_semaphore, #tpu.memory_space<semaphore_mem>>) src(%dma_wait3A_174 : memref<640x128xf32, #tpu.memory_space<hbm>>) dst(%dma_wait3A_172 : memref<640x128xf32, #tpu.memory_space<vmem_shared>>)
          tpu.yield
        }) : () -> ()
      } else {
      }
      %eq3A_14 = arith.constant 15 : i32
      %eq3A_15 = arith.cmpi eq, %arg1, %eq3A_14 : i32
      %convert_element_type3A_16 = arith.extui %eq3A_15 : i1 to i32
      %cond3A_17 = arith.constant 0 : i32
      %cond3A_18 = arith.cmpi ne, %convert_element_type3A_16, %cond3A_17 : i32
      scf.if %cond3A_18 {
        "tpu.region"() ({
          %run_scoped3A = tpu.sem_alloc : memref<!tpu.dma_semaphore, #tpu.memory_space<semaphore_mem>>
          %dma_start3A_167 = arith.constant 0 : i32
          %dma_start3A_168 = tpu.memref_slice %arg11[%mul3A_7, %dma_start3A_167] : memref<10240x128xf32, #tpu.memory_space<vmem_shared>> -> memref<400x128xf32, #tpu.memory_space<vmem_shared>>
          %dma_start3A_169 = arith.constant 0 : i32
          %dma_start3A_170 = tpu.memref_slice %arg3[%mul3A_7, %dma_start3A_169] : memref<10000x128xf32, #tpu.memory_space<hbm>> -> memref<400x128xf32, #tpu.memory_space<hbm>>
          tpu.enqueue_dma source(%dma_start3A_170 : memref<400x128xf32, #tpu.memory_space<hbm>>) target(%dma_start3A_168 : memref<400x128xf32, #tpu.memory_space<vmem_shared>>) target_semaphore(%run_scoped3A : memref<!tpu.dma_semaphore, #tpu.memory_space<semaphore_mem>>)
          %dma_wait3A_171 = arith.constant 0 : i32
          %dma_wait3A_172 = tpu.memref_slice %arg11[%mul3A_7, %dma_wait3A_171] : memref<10240x128xf32, #tpu.memory_space<vmem_shared>> -> memref<400x128xf32, #tpu.memory_space<vmem_shared>>
          %dma_wait3A_173 = arith.constant 0 : i32
          %dma_wait3A_174 = tpu.memref_slice %arg3[%mul3A_7, %dma_wait3A_173] : memref<10000x128xf32, #tpu.memory_space<hbm>> -> memref<400x128xf32, #tpu.memory_space<hbm>>
          tpu.wait_dma2 semaphore(%run_scoped3A : memref<!tpu.dma_semaphore, #tpu.memory_space<semaphore_mem>>) src(%dma_wait3A_174 : memref<400x128xf32, #tpu.memory_space<hbm>>) dst(%dma_wait3A_172 : memref<400x128xf32, #tpu.memory_space<vmem_shared>>)
          tpu.yield
        }) : () -> ()
      } else {
      }
      %barrier3A = arith.constant 0 : index
      tpu.barrier barrier_id(%barrier3A)
      %add3A = arith.constant 0 : i32
      %add3A_19 = arith.addi %mul3A_9, %add3A : i32
      %dma_start3A = arith.constant 0 : i32
      %dma_start3A_20 = arith.constant 0 : i32
      %dma_start3A_21 = tpu.memref_slice %arg8[%dma_start3A, %dma_start3A_20] : memref<4x80xi32, #tpu.memory_space<vmem>> -> memref<1x80xi32, #tpu.memory_space<vmem>>
      %dma_start3A_22 = tpu.memref_squeeze %dma_start3A_21 : memref<1x80xi32, #tpu.memory_space<vmem>> -> memref<80xi32, #tpu.memory_space<vmem>>
      %dma_start3A_23 = tpu.memref_slice %arg4[%add3A_19] : memref<163840xi32, #tpu.memory_space<hbm>> -> memref<80xi32, #tpu.memory_space<hbm>>
      %dma_start3A_24 = arith.constant 0 : i32
      %dma_start3A_25 = tpu.memref_slice %arg8[%dma_start3A, %dma_start3A_24] : memref<4x80xi32, #tpu.memory_space<vmem>> -> memref<1x80xi32, #tpu.memory_space<vmem>>
      %dma_start3A_26 = tpu.memref_squeeze %dma_start3A_25 : memref<1x80xi32, #tpu.memory_space<vmem>> -> memref<80xi32, #tpu.memory_space<vmem>>
      %dma_start3A_27 = tpu.memref_slice %arg4[%add3A_19] : memref<163840xi32, #tpu.memory_space<hbm>> -> memref<80xi32, #tpu.memory_space<hbm>>
      tpu.enqueue_dma source(%dma_start3A_27 : memref<80xi32, #tpu.memory_space<hbm>>) target(%dma_start3A_26 : memref<80xi32, #tpu.memory_space<vmem>>) target_semaphore(%arg12 : memref<!tpu.dma_semaphore, #tpu.memory_space<semaphore_mem>>)
      %dma_start3A_28 = arith.constant 0 : i32
      %dma_start3A_29 = arith.constant 0 : i32
      %dma_start3A_30 = tpu.memref_slice %arg9[%dma_start3A_28, %dma_start3A_29] : memref<4x80xi32, #tpu.memory_space<vmem>> -> memref<1x80xi32, #tpu.memory_space<vmem>>
      %dma_start3A_31 = tpu.memref_squeeze %dma_start3A_30 : memref<1x80xi32, #tpu.memory_space<vmem>> -> memref<80xi32, #tpu.memory_space<vmem>>
      %dma_start3A_32 = tpu.memref_slice %arg5[%add3A_19] : memref<163840xi32, #tpu.memory_space<hbm>> -> memref<80xi32, #tpu.memory_space<hbm>>
      %dma_start3A_33 = arith.constant 0 : i32
      %dma_start3A_34 = tpu.memref_slice %arg9[%dma_start3A_28, %dma_start3A_33] : memref<4x80xi32, #tpu.memory_space<vmem>> -> memref<1x80xi32, #tpu.memory_space<vmem>>
      %dma_start3A_35 = tpu.memref_squeeze %dma_start3A_34 : memref<1x80xi32, #tpu.memory_space<vmem>> -> memref<80xi32, #tpu.memory_space<vmem>>
      %dma_start3A_36 = tpu.memref_slice %arg5[%add3A_19] : memref<163840xi32, #tpu.memory_space<hbm>> -> memref<80xi32, #tpu.memory_space<hbm>>
      tpu.enqueue_dma source(%dma_start3A_36 : memref<80xi32, #tpu.memory_space<hbm>>) target(%dma_start3A_35 : memref<80xi32, #tpu.memory_space<vmem>>) target_semaphore(%arg16 : memref<!tpu.dma_semaphore, #tpu.memory_space<semaphore_mem>>)
      %add3A_37 = arith.constant 80 : i32
      %add3A_38 = arith.addi %mul3A_9, %add3A_37 : i32
      %dma_start3A_39 = arith.constant 1 : i32
      %dma_start3A_40 = arith.constant 0 : i32
      %dma_start3A_41 = tpu.memref_slice %arg8[%dma_start3A_39, %dma_start3A_40] : memref<4x80xi32, #tpu.memory_space<vmem>> -> memref<1x80xi32, #tpu.memory_space<vmem>>
      %dma_start3A_42 = tpu.memref_squeeze %dma_start3A_41 : memref<1x80xi32, #tpu.memory_space<vmem>> -> memref<80xi32, #tpu.memory_space<vmem>>
      %dma_start3A_43 = tpu.memref_slice %arg4[%add3A_38] : memref<163840xi32, #tpu.memory_space<hbm>> -> memref<80xi32, #tpu.memory_space<hbm>>
      %dma_start3A_44 = arith.constant 0 : i32
      %dma_start3A_45 = tpu.memref_slice %arg8[%dma_start3A_39, %dma_start3A_44] : memref<4x80xi32, #tpu.memory_space<vmem>> -> memref<1x80xi32, #tpu.memory_space<vmem>>
      %dma_start3A_46 = tpu.memref_squeeze %dma_start3A_45 : memref<1x80xi32, #tpu.memory_space<vmem>> -> memref<80xi32, #tpu.memory_space<vmem>>
      %dma_start3A_47 = tpu.memref_slice %arg4[%add3A_38] : memref<163840xi32, #tpu.memory_space<hbm>> -> memref<80xi32, #tpu.memory_space<hbm>>
      tpu.enqueue_dma source(%dma_start3A_47 : memref<80xi32, #tpu.memory_space<hbm>>) target(%dma_start3A_46 : memref<80xi32, #tpu.memory_space<vmem>>) target_semaphore(%arg13 : memref<!tpu.dma_semaphore, #tpu.memory_space<semaphore_mem>>)
      %dma_start3A_48 = arith.constant 1 : i32
      %dma_start3A_49 = arith.constant 0 : i32
      %dma_start3A_50 = tpu.memref_slice %arg9[%dma_start3A_48, %dma_start3A_49] : memref<4x80xi32, #tpu.memory_space<vmem>> -> memref<1x80xi32, #tpu.memory_space<vmem>>
      %dma_start3A_51 = tpu.memref_squeeze %dma_start3A_50 : memref<1x80xi32, #tpu.memory_space<vmem>> -> memref<80xi32, #tpu.memory_space<vmem>>
      %dma_start3A_52 = tpu.memref_slice %arg5[%add3A_38] : memref<163840xi32, #tpu.memory_space<hbm>> -> memref<80xi32, #tpu.memory_space<hbm>>
      %dma_start3A_53 = arith.constant 0 : i32
      %dma_start3A_54 = tpu.memref_slice %arg9[%dma_start3A_48, %dma_start3A_53] : memref<4x80xi32, #tpu.memory_space<vmem>> -> memref<1x80xi32, #tpu.memory_space<vmem>>
      %dma_start3A_55 = tpu.memref_squeeze %dma_start3A_54 : memref<1x80xi32, #tpu.memory_space<vmem>> -> memref<80xi32, #tpu.memory_space<vmem>>
      %dma_start3A_56 = tpu.memref_slice %arg5[%add3A_38] : memref<163840xi32, #tpu.memory_space<hbm>> -> memref<80xi32, #tpu.memory_space<hbm>>
      tpu.enqueue_dma source(%dma_start3A_56 : memref<80xi32, #tpu.memory_space<hbm>>) target(%dma_start3A_55 : memref<80xi32, #tpu.memory_space<vmem>>) target_semaphore(%arg17 : memref<!tpu.dma_semaphore, #tpu.memory_space<semaphore_mem>>)
      %add3A_57 = arith.constant 160 : i32
      %add3A_58 = arith.addi %mul3A_9, %add3A_57 : i32
      %dma_start3A_59 = arith.constant 2 : i32
      %dma_start3A_60 = arith.constant 0 : i32
      %dma_start3A_61 = tpu.memref_slice %arg8[%dma_start3A_59, %dma_start3A_60] : memref<4x80xi32, #tpu.memory_space<vmem>> -> memref<1x80xi32, #tpu.memory_space<vmem>>
      %dma_start3A_62 = tpu.memref_squeeze %dma_start3A_61 : memref<1x80xi32, #tpu.memory_space<vmem>> -> memref<80xi32, #tpu.memory_space<vmem>>
      %dma_start3A_63 = tpu.memref_slice %arg4[%add3A_58] : memref<163840xi32, #tpu.memory_space<hbm>> -> memref<80xi32, #tpu.memory_space<hbm>>
      %dma_start3A_64 = arith.constant 0 : i32
      %dma_start3A_65 = tpu.memref_slice %arg8[%dma_start3A_59, %dma_start3A_64] : memref<4x80xi32, #tpu.memory_space<vmem>> -> memref<1x80xi32, #tpu.memory_space<vmem>>
      %dma_start3A_66 = tpu.memref_squeeze %dma_start3A_65 : memref<1x80xi32, #tpu.memory_space<vmem>> -> memref<80xi32, #tpu.memory_space<vmem>>
      %dma_start3A_67 = tpu.memref_slice %arg4[%add3A_58] : memref<163840xi32, #tpu.memory_space<hbm>> -> memref<80xi32, #tpu.memory_space<hbm>>
      tpu.enqueue_dma source(%dma_start3A_67 : memref<80xi32, #tpu.memory_space<hbm>>) target(%dma_start3A_66 : memref<80xi32, #tpu.memory_space<vmem>>) target_semaphore(%arg14 : memref<!tpu.dma_semaphore, #tpu.memory_space<semaphore_mem>>)
      %dma_start3A_68 = arith.constant 2 : i32
      %dma_start3A_69 = arith.constant 0 : i32
      %dma_start3A_70 = tpu.memref_slice %arg9[%dma_start3A_68, %dma_start3A_69] : memref<4x80xi32, #tpu.memory_space<vmem>> -> memref<1x80xi32, #tpu.memory_space<vmem>>
      %dma_start3A_71 = tpu.memref_squeeze %dma_start3A_70 : memref<1x80xi32, #tpu.memory_space<vmem>> -> memref<80xi32, #tpu.memory_space<vmem>>
      %dma_start3A_72 = tpu.memref_slice %arg5[%add3A_58] : memref<163840xi32, #tpu.memory_space<hbm>> -> memref<80xi32, #tpu.memory_space<hbm>>
      %dma_start3A_73 = arith.constant 0 : i32
      %dma_start3A_74 = tpu.memref_slice %arg9[%dma_start3A_68, %dma_start3A_73] : memref<4x80xi32, #tpu.memory_space<vmem>> -> memref<1x80xi32, #tpu.memory_space<vmem>>
      %dma_start3A_75 = tpu.memref_squeeze %dma_start3A_74 : memref<1x80xi32, #tpu.memory_space<vmem>> -> memref<80xi32, #tpu.memory_space<vmem>>
      %dma_start3A_76 = tpu.memref_slice %arg5[%add3A_58] : memref<163840xi32, #tpu.memory_space<hbm>> -> memref<80xi32, #tpu.memory_space<hbm>>
      tpu.enqueue_dma source(%dma_start3A_76 : memref<80xi32, #tpu.memory_space<hbm>>) target(%dma_start3A_75 : memref<80xi32, #tpu.memory_space<vmem>>) target_semaphore(%arg18 : memref<!tpu.dma_semaphore, #tpu.memory_space<semaphore_mem>>)
      %add3A_77 = arith.constant 0 : i32
      %add3A_78 = arith.addi %mul3A_9, %add3A_77 : i32
      %dma_wait3A = arith.constant 0 : i32
      %dma_wait3A_79 = arith.constant 0 : i32
      %dma_wait3A_80 = tpu.memref_slice %arg8[%dma_wait3A, %dma_wait3A_79] : memref<4x80xi32, #tpu.memory_space<vmem>> -> memref<1x80xi32, #tpu.memory_space<vmem>>
      %dma_wait3A_81 = tpu.memref_squeeze %dma_wait3A_80 : memref<1x80xi32, #tpu.memory_space<vmem>> -> memref<80xi32, #tpu.memory_space<vmem>>
      %dma_wait3A_82 = tpu.memref_slice %arg4[%add3A_78] : memref<163840xi32, #tpu.memory_space<hbm>> -> memref<80xi32, #tpu.memory_space<hbm>>
      %dma_wait3A_83 = arith.constant 0 : i32
      %dma_wait3A_84 = tpu.memref_slice %arg8[%dma_wait3A, %dma_wait3A_83] : memref<4x80xi32, #tpu.memory_space<vmem>> -> memref<1x80xi32, #tpu.memory_space<vmem>>
      %dma_wait3A_85 = tpu.memref_squeeze %dma_wait3A_84 : memref<1x80xi32, #tpu.memory_space<vmem>> -> memref<80xi32, #tpu.memory_space<vmem>>
      %dma_wait3A_86 = tpu.memref_slice %arg4[%add3A_78] : memref<163840xi32, #tpu.memory_space<hbm>> -> memref<80xi32, #tpu.memory_space<hbm>>
      tpu.wait_dma2 semaphore(%arg12 : memref<!tpu.dma_semaphore, #tpu.memory_space<semaphore_mem>>) src(%dma_wait3A_86 : memref<80xi32, #tpu.memory_space<hbm>>) dst(%dma_wait3A_85 : memref<80xi32, #tpu.memory_space<vmem>>)
      %dma_wait3A_87 = arith.constant 0 : i32
      %dma_wait3A_88 = arith.constant 0 : i32
      %dma_wait3A_89 = tpu.memref_slice %arg9[%dma_wait3A_87, %dma_wait3A_88] : memref<4x80xi32, #tpu.memory_space<vmem>> -> memref<1x80xi32, #tpu.memory_space<vmem>>
      %dma_wait3A_90 = tpu.memref_squeeze %dma_wait3A_89 : memref<1x80xi32, #tpu.memory_space<vmem>> -> memref<80xi32, #tpu.memory_space<vmem>>
      %dma_wait3A_91 = tpu.memref_slice %arg5[%add3A_78] : memref<163840xi32, #tpu.memory_space<hbm>> -> memref<80xi32, #tpu.memory_space<hbm>>
      %dma_wait3A_92 = arith.constant 0 : i32
      %dma_wait3A_93 = tpu.memref_slice %arg9[%dma_wait3A_87, %dma_wait3A_92] : memref<4x80xi32, #tpu.memory_space<vmem>> -> memref<1x80xi32, #tpu.memory_space<vmem>>
      %dma_wait3A_94 = tpu.memref_squeeze %dma_wait3A_93 : memref<1x80xi32, #tpu.memory_space<vmem>> -> memref<80xi32, #tpu.memory_space<vmem>>
      %dma_wait3A_95 = tpu.memref_slice %arg5[%add3A_78] : memref<163840xi32, #tpu.memory_space<hbm>> -> memref<80xi32, #tpu.memory_space<hbm>>
      tpu.wait_dma2 semaphore(%arg16 : memref<!tpu.dma_semaphore, #tpu.memory_space<semaphore_mem>>) src(%dma_wait3A_95 : memref<80xi32, #tpu.memory_space<hbm>>) dst(%dma_wait3A_94 : memref<80xi32, #tpu.memory_space<vmem>>)
      %dma_start3A_96 = arith.constant 0 : i32
      %dma_start3A_97 = arith.constant 0 : i32
      %dma_start3A_98 = arith.constant 0 : i32
      %dma_start3A_99 = arith.constant 0 : i32
      %dma_start3A_100 = tpu.memref_slice %arg10[%dma_start3A_97, %dma_start3A_98, %dma_start3A_99] : memref<4x80x128xf32, #tpu.memory_space<vmem>> -> memref<1x80x128xf32, #tpu.memory_space<vmem>>
      %dma_start3A_101 = tpu.memref_squeeze %dma_start3A_100 : memref<1x80x128xf32, #tpu.memory_space<vmem>> -> memref<80x128xf32, #tpu.memory_space<vmem>>
      %dma_start3A_102 = arith.constant 0 : i32
      %dma_start3A_103 = tpu.memref_slice %arg8[%dma_start3A_96, %dma_start3A_102] : memref<4x80xi32, #tpu.memory_space<vmem>> -> memref<1x80xi32, #tpu.memory_space<vmem>>
      %dma_start3A_104 = tpu.memref_squeeze %dma_start3A_103 : memref<1x80xi32, #tpu.memory_space<vmem>> -> memref<80xi32, #tpu.memory_space<vmem>>
      %dma_start3A_105 = arith.constant 0 : i32
      %dma_start3A_106 = arith.constant 0 : i32
      %dma_start3A_107 = tpu.memref_slice %arg3[%dma_start3A_105, %dma_start3A_106] : memref<10000x128xf32, #tpu.memory_space<hbm>> -> memref<10000x128xf32, #tpu.memory_space<hbm>>
      tpu.enqueue_indirect_dma source(%dma_start3A_107 : memref<10000x128xf32, #tpu.memory_space<hbm>>) target(%dma_start3A_101 : memref<80x128xf32, #tpu.memory_space<vmem>>) offsets(%dma_start3A_104 : memref<80xi32, #tpu.memory_space<vmem>>) semaphore(%arg20 : memref<!tpu.dma_semaphore, #tpu.memory_space<semaphore_mem>>)
      %add3A_108 = arith.constant 80 : i32
      %add3A_109 = arith.addi %mul3A_9, %add3A_108 : i32
      %dma_wait3A_110 = arith.constant 1 : i32
      %dma_wait3A_111 = arith.constant 0 : i32
      %dma_wait3A_112 = tpu.memref_slice %arg8[%dma_wait3A_110, %dma_wait3A_111] : memref<4x80xi32, #tpu.memory_space<vmem>> -> memref<1x80xi32, #tpu.memory_space<vmem>>
      %dma_wait3A_113 = tpu.memref_squeeze %dma_wait3A_112 : memref<1x80xi32, #tpu.memory_space<vmem>> -> memref<80xi32, #tpu.memory_space<vmem>>
      %dma_wait3A_114 = tpu.memref_slice %arg4[%add3A_109] : memref<163840xi32, #tpu.memory_space<hbm>> -> memref<80xi32, #tpu.memory_space<hbm>>
      %dma_wait3A_115 = arith.constant 0 : i32
      %dma_wait3A_116 = tpu.memref_slice %arg8[%dma_wait3A_110, %dma_wait3A_115] : memref<4x80xi32, #tpu.memory_space<vmem>> -> memref<1x80xi32, #tpu.memory_space<vmem>>
      %dma_wait3A_117 = tpu.memref_squeeze %dma_wait3A_116 : memref<1x80xi32, #tpu.memory_space<vmem>> -> memref<80xi32, #tpu.memory_space<vmem>>
      %dma_wait3A_118 = tpu.memref_slice %arg4[%add3A_109] : memref<163840xi32, #tpu.memory_space<hbm>> -> memref<80xi32, #tpu.memory_space<hbm>>
      tpu.wait_dma2 semaphore(%arg13 : memref<!tpu.dma_semaphore, #tpu.memory_space<semaphore_mem>>) src(%dma_wait3A_118 : memref<80xi32, #tpu.memory_space<hbm>>) dst(%dma_wait3A_117 : memref<80xi32, #tpu.memory_space<vmem>>)
      %dma_wait3A_119 = arith.constant 1 : i32
      %dma_wait3A_120 = arith.constant 0 : i32
      %dma_wait3A_121 = tpu.memref_slice %arg9[%dma_wait3A_119, %dma_wait3A_120] : memref<4x80xi32, #tpu.memory_space<vmem>> -> memref<1x80xi32, #tpu.memory_space<vmem>>
      %dma_wait3A_122 = tpu.memref_squeeze %dma_wait3A_121 : memref<1x80xi32, #tpu.memory_space<vmem>> -> memref<80xi32, #tpu.memory_space<vmem>>
      %dma_wait3A_123 = tpu.memref_slice %arg5[%add3A_109] : memref<163840xi32, #tpu.memory_space<hbm>> -> memref<80xi32, #tpu.memory_space<hbm>>
      %dma_wait3A_124 = arith.constant 0 : i32
      %dma_wait3A_125 = tpu.memref_slice %arg9[%dma_wait3A_119, %dma_wait3A_124] : memref<4x80xi32, #tpu.memory_space<vmem>> -> memref<1x80xi32, #tpu.memory_space<vmem>>
      %dma_wait3A_126 = tpu.memref_squeeze %dma_wait3A_125 : memref<1x80xi32, #tpu.memory_space<vmem>> -> memref<80xi32, #tpu.memory_space<vmem>>
      %dma_wait3A_127 = tpu.memref_slice %arg5[%add3A_109] : memref<163840xi32, #tpu.memory_space<hbm>> -> memref<80xi32, #tpu.memory_space<hbm>>
      tpu.wait_dma2 semaphore(%arg17 : memref<!tpu.dma_semaphore, #tpu.memory_space<semaphore_mem>>) src(%dma_wait3A_127 : memref<80xi32, #tpu.memory_space<hbm>>) dst(%dma_wait3A_126 : memref<80xi32, #tpu.memory_space<vmem>>)
      %dma_start3A_128 = arith.constant 1 : i32
      %dma_start3A_129 = arith.constant 1 : i32
      %dma_start3A_130 = arith.constant 0 : i32
      %dma_start3A_131 = arith.constant 0 : i32
      %dma_start3A_132 = tpu.memref_slice %arg10[%dma_start3A_129, %dma_start3A_130, %dma_start3A_131] : memref<4x80x128xf32, #tpu.memory_space<vmem>> -> memref<1x80x128xf32, #tpu.memory_space<vmem>>
      %dma_start3A_133 = tpu.memref_squeeze %dma_start3A_132 : memref<1x80x128xf32, #tpu.memory_space<vmem>> -> memref<80x128xf32, #tpu.memory_space<vmem>>
      %dma_start3A_134 = arith.constant 0 : i32
      %dma_start3A_135 = tpu.memref_slice %arg8[%dma_start3A_128, %dma_start3A_134] : memref<4x80xi32, #tpu.memory_space<vmem>> -> memref<1x80xi32, #tpu.memory_space<vmem>>
      %dma_start3A_136 = tpu.memref_squeeze %dma_start3A_135 : memref<1x80xi32, #tpu.memory_space<vmem>> -> memref<80xi32, #tpu.memory_space<vmem>>
      %dma_start3A_137 = arith.constant 0 : i32
      %dma_start3A_138 = arith.constant 0 : i32
      %dma_start3A_139 = tpu.memref_slice %arg3[%dma_start3A_137, %dma_start3A_138] : memref<10000x128xf32, #tpu.memory_space<hbm>> -> memref<10000x128xf32, #tpu.memory_space<hbm>>
      tpu.enqueue_indirect_dma source(%dma_start3A_139 : memref<10000x128xf32, #tpu.memory_space<hbm>>) target(%dma_start3A_133 : memref<80x128xf32, #tpu.memory_space<vmem>>) offsets(%dma_start3A_136 : memref<80xi32, #tpu.memory_space<vmem>>) semaphore(%arg21 : memref<!tpu.dma_semaphore, #tpu.memory_space<semaphore_mem>>)
      %scan3A = arith.constant 0 : i32
      %scan3A_140 = arith.constant 32 : i32
      %scan3A_141 = arith.addi %scan3A, %scan3A_140 : i32
      %scan3A_142 = arith.constant 1 : i32
      scf.for %scan3A_167 = %scan3A to %scan3A_141 step %scan3A_142  : i32 {
        %mul3A_168 = arith.constant 1 : i32
        %mul3A_169 = arith.muli %scan3A_167, %mul3A_168 : i32
        %add3A_170 = arith.constant 0 : i32
        %add3A_171 = arith.addi %add3A_170, %mul3A_169 : i32
        %mul3A_172 = arith.constant 4 : i32
        %mul3A_173 = arith.muli %add3A_171, %mul3A_172 : i32
        %add3A_174 = arith.constant 0 : i32
        %add3A_175 = arith.addi %mul3A_173, %add3A_174 : i32
        %dma_wait3A_176 = arith.constant 0 : i32
        %dma_wait3A_177 = arith.constant 0 : i32
        %dma_wait3A_178 = arith.constant 0 : i32
        %dma_wait3A_179 = arith.constant 0 : i32
        %dma_wait3A_180 = tpu.memref_slice %arg10[%dma_wait3A_177, %dma_wait3A_178, %dma_wait3A_179] : memref<4x80x128xf32, #tpu.memory_space<vmem>> -> memref<1x80x128xf32, #tpu.memory_space<vmem>>
        %dma_wait3A_181 = tpu.memref_squeeze %dma_wait3A_180 : memref<1x80x128xf32, #tpu.memory_space<vmem>> -> memref<80x128xf32, #tpu.memory_space<vmem>>
        %dma_wait3A_182 = arith.constant 0 : i32
        %dma_wait3A_183 = tpu.memref_slice %arg8[%dma_wait3A_176, %dma_wait3A_182] : memref<4x80xi32, #tpu.memory_space<vmem>> -> memref<1x80xi32, #tpu.memory_space<vmem>>
        %dma_wait3A_184 = tpu.memref_squeeze %dma_wait3A_183 : memref<1x80xi32, #tpu.memory_space<vmem>> -> memref<80xi32, #tpu.memory_space<vmem>>
        %dma_wait3A_185 = arith.constant 0 : i32
        %dma_wait3A_186 = arith.constant 0 : i32
        %dma_wait3A_187 = tpu.memref_slice %arg3[%dma_wait3A_185, %dma_wait3A_186] : memref<10000x128xf32, #tpu.memory_space<hbm>> -> memref<10000x128xf32, #tpu.memory_space<hbm>>
        tpu.wait_indirect_dma semaphore(%arg20 : memref<!tpu.dma_semaphore, #tpu.memory_space<semaphore_mem>>) src(%dma_wait3A_187 : memref<10000x128xf32, #tpu.memory_space<hbm>>) dst(%dma_wait3A_181 : memref<80x128xf32, #tpu.memory_space<vmem>>)
        %dma_start3A_188 = arith.constant 0 : i32
        %dma_start3A_189 = arith.constant 0 : i32
        %dma_start3A_190 = arith.constant 0 : i32
        %dma_start3A_191 = arith.constant 0 : i32
        %dma_start3A_192 = tpu.memref_slice %arg10[%dma_start3A_188, %dma_start3A_190, %dma_start3A_191] : memref<4x80x128xf32, #tpu.memory_space<vmem>> -> memref<1x80x128xf32, #tpu.memory_space<vmem>>
        %dma_start3A_193 = tpu.memref_squeeze %dma_start3A_192 : memref<1x80x128xf32, #tpu.memory_space<vmem>> -> memref<80x128xf32, #tpu.memory_space<vmem>>
        %dma_start3A_194 = arith.constant 0 : i32
        %dma_start3A_195 = tpu.memref_slice %arg9[%dma_start3A_189, %dma_start3A_194] : memref<4x80xi32, #tpu.memory_space<vmem>> -> memref<1x80xi32, #tpu.memory_space<vmem>>
        %dma_start3A_196 = tpu.memref_squeeze %dma_start3A_195 : memref<1x80xi32, #tpu.memory_space<vmem>> -> memref<80xi32, #tpu.memory_space<vmem>>
        %dma_start3A_197 = arith.constant 0 : i32
        %dma_start3A_198 = arith.constant 0 : i32
        %dma_start3A_199 = tpu.memref_slice %arg11[%dma_start3A_197, %dma_start3A_198] : memref<10240x128xf32, #tpu.memory_space<vmem_shared>> -> memref<10240x128xf32, #tpu.memory_space<vmem_shared>>
        tpu.enqueue_indirect_dma source(%dma_start3A_193 : memref<80x128xf32, #tpu.memory_space<vmem>>) target(%dma_start3A_199 : memref<10240x128xf32, #tpu.memory_space<vmem_shared>>) offsets(%dma_start3A_196 : memref<80xi32, #tpu.memory_space<vmem>>) semaphore(%arg24 : memref<!tpu.dma_semaphore, #tpu.memory_space<semaphore_mem>>) {add = true}
        %ge3A = arith.constant 1 : i32
        %ge3A_200 = arith.cmpi sge, %add3A_175, %ge3A : i32
        %convert_element_type3A_201 = arith.extui %ge3A_200 : i1 to i32
        %cond3A_202 = arith.constant 0 : i32
        %cond3A_203 = arith.cmpi ne, %convert_element_type3A_201, %cond3A_202 : i32
        scf.if %cond3A_203 {
          %dma_wait3A_368 = arith.constant 3 : i32
          %dma_wait3A_369 = arith.constant 0 : i32
          %dma_wait3A_370 = arith.constant 0 : i32
          %dma_wait3A_371 = arith.constant 0 : i32
          %dma_wait3A_372 = tpu.memref_slice %arg10[%dma_wait3A_368, %dma_wait3A_370, %dma_wait3A_371] : memref<4x80x128xf32, #tpu.memory_space<vmem>> -> memref<1x80x128xf32, #tpu.memory_space<vmem>>
          %dma_wait3A_373 = tpu.memref_squeeze %dma_wait3A_372 : memref<1x80x128xf32, #tpu.memory_space<vmem>> -> memref<80x128xf32, #tpu.memory_space<vmem>>
          %dma_wait3A_374 = arith.constant 0 : i32
          %dma_wait3A_375 = tpu.memref_slice %arg9[%dma_wait3A_369, %dma_wait3A_374] : memref<4x80xi32, #tpu.memory_space<vmem>> -> memref<1x80xi32, #tpu.memory_space<vmem>>
          %dma_wait3A_376 = tpu.memref_squeeze %dma_wait3A_375 : memref<1x80xi32, #tpu.memory_space<vmem>> -> memref<80xi32, #tpu.memory_space<vmem>>
          %dma_wait3A_377 = arith.constant 0 : i32
          %dma_wait3A_378 = arith.constant 0 : i32
          %dma_wait3A_379 = tpu.memref_slice %arg11[%dma_wait3A_377, %dma_wait3A_378] : memref<10240x128xf32, #tpu.memory_space<vmem_shared>> -> memref<10240x128xf32, #tpu.memory_space<vmem_shared>>
          tpu.wait_indirect_dma semaphore(%arg27 : memref<!tpu.dma_semaphore, #tpu.memory_space<semaphore_mem>>) src(%dma_wait3A_373 : memref<80x128xf32, #tpu.memory_space<vmem>>) dst(%dma_wait3A_379 : memref<10240x128xf32, #tpu.memory_space<vmem_shared>>)
        } else {
        }
        %add3A_204 = arith.constant 4 : i32
        %add3A_205 = arith.addi %add3A_175, %add3A_204 : i32
        %sub3A = arith.constant 1 : i32
        %sub3A_206 = arith.subi %add3A_205, %sub3A : i32
        %lt3A_207 = arith.constant 128 : i32
        %lt3A_208 = arith.cmpi slt, %sub3A_206, %lt3A_207 : i32
        %convert_element_type3A_209 = arith.extui %lt3A_208 : i1 to i32
        %cond3A_210 = arith.constant 0 : i32
        %cond3A_211 = arith.cmpi ne, %convert_element_type3A_209, %cond3A_210 : i32
        scf.if %cond3A_211 {
          %mul3A_368 = arith.constant 80 : i32
          %mul3A_369 = arith.muli %sub3A_206, %mul3A_368 : i32
          %add3A_370 = arith.addi %mul3A_9, %mul3A_369 : i32
          %dma_start3A_371 = arith.constant 3 : i32
          %dma_start3A_372 = arith.constant 0 : i32
          %dma_start3A_373 = tpu.memref_slice %arg8[%dma_start3A_371, %dma_start3A_372] : memref<4x80xi32, #tpu.memory_space<vmem>> -> memref<1x80xi32, #tpu.memory_space<vmem>>
          %dma_start3A_374 = tpu.memref_squeeze %dma_start3A_373 : memref<1x80xi32, #tpu.memory_space<vmem>> -> memref<80xi32, #tpu.memory_space<vmem>>
          %dma_start3A_375 = tpu.memref_slice %arg4[%add3A_370] : memref<163840xi32, #tpu.memory_space<hbm>> -> memref<80xi32, #tpu.memory_space<hbm>>
          %dma_start3A_376 = arith.constant 0 : i32
          %dma_start3A_377 = tpu.memref_slice %arg8[%dma_start3A_371, %dma_start3A_376] : memref<4x80xi32, #tpu.memory_space<vmem>> -> memref<1x80xi32, #tpu.memory_space<vmem>>
          %dma_start3A_378 = tpu.memref_squeeze %dma_start3A_377 : memref<1x80xi32, #tpu.memory_space<vmem>> -> memref<80xi32, #tpu.memory_space<vmem>>
          %dma_start3A_379 = tpu.memref_slice %arg4[%add3A_370] : memref<163840xi32, #tpu.memory_space<hbm>> -> memref<80xi32, #tpu.memory_space<hbm>>
          tpu.enqueue_dma source(%dma_start3A_379 : memref<80xi32, #tpu.memory_space<hbm>>) target(%dma_start3A_378 : memref<80xi32, #tpu.memory_space<vmem>>) target_semaphore(%arg15 : memref<!tpu.dma_semaphore, #tpu.memory_space<semaphore_mem>>)
          %dma_start3A_380 = arith.constant 3 : i32
          %dma_start3A_381 = arith.constant 0 : i32
          %dma_start3A_382 = tpu.memref_slice %arg9[%dma_start3A_380, %dma_start3A_381] : memref<4x80xi32, #tpu.memory_space<vmem>> -> memref<1x80xi32, #tpu.memory_space<vmem>>
          %dma_start3A_383 = tpu.memref_squeeze %dma_start3A_382 : memref<1x80xi32, #tpu.memory_space<vmem>> -> memref<80xi32, #tpu.memory_space<vmem>>
          %dma_start3A_384 = tpu.memref_slice %arg5[%add3A_370] : memref<163840xi32, #tpu.memory_space<hbm>> -> memref<80xi32, #tpu.memory_space<hbm>>
          %dma_start3A_385 = arith.constant 0 : i32
          %dma_start3A_386 = tpu.memref_slice %arg9[%dma_start3A_380, %dma_start3A_385] : memref<4x80xi32, #tpu.memory_space<vmem>> -> memref<1x80xi32, #tpu.memory_space<vmem>>
          %dma_start3A_387 = tpu.memref_squeeze %dma_start3A_386 : memref<1x80xi32, #tpu.memory_space<vmem>> -> memref<80xi32, #tpu.memory_space<vmem>>
          %dma_start3A_388 = tpu.memref_slice %arg5[%add3A_370] : memref<163840xi32, #tpu.memory_space<hbm>> -> memref<80xi32, #tpu.memory_space<hbm>>
          tpu.enqueue_dma source(%dma_start3A_388 : memref<80xi32, #tpu.memory_space<hbm>>) target(%dma_start3A_387 : memref<80xi32, #tpu.memory_space<vmem>>) target_semaphore(%arg19 : memref<!tpu.dma_semaphore, #tpu.memory_space<semaphore_mem>>)
        } else {
        }
        %add3A_212 = arith.constant 4 : i32
        %add3A_213 = arith.addi %add3A_175, %add3A_212 : i32
        %sub3A_214 = arith.constant 2 : i32
        %sub3A_215 = arith.subi %add3A_213, %sub3A_214 : i32
        %lt3A_216 = arith.constant 128 : i32
        %lt3A_217 = arith.cmpi slt, %sub3A_215, %lt3A_216 : i32
        %convert_element_type3A_218 = arith.extui %lt3A_217 : i1 to i32
        %cond3A_219 = arith.constant 0 : i32
        %cond3A_220 = arith.cmpi ne, %convert_element_type3A_218, %cond3A_219 : i32
        scf.if %cond3A_220 {
          %add3A_368 = arith.constant 4 : i32
          %add3A_369 = arith.addi %add3A_175, %add3A_368 : i32
          %sub3A_370 = arith.constant 2 : i32
          %sub3A_371 = arith.subi %add3A_369, %sub3A_370 : i32
          %mul3A_372 = arith.constant 80 : i32
          %mul3A_373 = arith.muli %sub3A_371, %mul3A_372 : i32
          %add3A_374 = arith.addi %mul3A_9, %mul3A_373 : i32
          %dma_wait3A_375 = arith.constant 2 : i32
          %dma_wait3A_376 = arith.constant 0 : i32
          %dma_wait3A_377 = tpu.memref_slice %arg8[%dma_wait3A_375, %dma_wait3A_376] : memref<4x80xi32, #tpu.memory_space<vmem>> -> memref<1x80xi32, #tpu.memory_space<vmem>>
          %dma_wait3A_378 = tpu.memref_squeeze %dma_wait3A_377 : memref<1x80xi32, #tpu.memory_space<vmem>> -> memref<80xi32, #tpu.memory_space<vmem>>
          %dma_wait3A_379 = tpu.memref_slice %arg4[%add3A_374] : memref<163840xi32, #tpu.memory_space<hbm>> -> memref<80xi32, #tpu.memory_space<hbm>>
          %dma_wait3A_380 = arith.constant 0 : i32
          %dma_wait3A_381 = tpu.memref_slice %arg8[%dma_wait3A_375, %dma_wait3A_380] : memref<4x80xi32, #tpu.memory_space<vmem>> -> memref<1x80xi32, #tpu.memory_space<vmem>>
          %dma_wait3A_382 = tpu.memref_squeeze %dma_wait3A_381 : memref<1x80xi32, #tpu.memory_space<vmem>> -> memref<80xi32, #tpu.memory_space<vmem>>
          %dma_wait3A_383 = tpu.memref_slice %arg4[%add3A_374] : memref<163840xi32, #tpu.memory_space<hbm>> -> memref<80xi32, #tpu.memory_space<hbm>>
          tpu.wait_dma2 semaphore(%arg14 : memref<!tpu.dma_semaphore, #tpu.memory_space<semaphore_mem>>) src(%dma_wait3A_383 : memref<80xi32, #tpu.memory_space<hbm>>) dst(%dma_wait3A_382 : memref<80xi32, #tpu.memory_space<vmem>>)
          %dma_wait3A_384 = arith.constant 2 : i32
          %dma_wait3A_385 = arith.constant 0 : i32
          %dma_wait3A_386 = tpu.memref_slice %arg9[%dma_wait3A_384, %dma_wait3A_385] : memref<4x80xi32, #tpu.memory_space<vmem>> -> memref<1x80xi32, #tpu.memory_space<vmem>>
          %dma_wait3A_387 = tpu.memref_squeeze %dma_wait3A_386 : memref<1x80xi32, #tpu.memory_space<vmem>> -> memref<80xi32, #tpu.memory_space<vmem>>
          %dma_wait3A_388 = tpu.memref_slice %arg5[%add3A_374] : memref<163840xi32, #tpu.memory_space<hbm>> -> memref<80xi32, #tpu.memory_space<hbm>>
          %dma_wait3A_389 = arith.constant 0 : i32
          %dma_wait3A_390 = tpu.memref_slice %arg9[%dma_wait3A_384, %dma_wait3A_389] : memref<4x80xi32, #tpu.memory_space<vmem>> -> memref<1x80xi32, #tpu.memory_space<vmem>>
          %dma_wait3A_391 = tpu.memref_squeeze %dma_wait3A_390 : memref<1x80xi32, #tpu.memory_space<vmem>> -> memref<80xi32, #tpu.memory_space<vmem>>
          %dma_wait3A_392 = tpu.memref_slice %arg5[%add3A_374] : memref<163840xi32, #tpu.memory_space<hbm>> -> memref<80xi32, #tpu.memory_space<hbm>>
          tpu.wait_dma2 semaphore(%arg18 : memref<!tpu.dma_semaphore, #tpu.memory_space<semaphore_mem>>) src(%dma_wait3A_392 : memref<80xi32, #tpu.memory_space<hbm>>) dst(%dma_wait3A_391 : memref<80xi32, #tpu.memory_space<vmem>>)
          %add3A_393 = arith.constant 4 : i32
          %add3A_394 = arith.addi %add3A_175, %add3A_393 : i32
          %sub3A_395 = arith.constant 2 : i32
          %sub3A_396 = arith.subi %add3A_394, %sub3A_395 : i32
          %dma_start3A_397 = arith.constant 2 : i32
          %dma_start3A_398 = arith.constant 2 : i32
          %dma_start3A_399 = arith.constant 0 : i32
          %dma_start3A_400 = arith.constant 0 : i32
          %dma_start3A_401 = tpu.memref_slice %arg10[%dma_start3A_398, %dma_start3A_399, %dma_start3A_400] : memref<4x80x128xf32, #tpu.memory_space<vmem>> -> memref<1x80x128xf32, #tpu.memory_space<vmem>>
          %dma_start3A_402 = tpu.memref_squeeze %dma_start3A_401 : memref<1x80x128xf32, #tpu.memory_space<vmem>> -> memref<80x128xf32, #tpu.memory_space<vmem>>
          %dma_start3A_403 = arith.constant 0 : i32
          %dma_start3A_404 = tpu.memref_slice %arg8[%dma_start3A_397, %dma_start3A_403] : memref<4x80xi32, #tpu.memory_space<vmem>> -> memref<1x80xi32, #tpu.memory_space<vmem>>
          %dma_start3A_405 = tpu.memref_squeeze %dma_start3A_404 : memref<1x80xi32, #tpu.memory_space<vmem>> -> memref<80xi32, #tpu.memory_space<vmem>>
          %dma_start3A_406 = arith.constant 0 : i32
          %dma_start3A_407 = arith.constant 0 : i32
          %dma_start3A_408 = tpu.memref_slice %arg3[%dma_start3A_406, %dma_start3A_407] : memref<10000x128xf32, #tpu.memory_space<hbm>> -> memref<10000x128xf32, #tpu.memory_space<hbm>>
          tpu.enqueue_indirect_dma source(%dma_start3A_408 : memref<10000x128xf32, #tpu.memory_space<hbm>>) target(%dma_start3A_402 : memref<80x128xf32, #tpu.memory_space<vmem>>) offsets(%dma_start3A_405 : memref<80xi32, #tpu.memory_space<vmem>>) semaphore(%arg22 : memref<!tpu.dma_semaphore, #tpu.memory_space<semaphore_mem>>)
        } else {
        }
        %add3A_221 = arith.constant 1 : i32
        %add3A_222 = arith.addi %mul3A_173, %add3A_221 : i32
        %dma_wait3A_223 = arith.constant 1 : i32
        %dma_wait3A_224 = arith.constant 1 : i32
        %dma_wait3A_225 = arith.constant 0 : i32
        %dma_wait3A_226 = arith.constant 0 : i32
        %dma_wait3A_227 = tpu.memref_slice %arg10[%dma_wait3A_224, %dma_wait3A_225, %dma_wait3A_226] : memref<4x80x128xf32, #tpu.memory_space<vmem>> -> memref<1x80x128xf32, #tpu.memory_space<vmem>>
        %dma_wait3A_228 = tpu.memref_squeeze %dma_wait3A_227 : memref<1x80x128xf32, #tpu.memory_space<vmem>> -> memref<80x128xf32, #tpu.memory_space<vmem>>
        %dma_wait3A_229 = arith.constant 0 : i32
        %dma_wait3A_230 = tpu.memref_slice %arg8[%dma_wait3A_223, %dma_wait3A_229] : memref<4x80xi32, #tpu.memory_space<vmem>> -> memref<1x80xi32, #tpu.memory_space<vmem>>
        %dma_wait3A_231 = tpu.memref_squeeze %dma_wait3A_230 : memref<1x80xi32, #tpu.memory_space<vmem>> -> memref<80xi32, #tpu.memory_space<vmem>>
        %dma_wait3A_232 = arith.constant 0 : i32
        %dma_wait3A_233 = arith.constant 0 : i32
        %dma_wait3A_234 = tpu.memref_slice %arg3[%dma_wait3A_232, %dma_wait3A_233] : memref<10000x128xf32, #tpu.memory_space<hbm>> -> memref<10000x128xf32, #tpu.memory_space<hbm>>
        tpu.wait_indirect_dma semaphore(%arg21 : memref<!tpu.dma_semaphore, #tpu.memory_space<semaphore_mem>>) src(%dma_wait3A_234 : memref<10000x128xf32, #tpu.memory_space<hbm>>) dst(%dma_wait3A_228 : memref<80x128xf32, #tpu.memory_space<vmem>>)
        %dma_start3A_235 = arith.constant 1 : i32
        %dma_start3A_236 = arith.constant 1 : i32
        %dma_start3A_237 = arith.constant 0 : i32
        %dma_start3A_238 = arith.constant 0 : i32
        %dma_start3A_239 = tpu.memref_slice %arg10[%dma_start3A_235, %dma_start3A_237, %dma_start3A_238] : memref<4x80x128xf32, #tpu.memory_space<vmem>> -> memref<1x80x128xf32, #tpu.memory_space<vmem>>
        %dma_start3A_240 = tpu.memref_squeeze %dma_start3A_239 : memref<1x80x128xf32, #tpu.memory_space<vmem>> -> memref<80x128xf32, #tpu.memory_space<vmem>>
        %dma_start3A_241 = arith.constant 0 : i32
        %dma_start3A_242 = tpu.memref_slice %arg9[%dma_start3A_236, %dma_start3A_241] : memref<4x80xi32, #tpu.memory_space<vmem>> -> memref<1x80xi32, #tpu.memory_space<vmem>>
        %dma_start3A_243 = tpu.memref_squeeze %dma_start3A_242 : memref<1x80xi32, #tpu.memory_space<vmem>> -> memref<80xi32, #tpu.memory_space<vmem>>
        %dma_start3A_244 = arith.constant 0 : i32
        %dma_start3A_245 = arith.constant 0 : i32
        %dma_start3A_246 = tpu.memref_slice %arg11[%dma_start3A_244, %dma_start3A_245] : memref<10240x128xf32, #tpu.memory_space<vmem_shared>> -> memref<10240x128xf32, #tpu.memory_space<vmem_shared>>
        tpu.enqueue_indirect_dma source(%dma_start3A_240 : memref<80x128xf32, #tpu.memory_space<vmem>>) target(%dma_start3A_246 : memref<10240x128xf32, #tpu.memory_space<vmem_shared>>) offsets(%dma_start3A_243 : memref<80xi32, #tpu.memory_space<vmem>>) semaphore(%arg25 : memref<!tpu.dma_semaphore, #tpu.memory_space<semaphore_mem>>) {add = true}
        %ge3A_247 = arith.constant 1 : i32
        %ge3A_248 = arith.cmpi sge, %add3A_222, %ge3A_247 : i32
        %convert_element_type3A_249 = arith.extui %ge3A_248 : i1 to i32
        %cond3A_250 = arith.constant 0 : i32
        %cond3A_251 = arith.cmpi ne, %convert_element_type3A_249, %cond3A_250 : i32
        scf.if %cond3A_251 {
          %dma_wait3A_368 = arith.constant 0 : i32
          %dma_wait3A_369 = arith.constant 0 : i32
          %dma_wait3A_370 = arith.constant 0 : i32
          %dma_wait3A_371 = arith.constant 0 : i32
          %dma_wait3A_372 = tpu.memref_slice %arg10[%dma_wait3A_368, %dma_wait3A_370, %dma_wait3A_371] : memref<4x80x128xf32, #tpu.memory_space<vmem>> -> memref<1x80x128xf32, #tpu.memory_space<vmem>>
          %dma_wait3A_373 = tpu.memref_squeeze %dma_wait3A_372 : memref<1x80x128xf32, #tpu.memory_space<vmem>> -> memref<80x128xf32, #tpu.memory_space<vmem>>
          %dma_wait3A_374 = arith.constant 0 : i32
          %dma_wait3A_375 = tpu.memref_slice %arg9[%dma_wait3A_369, %dma_wait3A_374] : memref<4x80xi32, #tpu.memory_space<vmem>> -> memref<1x80xi32, #tpu.memory_space<vmem>>
          %dma_wait3A_376 = tpu.memref_squeeze %dma_wait3A_375 : memref<1x80xi32, #tpu.memory_space<vmem>> -> memref<80xi32, #tpu.memory_space<vmem>>
          %dma_wait3A_377 = arith.constant 0 : i32
          %dma_wait3A_378 = arith.constant 0 : i32
          %dma_wait3A_379 = tpu.memref_slice %arg11[%dma_wait3A_377, %dma_wait3A_378] : memref<10240x128xf32, #tpu.memory_space<vmem_shared>> -> memref<10240x128xf32, #tpu.memory_space<vmem_shared>>
          tpu.wait_indirect_dma semaphore(%arg24 : memref<!tpu.dma_semaphore, #tpu.memory_space<semaphore_mem>>) src(%dma_wait3A_373 : memref<80x128xf32, #tpu.memory_space<vmem>>) dst(%dma_wait3A_379 : memref<10240x128xf32, #tpu.memory_space<vmem_shared>>)
        } else {
        }
        %add3A_252 = arith.constant 4 : i32
        %add3A_253 = arith.addi %add3A_222, %add3A_252 : i32
        %sub3A_254 = arith.constant 1 : i32
        %sub3A_255 = arith.subi %add3A_253, %sub3A_254 : i32
        %lt3A_256 = arith.constant 128 : i32
        %lt3A_257 = arith.cmpi slt, %sub3A_255, %lt3A_256 : i32
        %convert_element_type3A_258 = arith.extui %lt3A_257 : i1 to i32
        %cond3A_259 = arith.constant 0 : i32
        %cond3A_260 = arith.cmpi ne, %convert_element_type3A_258, %cond3A_259 : i32
        scf.if %cond3A_260 {
          %mul3A_368 = arith.constant 80 : i32
          %mul3A_369 = arith.muli %sub3A_255, %mul3A_368 : i32
          %add3A_370 = arith.addi %mul3A_9, %mul3A_369 : i32
          %dma_start3A_371 = arith.constant 0 : i32
          %dma_start3A_372 = arith.constant 0 : i32
          %dma_start3A_373 = tpu.memref_slice %arg8[%dma_start3A_371, %dma_start3A_372] : memref<4x80xi32, #tpu.memory_space<vmem>> -> memref<1x80xi32, #tpu.memory_space<vmem>>
          %dma_start3A_374 = tpu.memref_squeeze %dma_start3A_373 : memref<1x80xi32, #tpu.memory_space<vmem>> -> memref<80xi32, #tpu.memory_space<vmem>>
          %dma_start3A_375 = tpu.memref_slice %arg4[%add3A_370] : memref<163840xi32, #tpu.memory_space<hbm>> -> memref<80xi32, #tpu.memory_space<hbm>>
          %dma_start3A_376 = arith.constant 0 : i32
          %dma_start3A_377 = tpu.memref_slice %arg8[%dma_start3A_371, %dma_start3A_376] : memref<4x80xi32, #tpu.memory_space<vmem>> -> memref<1x80xi32, #tpu.memory_space<vmem>>
          %dma_start3A_378 = tpu.memref_squeeze %dma_start3A_377 : memref<1x80xi32, #tpu.memory_space<vmem>> -> memref<80xi32, #tpu.memory_space<vmem>>
          %dma_start3A_379 = tpu.memref_slice %arg4[%add3A_370] : memref<163840xi32, #tpu.memory_space<hbm>> -> memref<80xi32, #tpu.memory_space<hbm>>
          tpu.enqueue_dma source(%dma_start3A_379 : memref<80xi32, #tpu.memory_space<hbm>>) target(%dma_start3A_378 : memref<80xi32, #tpu.memory_space<vmem>>) target_semaphore(%arg12 : memref<!tpu.dma_semaphore, #tpu.memory_space<semaphore_mem>>)
          %dma_start3A_380 = arith.constant 0 : i32
          %dma_start3A_381 = arith.constant 0 : i32
          %dma_start3A_382 = tpu.memref_slice %arg9[%dma_start3A_380, %dma_start3A_381] : memref<4x80xi32, #tpu.memory_space<vmem>> -> memref<1x80xi32, #tpu.memory_space<vmem>>
          %dma_start3A_383 = tpu.memref_squeeze %dma_start3A_382 : memref<1x80xi32, #tpu.memory_space<vmem>> -> memref<80xi32, #tpu.memory_space<vmem>>
          %dma_start3A_384 = tpu.memref_slice %arg5[%add3A_370] : memref<163840xi32, #tpu.memory_space<hbm>> -> memref<80xi32, #tpu.memory_space<hbm>>
          %dma_start3A_385 = arith.constant 0 : i32
          %dma_start3A_386 = tpu.memref_slice %arg9[%dma_start3A_380, %dma_start3A_385] : memref<4x80xi32, #tpu.memory_space<vmem>> -> memref<1x80xi32, #tpu.memory_space<vmem>>
          %dma_start3A_387 = tpu.memref_squeeze %dma_start3A_386 : memref<1x80xi32, #tpu.memory_space<vmem>> -> memref<80xi32, #tpu.memory_space<vmem>>
          %dma_start3A_388 = tpu.memref_slice %arg5[%add3A_370] : memref<163840xi32, #tpu.memory_space<hbm>> -> memref<80xi32, #tpu.memory_space<hbm>>
          tpu.enqueue_dma source(%dma_start3A_388 : memref<80xi32, #tpu.memory_space<hbm>>) target(%dma_start3A_387 : memref<80xi32, #tpu.memory_space<vmem>>) target_semaphore(%arg16 : memref<!tpu.dma_semaphore, #tpu.memory_space<semaphore_mem>>)
        } else {
        }
        %add3A_261 = arith.constant 4 : i32
        %add3A_262 = arith.addi %add3A_222, %add3A_261 : i32
        %sub3A_263 = arith.constant 2 : i32
        %sub3A_264 = arith.subi %add3A_262, %sub3A_263 : i32
        %lt3A_265 = arith.constant 128 : i32
        %lt3A_266 = arith.cmpi slt, %sub3A_264, %lt3A_265 : i32
        %convert_element_type3A_267 = arith.extui %lt3A_266 : i1 to i32
        %cond3A_268 = arith.constant 0 : i32
        %cond3A_269 = arith.cmpi ne, %convert_element_type3A_267, %cond3A_268 : i32
        scf.if %cond3A_269 {
          %add3A_368 = arith.constant 4 : i32
          %add3A_369 = arith.addi %add3A_222, %add3A_368 : i32
          %sub3A_370 = arith.constant 2 : i32
          %sub3A_371 = arith.subi %add3A_369, %sub3A_370 : i32
          %mul3A_372 = arith.constant 80 : i32
          %mul3A_373 = arith.muli %sub3A_371, %mul3A_372 : i32
          %add3A_374 = arith.addi %mul3A_9, %mul3A_373 : i32
          %dma_wait3A_375 = arith.constant 3 : i32
          %dma_wait3A_376 = arith.constant 0 : i32
          %dma_wait3A_377 = tpu.memref_slice %arg8[%dma_wait3A_375, %dma_wait3A_376] : memref<4x80xi32, #tpu.memory_space<vmem>> -> memref<1x80xi32, #tpu.memory_space<vmem>>
          %dma_wait3A_378 = tpu.memref_squeeze %dma_wait3A_377 : memref<1x80xi32, #tpu.memory_space<vmem>> -> memref<80xi32, #tpu.memory_space<vmem>>
          %dma_wait3A_379 = tpu.memref_slice %arg4[%add3A_374] : memref<163840xi32, #tpu.memory_space<hbm>> -> memref<80xi32, #tpu.memory_space<hbm>>
          %dma_wait3A_380 = arith.constant 0 : i32
          %dma_wait3A_381 = tpu.memref_slice %arg8[%dma_wait3A_375, %dma_wait3A_380] : memref<4x80xi32, #tpu.memory_space<vmem>> -> memref<1x80xi32, #tpu.memory_space<vmem>>
          %dma_wait3A_382 = tpu.memref_squeeze %dma_wait3A_381 : memref<1x80xi32, #tpu.memory_space<vmem>> -> memref<80xi32, #tpu.memory_space<vmem>>
          %dma_wait3A_383 = tpu.memref_slice %arg4[%add3A_374] : memref<163840xi32, #tpu.memory_space<hbm>> -> memref<80xi32, #tpu.memory_space<hbm>>
          tpu.wait_dma2 semaphore(%arg15 : memref<!tpu.dma_semaphore, #tpu.memory_space<semaphore_mem>>) src(%dma_wait3A_383 : memref<80xi32, #tpu.memory_space<hbm>>) dst(%dma_wait3A_382 : memref<80xi32, #tpu.memory_space<vmem>>)
          %dma_wait3A_384 = arith.constant 3 : i32
          %dma_wait3A_385 = arith.constant 0 : i32
          %dma_wait3A_386 = tpu.memref_slice %arg9[%dma_wait3A_384, %dma_wait3A_385] : memref<4x80xi32, #tpu.memory_space<vmem>> -> memref<1x80xi32, #tpu.memory_space<vmem>>
          %dma_wait3A_387 = tpu.memref_squeeze %dma_wait3A_386 : memref<1x80xi32, #tpu.memory_space<vmem>> -> memref<80xi32, #tpu.memory_space<vmem>>
          %dma_wait3A_388 = tpu.memref_slice %arg5[%add3A_374] : memref<163840xi32, #tpu.memory_space<hbm>> -> memref<80xi32, #tpu.memory_space<hbm>>
          %dma_wait3A_389 = arith.constant 0 : i32
          %dma_wait3A_390 = tpu.memref_slice %arg9[%dma_wait3A_384, %dma_wait3A_389] : memref<4x80xi32, #tpu.memory_space<vmem>> -> memref<1x80xi32, #tpu.memory_space<vmem>>
          %dma_wait3A_391 = tpu.memref_squeeze %dma_wait3A_390 : memref<1x80xi32, #tpu.memory_space<vmem>> -> memref<80xi32, #tpu.memory_space<vmem>>
          %dma_wait3A_392 = tpu.memref_slice %arg5[%add3A_374] : memref<163840xi32, #tpu.memory_space<hbm>> -> memref<80xi32, #tpu.memory_space<hbm>>
          tpu.wait_dma2 semaphore(%arg19 : memref<!tpu.dma_semaphore, #tpu.memory_space<semaphore_mem>>) src(%dma_wait3A_392 : memref<80xi32, #tpu.memory_space<hbm>>) dst(%dma_wait3A_391 : memref<80xi32, #tpu.memory_space<vmem>>)
          %add3A_393 = arith.constant 4 : i32
          %add3A_394 = arith.addi %add3A_222, %add3A_393 : i32
          %sub3A_395 = arith.constant 2 : i32
          %sub3A_396 = arith.subi %add3A_394, %sub3A_395 : i32
          %dma_start3A_397 = arith.constant 3 : i32
          %dma_start3A_398 = arith.constant 3 : i32
          %dma_start3A_399 = arith.constant 0 : i32
          %dma_start3A_400 = arith.constant 0 : i32
          %dma_start3A_401 = tpu.memref_slice %arg10[%dma_start3A_398, %dma_start3A_399, %dma_start3A_400] : memref<4x80x128xf32, #tpu.memory_space<vmem>> -> memref<1x80x128xf32, #tpu.memory_space<vmem>>
          %dma_start3A_402 = tpu.memref_squeeze %dma_start3A_401 : memref<1x80x128xf32, #tpu.memory_space<vmem>> -> memref<80x128xf32, #tpu.memory_space<vmem>>
          %dma_start3A_403 = arith.constant 0 : i32
          %dma_start3A_404 = tpu.memref_slice %arg8[%dma_start3A_397, %dma_start3A_403] : memref<4x80xi32, #tpu.memory_space<vmem>> -> memref<1x80xi32, #tpu.memory_space<vmem>>
          %dma_start3A_405 = tpu.memref_squeeze %dma_start3A_404 : memref<1x80xi32, #tpu.memory_space<vmem>> -> memref<80xi32, #tpu.memory_space<vmem>>
          %dma_start3A_406 = arith.constant 0 : i32
          %dma_start3A_407 = arith.constant 0 : i32
          %dma_start3A_408 = tpu.memref_slice %arg3[%dma_start3A_406, %dma_start3A_407] : memref<10000x128xf32, #tpu.memory_space<hbm>> -> memref<10000x128xf32, #tpu.memory_space<hbm>>
          tpu.enqueue_indirect_dma source(%dma_start3A_408 : memref<10000x128xf32, #tpu.memory_space<hbm>>) target(%dma_start3A_402 : memref<80x128xf32, #tpu.memory_space<vmem>>) offsets(%dma_start3A_405 : memref<80xi32, #tpu.memory_space<vmem>>) semaphore(%arg23 : memref<!tpu.dma_semaphore, #tpu.memory_space<semaphore_mem>>)
        } else {
        }
        %add3A_270 = arith.constant 2 : i32
        %add3A_271 = arith.addi %mul3A_173, %add3A_270 : i32
        %dma_wait3A_272 = arith.constant 2 : i32
        %dma_wait3A_273 = arith.constant 2 : i32
        %dma_wait3A_274 = arith.constant 0 : i32
        %dma_wait3A_275 = arith.constant 0 : i32
        %dma_wait3A_276 = tpu.memref_slice %arg10[%dma_wait3A_273, %dma_wait3A_274, %dma_wait3A_275] : memref<4x80x128xf32, #tpu.memory_space<vmem>> -> memref<1x80x128xf32, #tpu.memory_space<vmem>>
        %dma_wait3A_277 = tpu.memref_squeeze %dma_wait3A_276 : memref<1x80x128xf32, #tpu.memory_space<vmem>> -> memref<80x128xf32, #tpu.memory_space<vmem>>
        %dma_wait3A_278 = arith.constant 0 : i32
        %dma_wait3A_279 = tpu.memref_slice %arg8[%dma_wait3A_272, %dma_wait3A_278] : memref<4x80xi32, #tpu.memory_space<vmem>> -> memref<1x80xi32, #tpu.memory_space<vmem>>
        %dma_wait3A_280 = tpu.memref_squeeze %dma_wait3A_279 : memref<1x80xi32, #tpu.memory_space<vmem>> -> memref<80xi32, #tpu.memory_space<vmem>>
        %dma_wait3A_281 = arith.constant 0 : i32
        %dma_wait3A_282 = arith.constant 0 : i32
        %dma_wait3A_283 = tpu.memref_slice %arg3[%dma_wait3A_281, %dma_wait3A_282] : memref<10000x128xf32, #tpu.memory_space<hbm>> -> memref<10000x128xf32, #tpu.memory_space<hbm>>
        tpu.wait_indirect_dma semaphore(%arg22 : memref<!tpu.dma_semaphore, #tpu.memory_space<semaphore_mem>>) src(%dma_wait3A_283 : memref<10000x128xf32, #tpu.memory_space<hbm>>) dst(%dma_wait3A_277 : memref<80x128xf32, #tpu.memory_space<vmem>>)
        %dma_start3A_284 = arith.constant 2 : i32
        %dma_start3A_285 = arith.constant 2 : i32
        %dma_start3A_286 = arith.constant 0 : i32
        %dma_start3A_287 = arith.constant 0 : i32
        %dma_start3A_288 = tpu.memref_slice %arg10[%dma_start3A_284, %dma_start3A_286, %dma_start3A_287] : memref<4x80x128xf32, #tpu.memory_space<vmem>> -> memref<1x80x128xf32, #tpu.memory_space<vmem>>
        %dma_start3A_289 = tpu.memref_squeeze %dma_start3A_288 : memref<1x80x128xf32, #tpu.memory_space<vmem>> -> memref<80x128xf32, #tpu.memory_space<vmem>>
        %dma_start3A_290 = arith.constant 0 : i32
        %dma_start3A_291 = tpu.memref_slice %arg9[%dma_start3A_285, %dma_start3A_290] : memref<4x80xi32, #tpu.memory_space<vmem>> -> memref<1x80xi32, #tpu.memory_space<vmem>>
        %dma_start3A_292 = tpu.memref_squeeze %dma_start3A_291 : memref<1x80xi32, #tpu.memory_space<vmem>> -> memref<80xi32, #tpu.memory_space<vmem>>
        %dma_start3A_293 = arith.constant 0 : i32
        %dma_start3A_294 = arith.constant 0 : i32
        %dma_start3A_295 = tpu.memref_slice %arg11[%dma_start3A_293, %dma_start3A_294] : memref<10240x128xf32, #tpu.memory_space<vmem_shared>> -> memref<10240x128xf32, #tpu.memory_space<vmem_shared>>
        tpu.enqueue_indirect_dma source(%dma_start3A_289 : memref<80x128xf32, #tpu.memory_space<vmem>>) target(%dma_start3A_295 : memref<10240x128xf32, #tpu.memory_space<vmem_shared>>) offsets(%dma_start3A_292 : memref<80xi32, #tpu.memory_space<vmem>>) semaphore(%arg26 : memref<!tpu.dma_semaphore, #tpu.memory_space<semaphore_mem>>) {add = true}
        %ge3A_296 = arith.constant 1 : i32
        %ge3A_297 = arith.cmpi sge, %add3A_271, %ge3A_296 : i32
        %convert_element_type3A_298 = arith.extui %ge3A_297 : i1 to i32
        %cond3A_299 = arith.constant 0 : i32
        %cond3A_300 = arith.cmpi ne, %convert_element_type3A_298, %cond3A_299 : i32
        scf.if %cond3A_300 {
          %dma_wait3A_368 = arith.constant 1 : i32
          %dma_wait3A_369 = arith.constant 0 : i32
          %dma_wait3A_370 = arith.constant 0 : i32
          %dma_wait3A_371 = arith.constant 0 : i32
          %dma_wait3A_372 = tpu.memref_slice %arg10[%dma_wait3A_368, %dma_wait3A_370, %dma_wait3A_371] : memref<4x80x128xf32, #tpu.memory_space<vmem>> -> memref<1x80x128xf32, #tpu.memory_space<vmem>>
          %dma_wait3A_373 = tpu.memref_squeeze %dma_wait3A_372 : memref<1x80x128xf32, #tpu.memory_space<vmem>> -> memref<80x128xf32, #tpu.memory_space<vmem>>
          %dma_wait3A_374 = arith.constant 0 : i32
          %dma_wait3A_375 = tpu.memref_slice %arg9[%dma_wait3A_369, %dma_wait3A_374] : memref<4x80xi32, #tpu.memory_space<vmem>> -> memref<1x80xi32, #tpu.memory_space<vmem>>
          %dma_wait3A_376 = tpu.memref_squeeze %dma_wait3A_375 : memref<1x80xi32, #tpu.memory_space<vmem>> -> memref<80xi32, #tpu.memory_space<vmem>>
          %dma_wait3A_377 = arith.constant 0 : i32
          %dma_wait3A_378 = arith.constant 0 : i32
          %dma_wait3A_379 = tpu.memref_slice %arg11[%dma_wait3A_377, %dma_wait3A_378] : memref<10240x128xf32, #tpu.memory_space<vmem_shared>> -> memref<10240x128xf32, #tpu.memory_space<vmem_shared>>
          tpu.wait_indirect_dma semaphore(%arg25 : memref<!tpu.dma_semaphore, #tpu.memory_space<semaphore_mem>>) src(%dma_wait3A_373 : memref<80x128xf32, #tpu.memory_space<vmem>>) dst(%dma_wait3A_379 : memref<10240x128xf32, #tpu.memory_space<vmem_shared>>)
        } else {
        }
        %add3A_301 = arith.constant 4 : i32
        %add3A_302 = arith.addi %add3A_271, %add3A_301 : i32
        %sub3A_303 = arith.constant 1 : i32
        %sub3A_304 = arith.subi %add3A_302, %sub3A_303 : i32
        %lt3A_305 = arith.constant 128 : i32
        %lt3A_306 = arith.cmpi slt, %sub3A_304, %lt3A_305 : i32
        %convert_element_type3A_307 = arith.extui %lt3A_306 : i1 to i32
        %cond3A_308 = arith.constant 0 : i32
        %cond3A_309 = arith.cmpi ne, %convert_element_type3A_307, %cond3A_308 : i32
        scf.if %cond3A_309 {
          %mul3A_368 = arith.constant 80 : i32
          %mul3A_369 = arith.muli %sub3A_304, %mul3A_368 : i32
          %add3A_370 = arith.addi %mul3A_9, %mul3A_369 : i32
          %dma_start3A_371 = arith.constant 1 : i32
          %dma_start3A_372 = arith.constant 0 : i32
          %dma_start3A_373 = tpu.memref_slice %arg8[%dma_start3A_371, %dma_start3A_372] : memref<4x80xi32, #tpu.memory_space<vmem>> -> memref<1x80xi32, #tpu.memory_space<vmem>>
          %dma_start3A_374 = tpu.memref_squeeze %dma_start3A_373 : memref<1x80xi32, #tpu.memory_space<vmem>> -> memref<80xi32, #tpu.memory_space<vmem>>
          %dma_start3A_375 = tpu.memref_slice %arg4[%add3A_370] : memref<163840xi32, #tpu.memory_space<hbm>> -> memref<80xi32, #tpu.memory_space<hbm>>
          %dma_start3A_376 = arith.constant 0 : i32
          %dma_start3A_377 = tpu.memref_slice %arg8[%dma_start3A_371, %dma_start3A_376] : memref<4x80xi32, #tpu.memory_space<vmem>> -> memref<1x80xi32, #tpu.memory_space<vmem>>
          %dma_start3A_378 = tpu.memref_squeeze %dma_start3A_377 : memref<1x80xi32, #tpu.memory_space<vmem>> -> memref<80xi32, #tpu.memory_space<vmem>>
          %dma_start3A_379 = tpu.memref_slice %arg4[%add3A_370] : memref<163840xi32, #tpu.memory_space<hbm>> -> memref<80xi32, #tpu.memory_space<hbm>>
          tpu.enqueue_dma source(%dma_start3A_379 : memref<80xi32, #tpu.memory_space<hbm>>) target(%dma_start3A_378 : memref<80xi32, #tpu.memory_space<vmem>>) target_semaphore(%arg13 : memref<!tpu.dma_semaphore, #tpu.memory_space<semaphore_mem>>)
          %dma_start3A_380 = arith.constant 1 : i32
          %dma_start3A_381 = arith.constant 0 : i32
          %dma_start3A_382 = tpu.memref_slice %arg9[%dma_start3A_380, %dma_start3A_381] : memref<4x80xi32, #tpu.memory_space<vmem>> -> memref<1x80xi32, #tpu.memory_space<vmem>>
          %dma_start3A_383 = tpu.memref_squeeze %dma_start3A_382 : memref<1x80xi32, #tpu.memory_space<vmem>> -> memref<80xi32, #tpu.memory_space<vmem>>
          %dma_start3A_384 = tpu.memref_slice %arg5[%add3A_370] : memref<163840xi32, #tpu.memory_space<hbm>> -> memref<80xi32, #tpu.memory_space<hbm>>
          %dma_start3A_385 = arith.constant 0 : i32
          %dma_start3A_386 = tpu.memref_slice %arg9[%dma_start3A_380, %dma_start3A_385] : memref<4x80xi32, #tpu.memory_space<vmem>> -> memref<1x80xi32, #tpu.memory_space<vmem>>
          %dma_start3A_387 = tpu.memref_squeeze %dma_start3A_386 : memref<1x80xi32, #tpu.memory_space<vmem>> -> memref<80xi32, #tpu.memory_space<vmem>>
          %dma_start3A_388 = tpu.memref_slice %arg5[%add3A_370] : memref<163840xi32, #tpu.memory_space<hbm>> -> memref<80xi32, #tpu.memory_space<hbm>>
          tpu.enqueue_dma source(%dma_start3A_388 : memref<80xi32, #tpu.memory_space<hbm>>) target(%dma_start3A_387 : memref<80xi32, #tpu.memory_space<vmem>>) target_semaphore(%arg17 : memref<!tpu.dma_semaphore, #tpu.memory_space<semaphore_mem>>)
        } else {
        }
        %add3A_310 = arith.constant 4 : i32
        %add3A_311 = arith.addi %add3A_271, %add3A_310 : i32
        %sub3A_312 = arith.constant 2 : i32
        %sub3A_313 = arith.subi %add3A_311, %sub3A_312 : i32
        %lt3A_314 = arith.constant 128 : i32
        %lt3A_315 = arith.cmpi slt, %sub3A_313, %lt3A_314 : i32
        %convert_element_type3A_316 = arith.extui %lt3A_315 : i1 to i32
        %cond3A_317 = arith.constant 0 : i32
        %cond3A_318 = arith.cmpi ne, %convert_element_type3A_316, %cond3A_317 : i32
        scf.if %cond3A_318 {
          %add3A_368 = arith.constant 4 : i32
          %add3A_369 = arith.addi %add3A_271, %add3A_368 : i32
          %sub3A_370 = arith.constant 2 : i32
          %sub3A_371 = arith.subi %add3A_369, %sub3A_370 : i32
          %mul3A_372 = arith.constant 80 : i32
          %mul3A_373 = arith.muli %sub3A_371, %mul3A_372 : i32
          %add3A_374 = arith.addi %mul3A_9, %mul3A_373 : i32
          %dma_wait3A_375 = arith.constant 0 : i32
          %dma_wait3A_376 = arith.constant 0 : i32
          %dma_wait3A_377 = tpu.memref_slice %arg8[%dma_wait3A_375, %dma_wait3A_376] : memref<4x80xi32, #tpu.memory_space<vmem>> -> memref<1x80xi32, #tpu.memory_space<vmem>>
          %dma_wait3A_378 = tpu.memref_squeeze %dma_wait3A_377 : memref<1x80xi32, #tpu.memory_space<vmem>> -> memref<80xi32, #tpu.memory_space<vmem>>
          %dma_wait3A_379 = tpu.memref_slice %arg4[%add3A_374] : memref<163840xi32, #tpu.memory_space<hbm>> -> memref<80xi32, #tpu.memory_space<hbm>>
          %dma_wait3A_380 = arith.constant 0 : i32
          %dma_wait3A_381 = tpu.memref_slice %arg8[%dma_wait3A_375, %dma_wait3A_380] : memref<4x80xi32, #tpu.memory_space<vmem>> -> memref<1x80xi32, #tpu.memory_space<vmem>>
          %dma_wait3A_382 = tpu.memref_squeeze %dma_wait3A_381 : memref<1x80xi32, #tpu.memory_space<vmem>> -> memref<80xi32, #tpu.memory_space<vmem>>
          %dma_wait3A_383 = tpu.memref_slice %arg4[%add3A_374] : memref<163840xi32, #tpu.memory_space<hbm>> -> memref<80xi32, #tpu.memory_space<hbm>>
          tpu.wait_dma2 semaphore(%arg12 : memref<!tpu.dma_semaphore, #tpu.memory_space<semaphore_mem>>) src(%dma_wait3A_383 : memref<80xi32, #tpu.memory_space<hbm>>) dst(%dma_wait3A_382 : memref<80xi32, #tpu.memory_space<vmem>>)
          %dma_wait3A_384 = arith.constant 0 : i32
          %dma_wait3A_385 = arith.constant 0 : i32
          %dma_wait3A_386 = tpu.memref_slice %arg9[%dma_wait3A_384, %dma_wait3A_385] : memref<4x80xi32, #tpu.memory_space<vmem>> -> memref<1x80xi32, #tpu.memory_space<vmem>>
          %dma_wait3A_387 = tpu.memref_squeeze %dma_wait3A_386 : memref<1x80xi32, #tpu.memory_space<vmem>> -> memref<80xi32, #tpu.memory_space<vmem>>
          %dma_wait3A_388 = tpu.memref_slice %arg5[%add3A_374] : memref<163840xi32, #tpu.memory_space<hbm>> -> memref<80xi32, #tpu.memory_space<hbm>>
          %dma_wait3A_389 = arith.constant 0 : i32
          %dma_wait3A_390 = tpu.memref_slice %arg9[%dma_wait3A_384, %dma_wait3A_389] : memref<4x80xi32, #tpu.memory_space<vmem>> -> memref<1x80xi32, #tpu.memory_space<vmem>>
          %dma_wait3A_391 = tpu.memref_squeeze %dma_wait3A_390 : memref<1x80xi32, #tpu.memory_space<vmem>> -> memref<80xi32, #tpu.memory_space<vmem>>
          %dma_wait3A_392 = tpu.memref_slice %arg5[%add3A_374] : memref<163840xi32, #tpu.memory_space<hbm>> -> memref<80xi32, #tpu.memory_space<hbm>>
          tpu.wait_dma2 semaphore(%arg16 : memref<!tpu.dma_semaphore, #tpu.memory_space<semaphore_mem>>) src(%dma_wait3A_392 : memref<80xi32, #tpu.memory_space<hbm>>) dst(%dma_wait3A_391 : memref<80xi32, #tpu.memory_space<vmem>>)
          %add3A_393 = arith.constant 4 : i32
          %add3A_394 = arith.addi %add3A_271, %add3A_393 : i32
          %sub3A_395 = arith.constant 2 : i32
          %sub3A_396 = arith.subi %add3A_394, %sub3A_395 : i32
          %dma_start3A_397 = arith.constant 0 : i32
          %dma_start3A_398 = arith.constant 0 : i32
          %dma_start3A_399 = arith.constant 0 : i32
          %dma_start3A_400 = arith.constant 0 : i32
          %dma_start3A_401 = tpu.memref_slice %arg10[%dma_start3A_398, %dma_start3A_399, %dma_start3A_400] : memref<4x80x128xf32, #tpu.memory_space<vmem>> -> memref<1x80x128xf32, #tpu.memory_space<vmem>>
          %dma_start3A_402 = tpu.memref_squeeze %dma_start3A_401 : memref<1x80x128xf32, #tpu.memory_space<vmem>> -> memref<80x128xf32, #tpu.memory_space<vmem>>
          %dma_start3A_403 = arith.constant 0 : i32
          %dma_start3A_404 = tpu.memref_slice %arg8[%dma_start3A_397, %dma_start3A_403] : memref<4x80xi32, #tpu.memory_space<vmem>> -> memref<1x80xi32, #tpu.memory_space<vmem>>
          %dma_start3A_405 = tpu.memref_squeeze %dma_start3A_404 : memref<1x80xi32, #tpu.memory_space<vmem>> -> memref<80xi32, #tpu.memory_space<vmem>>
          %dma_start3A_406 = arith.constant 0 : i32
          %dma_start3A_407 = arith.constant 0 : i32
          %dma_start3A_408 = tpu.memref_slice %arg3[%dma_start3A_406, %dma_start3A_407] : memref<10000x128xf32, #tpu.memory_space<hbm>> -> memref<10000x128xf32, #tpu.memory_space<hbm>>
          tpu.enqueue_indirect_dma source(%dma_start3A_408 : memref<10000x128xf32, #tpu.memory_space<hbm>>) target(%dma_start3A_402 : memref<80x128xf32, #tpu.memory_space<vmem>>) offsets(%dma_start3A_405 : memref<80xi32, #tpu.memory_space<vmem>>) semaphore(%arg20 : memref<!tpu.dma_semaphore, #tpu.memory_space<semaphore_mem>>)
        } else {
        }
        %add3A_319 = arith.constant 3 : i32
        %add3A_320 = arith.addi %mul3A_173, %add3A_319 : i32
        %dma_wait3A_321 = arith.constant 3 : i32
        %dma_wait3A_322 = arith.constant 3 : i32
        %dma_wait3A_323 = arith.constant 0 : i32
        %dma_wait3A_324 = arith.constant 0 : i32
        %dma_wait3A_325 = tpu.memref_slice %arg10[%dma_wait3A_322, %dma_wait3A_323, %dma_wait3A_324] : memref<4x80x128xf32, #tpu.memory_space<vmem>> -> memref<1x80x128xf32, #tpu.memory_space<vmem>>
        %dma_wait3A_326 = tpu.memref_squeeze %dma_wait3A_325 : memref<1x80x128xf32, #tpu.memory_space<vmem>> -> memref<80x128xf32, #tpu.memory_space<vmem>>
        %dma_wait3A_327 = arith.constant 0 : i32
        %dma_wait3A_328 = tpu.memref_slice %arg8[%dma_wait3A_321, %dma_wait3A_327] : memref<4x80xi32, #tpu.memory_space<vmem>> -> memref<1x80xi32, #tpu.memory_space<vmem>>
        %dma_wait3A_329 = tpu.memref_squeeze %dma_wait3A_328 : memref<1x80xi32, #tpu.memory_space<vmem>> -> memref<80xi32, #tpu.memory_space<vmem>>
        %dma_wait3A_330 = arith.constant 0 : i32
        %dma_wait3A_331 = arith.constant 0 : i32
        %dma_wait3A_332 = tpu.memref_slice %arg3[%dma_wait3A_330, %dma_wait3A_331] : memref<10000x128xf32, #tpu.memory_space<hbm>> -> memref<10000x128xf32, #tpu.memory_space<hbm>>
        tpu.wait_indirect_dma semaphore(%arg23 : memref<!tpu.dma_semaphore, #tpu.memory_space<semaphore_mem>>) src(%dma_wait3A_332 : memref<10000x128xf32, #tpu.memory_space<hbm>>) dst(%dma_wait3A_326 : memref<80x128xf32, #tpu.memory_space<vmem>>)
        %dma_start3A_333 = arith.constant 3 : i32
        %dma_start3A_334 = arith.constant 3 : i32
        %dma_start3A_335 = arith.constant 0 : i32
        %dma_start3A_336 = arith.constant 0 : i32
        %dma_start3A_337 = tpu.memref_slice %arg10[%dma_start3A_333, %dma_start3A_335, %dma_start3A_336] : memref<4x80x128xf32, #tpu.memory_space<vmem>> -> memref<1x80x128xf32, #tpu.memory_space<vmem>>
        %dma_start3A_338 = tpu.memref_squeeze %dma_start3A_337 : memref<1x80x128xf32, #tpu.memory_space<vmem>> -> memref<80x128xf32, #tpu.memory_space<vmem>>
        %dma_start3A_339 = arith.constant 0 : i32
        %dma_start3A_340 = tpu.memref_slice %arg9[%dma_start3A_334, %dma_start3A_339] : memref<4x80xi32, #tpu.memory_space<vmem>> -> memref<1x80xi32, #tpu.memory_space<vmem>>
        %dma_start3A_341 = tpu.memref_squeeze %dma_start3A_340 : memref<1x80xi32, #tpu.memory_space<vmem>> -> memref<80xi32, #tpu.memory_space<vmem>>
        %dma_start3A_342 = arith.constant 0 : i32
        %dma_start3A_343 = arith.constant 0 : i32
        %dma_start3A_344 = tpu.memref_slice %arg11[%dma_start3A_342, %dma_start3A_343] : memref<10240x128xf32, #tpu.memory_space<vmem_shared>> -> memref<10240x128xf32, #tpu.memory_space<vmem_shared>>
        tpu.enqueue_indirect_dma source(%dma_start3A_338 : memref<80x128xf32, #tpu.memory_space<vmem>>) target(%dma_start3A_344 : memref<10240x128xf32, #tpu.memory_space<vmem_shared>>) offsets(%dma_start3A_341 : memref<80xi32, #tpu.memory_space<vmem>>) semaphore(%arg27 : memref<!tpu.dma_semaphore, #tpu.memory_space<semaphore_mem>>) {add = true}
        %ge3A_345 = arith.constant 1 : i32
        %ge3A_346 = arith.cmpi sge, %add3A_320, %ge3A_345 : i32
        %convert_element_type3A_347 = arith.extui %ge3A_346 : i1 to i32
        %cond3A_348 = arith.constant 0 : i32
        %cond3A_349 = arith.cmpi ne, %convert_element_type3A_347, %cond3A_348 : i32
        scf.if %cond3A_349 {
          %dma_wait3A_368 = arith.constant 2 : i32
          %dma_wait3A_369 = arith.constant 0 : i32
          %dma_wait3A_370 = arith.constant 0 : i32
          %dma_wait3A_371 = arith.constant 0 : i32
          %dma_wait3A_372 = tpu.memref_slice %arg10[%dma_wait3A_368, %dma_wait3A_370, %dma_wait3A_371] : memref<4x80x128xf32, #tpu.memory_space<vmem>> -> memref<1x80x128xf32, #tpu.memory_space<vmem>>
          %dma_wait3A_373 = tpu.memref_squeeze %dma_wait3A_372 : memref<1x80x128xf32, #tpu.memory_space<vmem>> -> memref<80x128xf32, #tpu.memory_space<vmem>>
          %dma_wait3A_374 = arith.constant 0 : i32
          %dma_wait3A_375 = tpu.memref_slice %arg9[%dma_wait3A_369, %dma_wait3A_374] : memref<4x80xi32, #tpu.memory_space<vmem>> -> memref<1x80xi32, #tpu.memory_space<vmem>>
          %dma_wait3A_376 = tpu.memref_squeeze %dma_wait3A_375 : memref<1x80xi32, #tpu.memory_space<vmem>> -> memref<80xi32, #tpu.memory_space<vmem>>
          %dma_wait3A_377 = arith.constant 0 : i32
          %dma_wait3A_378 = arith.constant 0 : i32
          %dma_wait3A_379 = tpu.memref_slice %arg11[%dma_wait3A_377, %dma_wait3A_378] : memref<10240x128xf32, #tpu.memory_space<vmem_shared>> -> memref<10240x128xf32, #tpu.memory_space<vmem_shared>>
          tpu.wait_indirect_dma semaphore(%arg26 : memref<!tpu.dma_semaphore, #tpu.memory_space<semaphore_mem>>) src(%dma_wait3A_373 : memref<80x128xf32, #tpu.memory_space<vmem>>) dst(%dma_wait3A_379 : memref<10240x128xf32, #tpu.memory_space<vmem_shared>>)
        } else {
        }
        %add3A_350 = arith.constant 4 : i32
        %add3A_351 = arith.addi %add3A_320, %add3A_350 : i32
        %sub3A_352 = arith.constant 1 : i32
        %sub3A_353 = arith.subi %add3A_351, %sub3A_352 : i32
        %lt3A_354 = arith.constant 128 : i32
        %lt3A_355 = arith.cmpi slt, %sub3A_353, %lt3A_354 : i32
        %convert_element_type3A_356 = arith.extui %lt3A_355 : i1 to i32
        %cond3A_357 = arith.constant 0 : i32
        %cond3A_358 = arith.cmpi ne, %convert_element_type3A_356, %cond3A_357 : i32
        scf.if %cond3A_358 {
          %mul3A_368 = arith.constant 80 : i32
          %mul3A_369 = arith.muli %sub3A_353, %mul3A_368 : i32
          %add3A_370 = arith.addi %mul3A_9, %mul3A_369 : i32
          %dma_start3A_371 = arith.constant 2 : i32
          %dma_start3A_372 = arith.constant 0 : i32
          %dma_start3A_373 = tpu.memref_slice %arg8[%dma_start3A_371, %dma_start3A_372] : memref<4x80xi32, #tpu.memory_space<vmem>> -> memref<1x80xi32, #tpu.memory_space<vmem>>
          %dma_start3A_374 = tpu.memref_squeeze %dma_start3A_373 : memref<1x80xi32, #tpu.memory_space<vmem>> -> memref<80xi32, #tpu.memory_space<vmem>>
          %dma_start3A_375 = tpu.memref_slice %arg4[%add3A_370] : memref<163840xi32, #tpu.memory_space<hbm>> -> memref<80xi32, #tpu.memory_space<hbm>>
          %dma_start3A_376 = arith.constant 0 : i32
          %dma_start3A_377 = tpu.memref_slice %arg8[%dma_start3A_371, %dma_start3A_376] : memref<4x80xi32, #tpu.memory_space<vmem>> -> memref<1x80xi32, #tpu.memory_space<vmem>>
          %dma_start3A_378 = tpu.memref_squeeze %dma_start3A_377 : memref<1x80xi32, #tpu.memory_space<vmem>> -> memref<80xi32, #tpu.memory_space<vmem>>
          %dma_start3A_379 = tpu.memref_slice %arg4[%add3A_370] : memref<163840xi32, #tpu.memory_space<hbm>> -> memref<80xi32, #tpu.memory_space<hbm>>
          tpu.enqueue_dma source(%dma_start3A_379 : memref<80xi32, #tpu.memory_space<hbm>>) target(%dma_start3A_378 : memref<80xi32, #tpu.memory_space<vmem>>) target_semaphore(%arg14 : memref<!tpu.dma_semaphore, #tpu.memory_space<semaphore_mem>>)
          %dma_start3A_380 = arith.constant 2 : i32
          %dma_start3A_381 = arith.constant 0 : i32
          %dma_start3A_382 = tpu.memref_slice %arg9[%dma_start3A_380, %dma_start3A_381] : memref<4x80xi32, #tpu.memory_space<vmem>> -> memref<1x80xi32, #tpu.memory_space<vmem>>
          %dma_start3A_383 = tpu.memref_squeeze %dma_start3A_382 : memref<1x80xi32, #tpu.memory_space<vmem>> -> memref<80xi32, #tpu.memory_space<vmem>>
          %dma_start3A_384 = tpu.memref_slice %arg5[%add3A_370] : memref<163840xi32, #tpu.memory_space<hbm>> -> memref<80xi32, #tpu.memory_space<hbm>>
          %dma_start3A_385 = arith.constant 0 : i32
          %dma_start3A_386 = tpu.memref_slice %arg9[%dma_start3A_380, %dma_start3A_385] : memref<4x80xi32, #tpu.memory_space<vmem>> -> memref<1x80xi32, #tpu.memory_space<vmem>>
          %dma_start3A_387 = tpu.memref_squeeze %dma_start3A_386 : memref<1x80xi32, #tpu.memory_space<vmem>> -> memref<80xi32, #tpu.memory_space<vmem>>
          %dma_start3A_388 = tpu.memref_slice %arg5[%add3A_370] : memref<163840xi32, #tpu.memory_space<hbm>> -> memref<80xi32, #tpu.memory_space<hbm>>
          tpu.enqueue_dma source(%dma_start3A_388 : memref<80xi32, #tpu.memory_space<hbm>>) target(%dma_start3A_387 : memref<80xi32, #tpu.memory_space<vmem>>) target_semaphore(%arg18 : memref<!tpu.dma_semaphore, #tpu.memory_space<semaphore_mem>>)
        } else {
        }
        %add3A_359 = arith.constant 4 : i32
        %add3A_360 = arith.addi %add3A_320, %add3A_359 : i32
        %sub3A_361 = arith.constant 2 : i32
        %sub3A_362 = arith.subi %add3A_360, %sub3A_361 : i32
        %lt3A_363 = arith.constant 128 : i32
        %lt3A_364 = arith.cmpi slt, %sub3A_362, %lt3A_363 : i32
        %convert_element_type3A_365 = arith.extui %lt3A_364 : i1 to i32
        %cond3A_366 = arith.constant 0 : i32
        %cond3A_367 = arith.cmpi ne, %convert_element_type3A_365, %cond3A_366 : i32
        scf.if %cond3A_367 {
          %add3A_368 = arith.constant 4 : i32
          %add3A_369 = arith.addi %add3A_320, %add3A_368 : i32
          %sub3A_370 = arith.constant 2 : i32
          %sub3A_371 = arith.subi %add3A_369, %sub3A_370 : i32
          %mul3A_372 = arith.constant 80 : i32
          %mul3A_373 = arith.muli %sub3A_371, %mul3A_372 : i32
          %add3A_374 = arith.addi %mul3A_9, %mul3A_373 : i32
          %dma_wait3A_375 = arith.constant 1 : i32
          %dma_wait3A_376 = arith.constant 0 : i32
          %dma_wait3A_377 = tpu.memref_slice %arg8[%dma_wait3A_375, %dma_wait3A_376] : memref<4x80xi32, #tpu.memory_space<vmem>> -> memref<1x80xi32, #tpu.memory_space<vmem>>
          %dma_wait3A_378 = tpu.memref_squeeze %dma_wait3A_377 : memref<1x80xi32, #tpu.memory_space<vmem>> -> memref<80xi32, #tpu.memory_space<vmem>>
          %dma_wait3A_379 = tpu.memref_slice %arg4[%add3A_374] : memref<163840xi32, #tpu.memory_space<hbm>> -> memref<80xi32, #tpu.memory_space<hbm>>
          %dma_wait3A_380 = arith.constant 0 : i32
          %dma_wait3A_381 = tpu.memref_slice %arg8[%dma_wait3A_375, %dma_wait3A_380] : memref<4x80xi32, #tpu.memory_space<vmem>> -> memref<1x80xi32, #tpu.memory_space<vmem>>
          %dma_wait3A_382 = tpu.memref_squeeze %dma_wait3A_381 : memref<1x80xi32, #tpu.memory_space<vmem>> -> memref<80xi32, #tpu.memory_space<vmem>>
          %dma_wait3A_383 = tpu.memref_slice %arg4[%add3A_374] : memref<163840xi32, #tpu.memory_space<hbm>> -> memref<80xi32, #tpu.memory_space<hbm>>
          tpu.wait_dma2 semaphore(%arg13 : memref<!tpu.dma_semaphore, #tpu.memory_space<semaphore_mem>>) src(%dma_wait3A_383 : memref<80xi32, #tpu.memory_space<hbm>>) dst(%dma_wait3A_382 : memref<80xi32, #tpu.memory_space<vmem>>)
          %dma_wait3A_384 = arith.constant 1 : i32
          %dma_wait3A_385 = arith.constant 0 : i32
          %dma_wait3A_386 = tpu.memref_slice %arg9[%dma_wait3A_384, %dma_wait3A_385] : memref<4x80xi32, #tpu.memory_space<vmem>> -> memref<1x80xi32, #tpu.memory_space<vmem>>
          %dma_wait3A_387 = tpu.memref_squeeze %dma_wait3A_386 : memref<1x80xi32, #tpu.memory_space<vmem>> -> memref<80xi32, #tpu.memory_space<vmem>>
          %dma_wait3A_388 = tpu.memref_slice %arg5[%add3A_374] : memref<163840xi32, #tpu.memory_space<hbm>> -> memref<80xi32, #tpu.memory_space<hbm>>
          %dma_wait3A_389 = arith.constant 0 : i32
          %dma_wait3A_390 = tpu.memref_slice %arg9[%dma_wait3A_384, %dma_wait3A_389] : memref<4x80xi32, #tpu.memory_space<vmem>> -> memref<1x80xi32, #tpu.memory_space<vmem>>
          %dma_wait3A_391 = tpu.memref_squeeze %dma_wait3A_390 : memref<1x80xi32, #tpu.memory_space<vmem>> -> memref<80xi32, #tpu.memory_space<vmem>>
          %dma_wait3A_392 = tpu.memref_slice %arg5[%add3A_374] : memref<163840xi32, #tpu.memory_space<hbm>> -> memref<80xi32, #tpu.memory_space<hbm>>
          tpu.wait_dma2 semaphore(%arg17 : memref<!tpu.dma_semaphore, #tpu.memory_space<semaphore_mem>>) src(%dma_wait3A_392 : memref<80xi32, #tpu.memory_space<hbm>>) dst(%dma_wait3A_391 : memref<80xi32, #tpu.memory_space<vmem>>)
          %add3A_393 = arith.constant 4 : i32
          %add3A_394 = arith.addi %add3A_320, %add3A_393 : i32
          %sub3A_395 = arith.constant 2 : i32
          %sub3A_396 = arith.subi %add3A_394, %sub3A_395 : i32
          %dma_start3A_397 = arith.constant 1 : i32
          %dma_start3A_398 = arith.constant 1 : i32
          %dma_start3A_399 = arith.constant 0 : i32
          %dma_start3A_400 = arith.constant 0 : i32
          %dma_start3A_401 = tpu.memref_slice %arg10[%dma_start3A_398, %dma_start3A_399, %dma_start3A_400] : memref<4x80x128xf32, #tpu.memory_space<vmem>> -> memref<1x80x128xf32, #tpu.memory_space<vmem>>
          %dma_start3A_402 = tpu.memref_squeeze %dma_start3A_401 : memref<1x80x128xf32, #tpu.memory_space<vmem>> -> memref<80x128xf32, #tpu.memory_space<vmem>>
          %dma_start3A_403 = arith.constant 0 : i32
          %dma_start3A_404 = tpu.memref_slice %arg8[%dma_start3A_397, %dma_start3A_403] : memref<4x80xi32, #tpu.memory_space<vmem>> -> memref<1x80xi32, #tpu.memory_space<vmem>>
          %dma_start3A_405 = tpu.memref_squeeze %dma_start3A_404 : memref<1x80xi32, #tpu.memory_space<vmem>> -> memref<80xi32, #tpu.memory_space<vmem>>
          %dma_start3A_406 = arith.constant 0 : i32
          %dma_start3A_407 = arith.constant 0 : i32
          %dma_start3A_408 = tpu.memref_slice %arg3[%dma_start3A_406, %dma_start3A_407] : memref<10000x128xf32, #tpu.memory_space<hbm>> -> memref<10000x128xf32, #tpu.memory_space<hbm>>
          tpu.enqueue_indirect_dma source(%dma_start3A_408 : memref<10000x128xf32, #tpu.memory_space<hbm>>) target(%dma_start3A_402 : memref<80x128xf32, #tpu.memory_space<vmem>>) offsets(%dma_start3A_405 : memref<80xi32, #tpu.memory_space<vmem>>) semaphore(%arg21 : memref<!tpu.dma_semaphore, #tpu.memory_space<semaphore_mem>>)
        } else {
        }
      }
      %scan3A_143 = arith.constant 32 : i32
      %dma_wait3A_144 = arith.constant 3 : i32
      %dma_wait3A_145 = arith.constant 0 : i32
      %dma_wait3A_146 = arith.constant 0 : i32
      %dma_wait3A_147 = arith.constant 0 : i32
      %dma_wait3A_148 = tpu.memref_slice %arg10[%dma_wait3A_144, %dma_wait3A_146, %dma_wait3A_147] : memref<4x80x128xf32, #tpu.memory_space<vmem>> -> memref<1x80x128xf32, #tpu.memory_space<vmem>>
      %dma_wait3A_149 = tpu.memref_squeeze %dma_wait3A_148 : memref<1x80x128xf32, #tpu.memory_space<vmem>> -> memref<80x128xf32, #tpu.memory_space<vmem>>
      %dma_wait3A_150 = arith.constant 0 : i32
      %dma_wait3A_151 = tpu.memref_slice %arg9[%dma_wait3A_145, %dma_wait3A_150] : memref<4x80xi32, #tpu.memory_space<vmem>> -> memref<1x80xi32, #tpu.memory_space<vmem>>
      %dma_wait3A_152 = tpu.memref_squeeze %dma_wait3A_151 : memref<1x80xi32, #tpu.memory_space<vmem>> -> memref<80xi32, #tpu.memory_space<vmem>>
      %dma_wait3A_153 = arith.constant 0 : i32
      %dma_wait3A_154 = arith.constant 0 : i32
      %dma_wait3A_155 = tpu.memref_slice %arg11[%dma_wait3A_153, %dma_wait3A_154] : memref<10240x128xf32, #tpu.memory_space<vmem_shared>> -> memref<10240x128xf32, #tpu.memory_space<vmem_shared>>
      tpu.wait_indirect_dma semaphore(%arg27 : memref<!tpu.dma_semaphore, #tpu.memory_space<semaphore_mem>>) src(%dma_wait3A_149 : memref<80x128xf32, #tpu.memory_space<vmem>>) dst(%dma_wait3A_155 : memref<10240x128xf32, #tpu.memory_space<vmem_shared>>)
      %barrier3A_156 = arith.constant 0 : index
      tpu.barrier barrier_id(%barrier3A_156)
      %lt3A_157 = arith.constant 15 : i32
      %lt3A_158 = arith.cmpi slt, %arg1, %lt3A_157 : i32
      %convert_element_type3A_159 = arith.extui %lt3A_158 : i1 to i32
      %cond3A_160 = arith.constant 0 : i32
      %cond3A_161 = arith.cmpi ne, %convert_element_type3A_159, %cond3A_160 : i32
      scf.if %cond3A_161 {
        "tpu.region"() ({
          %run_scoped3A = tpu.sem_alloc : memref<!tpu.dma_semaphore, #tpu.memory_space<semaphore_mem>>
          %dma_start3A_167 = arith.constant 0 : i32
          %dma_start3A_168 = tpu.memref_slice %arg7[%mul3A_7, %dma_start3A_167] : memref<10000x128xf32, #tpu.memory_space<hbm>> -> memref<640x128xf32, #tpu.memory_space<hbm>>
          %dma_start3A_169 = arith.constant 0 : i32
          %dma_start3A_170 = tpu.memref_slice %arg11[%mul3A_7, %dma_start3A_169] : memref<10240x128xf32, #tpu.memory_space<vmem_shared>> -> memref<640x128xf32, #tpu.memory_space<vmem_shared>>
          tpu.enqueue_dma source(%dma_start3A_170 : memref<640x128xf32, #tpu.memory_space<vmem_shared>>) target(%dma_start3A_168 : memref<640x128xf32, #tpu.memory_space<hbm>>) target_semaphore(%run_scoped3A : memref<!tpu.dma_semaphore, #tpu.memory_space<semaphore_mem>>)
          %dma_wait3A_171 = arith.constant 0 : i32
          %dma_wait3A_172 = tpu.memref_slice %arg7[%mul3A_7, %dma_wait3A_171] : memref<10000x128xf32, #tpu.memory_space<hbm>> -> memref<640x128xf32, #tpu.memory_space<hbm>>
          %dma_wait3A_173 = arith.constant 0 : i32
          %dma_wait3A_174 = tpu.memref_slice %arg11[%mul3A_7, %dma_wait3A_173] : memref<10240x128xf32, #tpu.memory_space<vmem_shared>> -> memref<640x128xf32, #tpu.memory_space<vmem_shared>>
          tpu.wait_dma2 semaphore(%run_scoped3A : memref<!tpu.dma_semaphore, #tpu.memory_space<semaphore_mem>>) src(%dma_wait3A_174 : memref<640x128xf32, #tpu.memory_space<vmem_shared>>) dst(%dma_wait3A_172 : memref<640x128xf32, #tpu.memory_space<hbm>>)
          tpu.yield
        }) : () -> ()
      } else {
      }
      %eq3A_162 = arith.constant 15 : i32
      %eq3A_163 = arith.cmpi eq, %arg1, %eq3A_162 : i32
      %convert_element_type3A_164 = arith.extui %eq3A_163 : i1 to i32
      %cond3A_165 = arith.constant 0 : i32
      %cond3A_166 = arith.cmpi ne, %convert_element_type3A_164, %cond3A_165 : i32
      scf.if %cond3A_166 {
        "tpu.region"() ({
          %run_scoped3A = tpu.sem_alloc : memref<!tpu.dma_semaphore, #tpu.memory_space<semaphore_mem>>
          %dma_start3A_167 = arith.constant 0 : i32
          %dma_start3A_168 = tpu.memref_slice %arg7[%mul3A_7, %dma_start3A_167] : memref<10000x128xf32, #tpu.memory_space<hbm>> -> memref<400x128xf32, #tpu.memory_space<hbm>>
          %dma_start3A_169 = arith.constant 0 : i32
          %dma_start3A_170 = tpu.memref_slice %arg11[%mul3A_7, %dma_start3A_169] : memref<10240x128xf32, #tpu.memory_space<vmem_shared>> -> memref<400x128xf32, #tpu.memory_space<vmem_shared>>
          tpu.enqueue_dma source(%dma_start3A_170 : memref<400x128xf32, #tpu.memory_space<vmem_shared>>) target(%dma_start3A_168 : memref<400x128xf32, #tpu.memory_space<hbm>>) target_semaphore(%run_scoped3A : memref<!tpu.dma_semaphore, #tpu.memory_space<semaphore_mem>>)
          %dma_wait3A_171 = arith.constant 0 : i32
          %dma_wait3A_172 = tpu.memref_slice %arg7[%mul3A_7, %dma_wait3A_171] : memref<10000x128xf32, #tpu.memory_space<hbm>> -> memref<400x128xf32, #tpu.memory_space<hbm>>
          %dma_wait3A_173 = arith.constant 0 : i32
          %dma_wait3A_174 = tpu.memref_slice %arg11[%mul3A_7, %dma_wait3A_173] : memref<10240x128xf32, #tpu.memory_space<vmem_shared>> -> memref<400x128xf32, #tpu.memory_space<vmem_shared>>
          tpu.wait_dma2 semaphore(%run_scoped3A : memref<!tpu.dma_semaphore, #tpu.memory_space<semaphore_mem>>) src(%dma_wait3A_174 : memref<400x128xf32, #tpu.memory_space<vmem_shared>>) dst(%dma_wait3A_172 : memref<400x128xf32, #tpu.memory_space<hbm>>)
          tpu.yield
        }) : () -> ()
      } else {
      }
    } else {
    }
    return
  }
}

module attributes {stable_mosaic.version = 14 : i64} {
  func.func @_stats_body(%arg0: i32, %arg1: memref<2000x128xf32, #tpu.memory_space<vmem>>, %arg2: memref<2000x128xf32, #tpu.memory_space<vmem>>, %arg3: memref<256x256xf32, #tpu.memory_space<vmem>>, %arg4: memref<1x256xf32, #tpu.memory_space<vmem>>, %arg5: memref<256x256xf32, #tpu.memory_space<vmem>>, %arg6: memref<1x256xf32, #tpu.memory_space<vmem>>) attributes {dimension_semantics = [#tpu.dimension_semantics<arbitrary>], iteration_bounds = array<i64: 5>, scalar_prefetch = 0 : i64, scratch_operands = 2 : i64, tpu.core_type = #tpu.core_type<tc>, window_params = [{transform_indices = @transform_0, window_bounds = array<i64: 2000, 128>}, {transform_indices = @transform_1, window_bounds = array<i64: 2000, 128>}, {pipeline_mode = #tpu.pipeline_mode<synchronous>, transform_indices = @transform_2, window_bounds = array<i64: 256, 256>}, {pipeline_mode = #tpu.pipeline_mode<synchronous>, transform_indices = @transform_3, window_bounds = array<i64: 1, 256>}]} {
    %get3A = arith.constant 0 : index
    %get3A_0 = arith.constant 0 : index
    %get3A_1 = vector.load %arg1[%get3A, %get3A_0] : memref<2000x128xf32, #tpu.memory_space<vmem>>, vector<2000x128xf32>
    %get3A_2 = arith.constant 0 : index
    %get3A_3 = arith.constant 0 : index
    %get3A_4 = vector.load %arg2[%get3A_2, %get3A_3] : memref<2000x128xf32, #tpu.memory_space<vmem>>, vector<2000x128xf32>
    %concatenate3A = tpu.concatenate %get3A_1, %get3A_4 in 1 : vector<2000x128xf32>, vector<2000x128xf32> -> vector<2000x256xf32>
    %eq3A = arith.constant 0 : i32
    %eq3A_5 = arith.cmpi eq, %arg0, %eq3A : i32
    %convert_element_type3A = arith.extui %eq3A_5 : i1 to i32
    %cond3A = arith.constant 0 : i32
    %cond3A_6 = arith.cmpi ne, %convert_element_type3A, %cond3A : i32
    scf.if %cond3A_6 {
      %broadcast_in_dim3A_27 = arith.constant 0.000000e+00 : f32
      %broadcast_in_dim3A_28 = vector.broadcast %broadcast_in_dim3A_27 : f32 to vector<256x256xf32>
      %swap3A_29 = arith.constant 0 : index
      %swap3A_30 = arith.constant 0 : index
      %swap3A_31 = vector.load %arg5[%swap3A_29, %swap3A_30] : memref<256x256xf32, #tpu.memory_space<vmem>>, vector<256x256xf32>
      tpu.vector_store %arg5[%swap3A_29, %swap3A_30], %broadcast_in_dim3A_28 {strides = array<i32>} : memref<256x256xf32, #tpu.memory_space<vmem>>, vector<256x256xf32>,
      %broadcast_in_dim3A_32 = arith.constant 0.000000e+00 : f32
      %broadcast_in_dim3A_33 = vector.broadcast %broadcast_in_dim3A_32 : f32 to vector<1x256xf32>
      %swap3A_34 = arith.constant 0 : index
      %swap3A_35 = arith.constant 0 : index
      %swap3A_36 = vector.load %arg6[%swap3A_34, %swap3A_35] : memref<1x256xf32, #tpu.memory_space<vmem>>, vector<1x256xf32>
      tpu.vector_store %arg6[%swap3A_34, %swap3A_35], %broadcast_in_dim3A_33 {strides = array<i32>} : memref<1x256xf32, #tpu.memory_space<vmem>>, vector<1x256xf32>,
    } else {
    }
    %convert_element_type3A_7 = arith.truncf %concatenate3A : vector<2000x256xf32> to vector<2000x256xbf16>
    %get3A_8 = arith.constant 0 : index
    %get3A_9 = arith.constant 0 : index
    %get3A_10 = vector.load %arg5[%get3A_8, %get3A_9] : memref<256x256xf32, #tpu.memory_space<vmem>>, vector<256x256xf32>
    %dot_general3A = arith.constant dense<0.000000e+00> : vector<256x256xf32>
    %dot_general3A_11 = tpu.matmul %convert_element_type3A_7, %convert_element_type3A_7, %dot_general3A {dimension_numbers = #tpu.dot_dimension_numbers<[0], [0], [1], [1], [0, 1, 1, 1], [], []>, transpose_lhs_hint = false} : vector<2000x256xbf16>, vector<2000x256xbf16>, vector<256x256xf32> -> vector<256x256xf32>
    %add3A = arith.addf %get3A_10, %dot_general3A_11 : vector<256x256xf32>
    %swap3A = arith.constant 0 : index
    %swap3A_12 = arith.constant 0 : index
    %swap3A_13 = vector.load %arg5[%swap3A, %swap3A_12] : memref<256x256xf32, #tpu.memory_space<vmem>>, vector<256x256xf32>
    tpu.vector_store %arg5[%swap3A, %swap3A_12], %add3A {strides = array<i32>} : memref<256x256xf32, #tpu.memory_space<vmem>>, vector<256x256xf32>,
    %get3A_14 = arith.constant 0 : index
    %get3A_15 = arith.constant 0 : index
    %get3A_16 = vector.load %arg6[%get3A_14, %get3A_15] : memref<1x256xf32, #tpu.memory_space<vmem>>, vector<1x256xf32>
    %reduce_sum3A = arith.constant dense<0.000000e+00> : vector<256xf32>
    %reduce_sum3A_17 = vector.multi_reduction <add>, %concatenate3A, %reduce_sum3A [0] : vector<2000x256xf32> to vector<256xf32>
    %broadcast_in_dim3A = vector.shape_cast %reduce_sum3A_17 : vector<256xf32> to vector<1x256xf32>
    %add3A_18 = arith.addf %get3A_16, %broadcast_in_dim3A : vector<1x256xf32>
    %swap3A_19 = arith.constant 0 : index
    %swap3A_20 = arith.constant 0 : index
    %swap3A_21 = vector.load %arg6[%swap3A_19, %swap3A_20] : memref<1x256xf32, #tpu.memory_space<vmem>>, vector<1x256xf32>
    tpu.vector_store %arg6[%swap3A_19, %swap3A_20], %add3A_18 {strides = array<i32>} : memref<1x256xf32, #tpu.memory_space<vmem>>, vector<1x256xf32>,
    %eq3A_22 = arith.constant 4 : i32
    %eq3A_23 = arith.cmpi eq, %arg0, %eq3A_22 : i32
    %convert_element_type3A_24 = arith.extui %eq3A_23 : i1 to i32
    %cond3A_25 = arith.constant 0 : i32
    %cond3A_26 = arith.cmpi ne, %convert_element_type3A_24, %cond3A_25 : i32
    scf.if %cond3A_26 {
      %get3A_27 = arith.constant 0 : index
      %get3A_28 = arith.constant 0 : index
      %get3A_29 = vector.load %arg5[%get3A_27, %get3A_28] : memref<256x256xf32, #tpu.memory_space<vmem>>, vector<256x256xf32>
      %swap3A_30 = arith.constant 0 : index
      %swap3A_31 = arith.constant 0 : index
      %swap3A_32 = vector.load %arg3[%swap3A_30, %swap3A_31] : memref<256x256xf32, #tpu.memory_space<vmem>>, vector<256x256xf32>
      tpu.vector_store %arg3[%swap3A_30, %swap3A_31], %get3A_29 {strides = array<i32>} : memref<256x256xf32, #tpu.memory_space<vmem>>, vector<256x256xf32>,
      %get3A_33 = arith.constant 0 : index
      %get3A_34 = arith.constant 0 : index
      %get3A_35 = vector.load %arg6[%get3A_33, %get3A_34] : memref<1x256xf32, #tpu.memory_space<vmem>>, vector<1x256xf32>
      %swap3A_36 = arith.constant 0 : index
      %swap3A_37 = arith.constant 0 : index
      %swap3A_38 = vector.load %arg4[%swap3A_36, %swap3A_37] : memref<1x256xf32, #tpu.memory_space<vmem>>, vector<1x256xf32>
      tpu.vector_store %arg4[%swap3A_36, %swap3A_37], %get3A_35 {strides = array<i32>} : memref<1x256xf32, #tpu.memory_space<vmem>>, vector<1x256xf32>,
    } else {
    }
    return
  }
  func.func @transform_0(%arg0: i32) -> (i32, i32) {
    %c0_i32 = arith.constant 0 : i32
    %c0_i32_0 = arith.constant 0 : i32
    return %arg0, %c0_i32 : i32, i32
  }
  func.func @transform_1(%arg0: i32) -> (i32, i32) {
    %c0_i32 = arith.constant 0 : i32
    %c0_i32_0 = arith.constant 0 : i32
    return %arg0, %c0_i32 : i32, i32
  }
  func.func @transform_2(%arg0: i32) -> (i32, i32) {
    %c0_i32 = arith.constant 0 : i32
    %c0_i32_0 = arith.constant 0 : i32
    %c0_i32_1 = arith.constant 0 : i32
    return %c0_i32, %c0_i32_0 : i32, i32
  }
  func.func @transform_3(%arg0: i32) -> (i32, i32) {
    %c0_i32 = arith.constant 0 : i32
    %c0_i32_0 = arith.constant 0 : i32
    %c0_i32_1 = arith.constant 0 : i32
    return %c0_i32, %c0_i32_0 : i32, i32
  }
}

module attributes {stable_mosaic.version = 14 : i64} {
  func.func @_mlp_body(%arg0: i32, %arg1: memref<2000x128xf32, #tpu.memory_space<vmem>>, %arg2: memref<2000x128xf32, #tpu.memory_space<vmem>>, %arg3: memref<256x1024xbf16, #tpu.memory_space<vmem>>, %arg4: memref<1x1024xf32, #tpu.memory_space<vmem>>, %arg5: memref<1x1024xf32, #tpu.memory_space<vmem>>, %arg6: memref<1x1024xf32, #tpu.memory_space<vmem>>, %arg7: memref<1024x256xbf16, #tpu.memory_space<vmem>>, %arg8: memref<1x256xf32, #tpu.memory_space<vmem>>, %arg9: memref<256x256xf32, #tpu.memory_space<vmem>>, %arg10: memref<1x256xf32, #tpu.memory_space<vmem>>, %arg11: memref<2000x256xf32, #tpu.memory_space<vmem>>, %arg12: memref<1x256xf32, #tpu.memory_space<vmem>>, %arg13: memref<1x256xf32, #tpu.memory_space<vmem>>, %arg14: memref<2x1024xf32, #tpu.memory_space<vmem>>, %arg15: memref<2x256xf32, #tpu.memory_space<vmem>>) attributes {dimension_semantics = [#tpu.dimension_semantics<arbitrary>], iteration_bounds = array<i64: 5>, scalar_prefetch = 0 : i64, scratch_operands = 2 : i64, tpu.core_type = #tpu.core_type<tc>, window_params = [{transform_indices = @transform_0, window_bounds = array<i64: 2000, 128>}, {transform_indices = @transform_1, window_bounds = array<i64: 2000, 128>}, {pipeline_mode = #tpu.pipeline_mode<synchronous>, transform_indices = @transform_2, window_bounds = array<i64: 256, 1024>}, {pipeline_mode = #tpu.pipeline_mode<synchronous>, transform_indices = @transform_3, window_bounds = array<i64: 1, 1024>}, {pipeline_mode = #tpu.pipeline_mode<synchronous>, transform_indices = @transform_4, window_bounds = array<i64: 1, 1024>}, {pipeline_mode = #tpu.pipeline_mode<synchronous>, transform_indices = @transform_5, window_bounds = array<i64: 1, 1024>}, {pipeline_mode = #tpu.pipeline_mode<synchronous>, transform_indices = @transform_6, window_bounds = array<i64: 1024, 256>}, {pipeline_mode = #tpu.pipeline_mode<synchronous>, transform_indices = @transform_7, window_bounds = array<i64: 1, 256>}, {pipeline_mode = #tpu.pipeline_mode<synchronous>, transform_indices = @transform_8, window_bounds = array<i64: 256, 256>}, {pipeline_mode = #tpu.pipeline_mode<synchronous>, transform_indices = @transform_9, window_bounds = array<i64: 1, 256>}, {transform_indices = @transform_10, window_bounds = array<i64: 2000, 256>}, {pipeline_mode = #tpu.pipeline_mode<synchronous>, transform_indices = @transform_11, window_bounds = array<i64: 1, 256>}, {pipeline_mode = #tpu.pipeline_mode<synchronous>, transform_indices = @transform_12, window_bounds = array<i64: 1, 256>}]} {
    %eq3A = arith.constant 0 : i32
    %eq3A_0 = arith.cmpi eq, %arg0, %eq3A : i32
    %convert_element_type3A = arith.extui %eq3A_0 : i1 to i32
    %cond3A = arith.constant 0 : i32
    %cond3A_1 = arith.cmpi ne, %convert_element_type3A, %cond3A : i32
    scf.if %cond3A_1 {
      %get3A_68 = arith.constant 0 : index
      %get3A_69 = arith.constant 0 : index
      %get3A_70 = vector.load %arg10[%get3A_68, %get3A_69] : memref<1x256xf32, #tpu.memory_space<vmem>>, vector<1x256xf32>
      %mul3A_71 = arith.constant 9.99999974E-5 : f32
      %mul3A_72 = vector.broadcast %mul3A_71 : f32 to vector<1x256xf32>
      %mul3A_73 = arith.mulf %get3A_70, %mul3A_72 : vector<1x256xf32>
      %convert_element_type3A_74 = arith.truncf %mul3A_73 : vector<1x256xf32> to vector<1x256xbf16>
      %get3A_75 = arith.constant 0 : index
      %get3A_76 = arith.constant 0 : index
      %get3A_77 = vector.load %arg3[%get3A_75, %get3A_76] : memref<256x1024xbf16, #tpu.memory_space<vmem>>, vector<256x1024xbf16>
      %dot_general3A_78 = arith.constant dense<0.000000e+00> : vector<1x1024xf32>
      %dot_general3A_79 = tpu.matmul %convert_element_type3A_74, %get3A_77, %dot_general3A_78 {dimension_numbers = #tpu.dot_dimension_numbers<[1], [0], [0], [1], [0, 0, 1, 1], [], []>, transpose_lhs_hint = false} : vector<1x256xbf16>, vector<256x1024xbf16>, vector<1x1024xf32> -> vector<1x1024xf32>
      %get3A_80 = arith.constant 0 : index
      %get3A_81 = arith.constant 0 : index
      %get3A_82 = vector.load %arg9[%get3A_80, %get3A_81] : memref<256x256xf32, #tpu.memory_space<vmem>>, vector<256x256xf32>
      %convert_element_type3A_83 = arith.truncf %get3A_82 : vector<256x256xf32> to vector<256x256xbf16>
      %get3A_84 = arith.constant 0 : index
      %get3A_85 = arith.constant 0 : index
      %get3A_86 = vector.load %arg3[%get3A_84, %get3A_85] : memref<256x1024xbf16, #tpu.memory_space<vmem>>, vector<256x1024xbf16>
      %dot_general3A_87 = arith.constant dense<0.000000e+00> : vector<256x1024xf32>
      %dot_general3A_88 = tpu.matmul %convert_element_type3A_83, %get3A_86, %dot_general3A_87 {dimension_numbers = #tpu.dot_dimension_numbers<[1], [0], [0], [1], [0, 0, 1, 1], [], []>, transpose_lhs_hint = false} : vector<256x256xbf16>, vector<256x1024xbf16>, vector<256x1024xf32> -> vector<256x1024xf32>
      %get3A_89 = arith.constant 0 : index
      %get3A_90 = arith.constant 0 : index
      %get3A_91 = vector.load %arg3[%get3A_89, %get3A_90] : memref<256x1024xbf16, #tpu.memory_space<vmem>>, vector<256x1024xbf16>
      %convert_element_type3A_92 = arith.extf %get3A_91 : vector<256x1024xbf16> to vector<256x1024xf32>
      %mul3A_93 = arith.mulf %convert_element_type3A_92, %dot_general3A_88 : vector<256x1024xf32>
      %reduce_sum3A_94 = arith.constant dense<0.000000e+00> : vector<1024xf32>
      %reduce_sum3A_95 = vector.multi_reduction <add>, %mul3A_93, %reduce_sum3A_94 [0] : vector<256x1024xf32> to vector<1024xf32>
      %broadcast_in_dim3A_96 = vector.shape_cast %reduce_sum3A_95 : vector<1024xf32> to vector<1x1024xf32>
      %mul3A_97 = arith.constant 9.99999974E-5 : f32
      %mul3A_98 = vector.broadcast %mul3A_97 : f32 to vector<1x1024xf32>
      %mul3A_99 = arith.mulf %broadcast_in_dim3A_96, %mul3A_98 : vector<1x1024xf32>
      %mul3A_100 = arith.mulf %dot_general3A_79, %dot_general3A_79 : vector<1x1024xf32>
      %sub3A_101 = arith.subf %mul3A_99, %mul3A_100 : vector<1x1024xf32>
      %max3A_102 = arith.constant 0.000000e+00 : f32
      %max3A_103 = vector.broadcast %max3A_102 : f32 to vector<1x1024xf32>
      %max3A_104 = arith.maximumf %sub3A_101, %max3A_103 : vector<1x1024xf32>
      %get3A_105 = arith.constant 0 : index
      %get3A_106 = arith.constant 0 : index
      %get3A_107 = vector.load %arg4[%get3A_105, %get3A_106] : memref<1x1024xf32, #tpu.memory_space<vmem>>, vector<1x1024xf32>
      %add3A_108 = arith.addf %dot_general3A_79, %get3A_107 : vector<1x1024xf32>
      %swap3A_109 = arith.constant 0 : index
      %swap3A_110 = arith.constant 0 : index
      %swap3A_111 = vector.load %arg14[%swap3A_109, %swap3A_110] : memref<2x1024xf32, #tpu.memory_space<vmem>>, vector<1x1024xf32>
      tpu.vector_store %arg14[%swap3A_109, %swap3A_110], %add3A_108 {strides = array<i32>} : memref<2x1024xf32, #tpu.memory_space<vmem>>, vector<1x1024xf32>,
      %get3A_112 = arith.constant 0 : index
      %get3A_113 = arith.constant 0 : index
      %get3A_114 = vector.load %arg5[%get3A_112, %get3A_113] : memref<1x1024xf32, #tpu.memory_space<vmem>>, vector<1x1024xf32>
      %add3A_115 = arith.constant 9.99999974E-6 : f32
      %add3A_116 = vector.broadcast %add3A_115 : f32 to vector<1x1024xf32>
      %add3A_117 = arith.addf %max3A_104, %add3A_116 : vector<1x1024xf32>
      %rsqrt3A = math.rsqrt %add3A_117 : vector<1x1024xf32>
      %mul3A_118 = arith.mulf %get3A_114, %rsqrt3A : vector<1x1024xf32>
      %swap3A_119 = arith.constant 1 : index
      %swap3A_120 = arith.constant 0 : index
      %swap3A_121 = vector.load %arg14[%swap3A_119, %swap3A_120] : memref<2x1024xf32, #tpu.memory_space<vmem>>, vector<1x1024xf32>
      tpu.vector_store %arg14[%swap3A_119, %swap3A_120], %mul3A_118 {strides = array<i32>} : memref<2x1024xf32, #tpu.memory_space<vmem>>, vector<1x1024xf32>,
      %broadcast_in_dim3A_122 = arith.constant 0.000000e+00 : f32
      %broadcast_in_dim3A_123 = vector.broadcast %broadcast_in_dim3A_122 : f32 to vector<2x256xf32>
      %swap3A_124 = arith.constant 0 : index
      %swap3A_125 = arith.constant 0 : index
      %swap3A_126 = vector.load %arg15[%swap3A_124, %swap3A_125] : memref<2x256xf32, #tpu.memory_space<vmem>>, vector<2x256xf32>
      tpu.vector_store %arg15[%swap3A_124, %swap3A_125], %broadcast_in_dim3A_123 {strides = array<i32>} : memref<2x256xf32, #tpu.memory_space<vmem>>, vector<2x256xf32>,
    } else {
    }
    %get3A = arith.constant 0 : index
    %get3A_2 = arith.constant 0 : index
    %get3A_3 = vector.load %arg1[%get3A, %get3A_2] : memref<2000x128xf32, #tpu.memory_space<vmem>>, vector<2000x128xf32>
    %get3A_4 = arith.constant 0 : index
    %get3A_5 = arith.constant 0 : index
    %get3A_6 = vector.load %arg2[%get3A_4, %get3A_5] : memref<2000x128xf32, #tpu.memory_space<vmem>>, vector<2000x128xf32>
    %concatenate3A = tpu.concatenate %get3A_3, %get3A_6 in 1 : vector<2000x128xf32>, vector<2000x128xf32> -> vector<2000x256xf32>
    %convert_element_type3A_7 = arith.truncf %concatenate3A : vector<2000x256xf32> to vector<2000x256xbf16>
    %get3A_8 = arith.constant 0 : index
    %get3A_9 = arith.constant 0 : index
    %get3A_10 = vector.load %arg3[%get3A_8, %get3A_9] : memref<256x1024xbf16, #tpu.memory_space<vmem>>, vector<256x1024xbf16>
    %dot_general3A = arith.constant dense<0.000000e+00> : vector<2000x1024xf32>
    %dot_general3A_11 = tpu.matmul %convert_element_type3A_7, %get3A_10, %dot_general3A {dimension_numbers = #tpu.dot_dimension_numbers<[1], [0], [0], [1], [0, 0, 1, 1], [], []>, transpose_lhs_hint = false} : vector<2000x256xbf16>, vector<256x1024xbf16>, vector<2000x1024xf32> -> vector<2000x1024xf32>
    %get3A_12 = arith.constant 0 : index
    %get3A_13 = arith.constant 0 : index
    %get3A_14 = vector.load %arg4[%get3A_12, %get3A_13] : memref<1x1024xf32, #tpu.memory_space<vmem>>, vector<1x1024xf32>
    %add3A = vector.broadcast %get3A_14 : vector<1x1024xf32> to vector<2000x1024xf32>
    %add3A_15 = arith.addf %dot_general3A_11, %add3A : vector<2000x1024xf32>
    %get3A_16 = arith.constant 0 : index
    %get3A_17 = arith.constant 0 : index
    %get3A_18 = vector.load %arg14[%get3A_16, %get3A_17] : memref<2x1024xf32, #tpu.memory_space<vmem>>, vector<1x1024xf32>
    %sub3A = vector.broadcast %get3A_18 : vector<1x1024xf32> to vector<2000x1024xf32>
    %sub3A_19 = arith.subf %add3A_15, %sub3A : vector<2000x1024xf32>
    %get3A_20 = arith.constant 1 : index
    %get3A_21 = arith.constant 0 : index
    %get3A_22 = vector.load %arg14[%get3A_20, %get3A_21] : memref<2x1024xf32, #tpu.memory_space<vmem>>, vector<1x1024xf32>
    %mul3A = vector.broadcast %get3A_22 : vector<1x1024xf32> to vector<2000x1024xf32>
    %mul3A_23 = arith.mulf %sub3A_19, %mul3A : vector<2000x1024xf32>
    %get3A_24 = arith.constant 0 : index
    %get3A_25 = arith.constant 0 : index
    %get3A_26 = vector.load %arg6[%get3A_24, %get3A_25] : memref<1x1024xf32, #tpu.memory_space<vmem>>, vector<1x1024xf32>
    %add3A_27 = vector.broadcast %get3A_26 : vector<1x1024xf32> to vector<2000x1024xf32>
    %add3A_28 = arith.addf %mul3A_23, %add3A_27 : vector<2000x1024xf32>
    %max3A = arith.constant 0.000000e+00 : f32
    %max3A_29 = vector.broadcast %max3A : f32 to vector<2000x1024xf32>
    %max3A_30 = arith.maximumf %add3A_28, %max3A_29 : vector<2000x1024xf32>
    %convert_element_type3A_31 = arith.truncf %max3A_30 : vector<2000x1024xf32> to vector<2000x1024xbf16>
    %get3A_32 = arith.constant 0 : index
    %get3A_33 = arith.constant 0 : index
    %get3A_34 = vector.load %arg7[%get3A_32, %get3A_33] : memref<1024x256xbf16, #tpu.memory_space<vmem>>, vector<1024x256xbf16>
    %dot_general3A_35 = arith.constant dense<0.000000e+00> : vector<2000x256xf32>
    %dot_general3A_36 = tpu.matmul %convert_element_type3A_31, %get3A_34, %dot_general3A_35 {dimension_numbers = #tpu.dot_dimension_numbers<[1], [0], [0], [1], [0, 0, 1, 1], [], []>, transpose_lhs_hint = false} : vector<2000x1024xbf16>, vector<1024x256xbf16>, vector<2000x256xf32> -> vector<2000x256xf32>
    %get3A_37 = arith.constant 0 : index
    %get3A_38 = arith.constant 0 : index
    %get3A_39 = vector.load %arg8[%get3A_37, %get3A_38] : memref<1x256xf32, #tpu.memory_space<vmem>>, vector<1x256xf32>
    %add3A_40 = vector.broadcast %get3A_39 : vector<1x256xf32> to vector<2000x256xf32>
    %add3A_41 = arith.addf %dot_general3A_36, %add3A_40 : vector<2000x256xf32>
    %swap3A = arith.constant 0 : index
    %swap3A_42 = arith.constant 0 : index
    %swap3A_43 = vector.load %arg11[%swap3A, %swap3A_42] : memref<2000x256xf32, #tpu.memory_space<vmem>>, vector<2000x256xf32>
    tpu.vector_store %arg11[%swap3A, %swap3A_42], %add3A_41 {strides = array<i32>} : memref<2000x256xf32, #tpu.memory_space<vmem>>, vector<2000x256xf32>,
    %get3A_44 = arith.constant 0 : index
    %get3A_45 = arith.constant 0 : index
    %get3A_46 = vector.load %arg15[%get3A_44, %get3A_45] : memref<2x256xf32, #tpu.memory_space<vmem>>, vector<1x256xf32>
    %reduce_sum3A = arith.constant dense<0.000000e+00> : vector<256xf32>
    %reduce_sum3A_47 = vector.multi_reduction <add>, %add3A_41, %reduce_sum3A [0] : vector<2000x256xf32> to vector<256xf32>
    %broadcast_in_dim3A = vector.shape_cast %reduce_sum3A_47 : vector<256xf32> to vector<1x256xf32>
    %add3A_48 = arith.addf %get3A_46, %broadcast_in_dim3A : vector<1x256xf32>
    %swap3A_49 = arith.constant 0 : index
    %swap3A_50 = arith.constant 0 : index
    %swap3A_51 = vector.load %arg15[%swap3A_49, %swap3A_50] : memref<2x256xf32, #tpu.memory_space<vmem>>, vector<1x256xf32>
    tpu.vector_store %arg15[%swap3A_49, %swap3A_50], %add3A_48 {strides = array<i32>} : memref<2x256xf32, #tpu.memory_space<vmem>>, vector<1x256xf32>,
    %get3A_52 = arith.constant 1 : index
    %get3A_53 = arith.constant 0 : index
    %get3A_54 = vector.load %arg15[%get3A_52, %get3A_53] : memref<2x256xf32, #tpu.memory_space<vmem>>, vector<1x256xf32>
    %mul3A_55 = arith.mulf %add3A_41, %add3A_41 : vector<2000x256xf32>
    %reduce_sum3A_56 = arith.constant dense<0.000000e+00> : vector<256xf32>
    %reduce_sum3A_57 = vector.multi_reduction <add>, %mul3A_55, %reduce_sum3A_56 [0] : vector<2000x256xf32> to vector<256xf32>
    %broadcast_in_dim3A_58 = vector.shape_cast %reduce_sum3A_57 : vector<256xf32> to vector<1x256xf32>
    %add3A_59 = arith.addf %get3A_54, %broadcast_in_dim3A_58 : vector<1x256xf32>
    %swap3A_60 = arith.constant 1 : index
    %swap3A_61 = arith.constant 0 : index
    %swap3A_62 = vector.load %arg15[%swap3A_60, %swap3A_61] : memref<2x256xf32, #tpu.memory_space<vmem>>, vector<1x256xf32>
    tpu.vector_store %arg15[%swap3A_60, %swap3A_61], %add3A_59 {strides = array<i32>} : memref<2x256xf32, #tpu.memory_space<vmem>>, vector<1x256xf32>,
    %eq3A_63 = arith.constant 4 : i32
    %eq3A_64 = arith.cmpi eq, %arg0, %eq3A_63 : i32
    %convert_element_type3A_65 = arith.extui %eq3A_64 : i1 to i32
    %cond3A_66 = arith.constant 0 : i32
    %cond3A_67 = arith.cmpi ne, %convert_element_type3A_65, %cond3A_66 : i32
    scf.if %cond3A_67 {
      %get3A_68 = arith.constant 0 : index
      %get3A_69 = arith.constant 0 : index
      %get3A_70 = vector.load %arg15[%get3A_68, %get3A_69] : memref<2x256xf32, #tpu.memory_space<vmem>>, vector<1x256xf32>
      %swap3A_71 = arith.constant 0 : index
      %swap3A_72 = arith.constant 0 : index
      %swap3A_73 = vector.load %arg12[%swap3A_71, %swap3A_72] : memref<1x256xf32, #tpu.memory_space<vmem>>, vector<1x256xf32>
      tpu.vector_store %arg12[%swap3A_71, %swap3A_72], %get3A_70 {strides = array<i32>} : memref<1x256xf32, #tpu.memory_space<vmem>>, vector<1x256xf32>,
      %get3A_74 = arith.constant 1 : index
      %get3A_75 = arith.constant 0 : index
      %get3A_76 = vector.load %arg15[%get3A_74, %get3A_75] : memref<2x256xf32, #tpu.memory_space<vmem>>, vector<1x256xf32>
      %swap3A_77 = arith.constant 0 : index
      %swap3A_78 = arith.constant 0 : index
      %swap3A_79 = vector.load %arg13[%swap3A_77, %swap3A_78] : memref<1x256xf32, #tpu.memory_space<vmem>>, vector<1x256xf32>
      tpu.vector_store %arg13[%swap3A_77, %swap3A_78], %get3A_76 {strides = array<i32>} : memref<1x256xf32, #tpu.memory_space<vmem>>, vector<1x256xf32>,
    } else {
    }
    return
  }
  func.func @transform_0(%arg0: i32) -> (i32, i32) {
    %c0_i32 = arith.constant 0 : i32
    %c0_i32_0 = arith.constant 0 : i32
    return %arg0, %c0_i32 : i32, i32
  }
  func.func @transform_1(%arg0: i32) -> (i32, i32) {
    %c0_i32 = arith.constant 0 : i32
    %c0_i32_0 = arith.constant 0 : i32
    return %arg0, %c0_i32 : i32, i32
  }
  func.func @transform_2(%arg0: i32) -> (i32, i32) {
    %c0_i32 = arith.constant 0 : i32
    %c0_i32_0 = arith.constant 0 : i32
    %c0_i32_1 = arith.constant 0 : i32
    return %c0_i32, %c0_i32_0 : i32, i32
  }
  func.func @transform_3(%arg0: i32) -> (i32, i32) {
    %c0_i32 = arith.constant 0 : i32
    %c0_i32_0 = arith.constant 0 : i32
    %c0_i32_1 = arith.constant 0 : i32
    return %c0_i32, %c0_i32_0 : i32, i32
  }
  func.func @transform_4(%arg0: i32) -> (i32, i32) {
    %c0_i32 = arith.constant 0 : i32
    %c0_i32_0 = arith.constant 0 : i32
    %c0_i32_1 = arith.constant 0 : i32
    return %c0_i32, %c0_i32_0 : i32, i32
  }
  func.func @transform_5(%arg0: i32) -> (i32, i32) {
    %c0_i32 = arith.constant 0 : i32
    %c0_i32_0 = arith.constant 0 : i32
    %c0_i32_1 = arith.constant 0 : i32
    return %c0_i32, %c0_i32_0 : i32, i32
  }
  func.func @transform_6(%arg0: i32) -> (i32, i32) {
    %c0_i32 = arith.constant 0 : i32
    %c0_i32_0 = arith.constant 0 : i32
    %c0_i32_1 = arith.constant 0 : i32
    return %c0_i32, %c0_i32_0 : i32, i32
  }
  func.func @transform_7(%arg0: i32) -> (i32, i32) {
    %c0_i32 = arith.constant 0 : i32
    %c0_i32_0 = arith.constant 0 : i32
    %c0_i32_1 = arith.constant 0 : i32
    return %c0_i32, %c0_i32_0 : i32, i32
  }
  func.func @transform_8(%arg0: i32) -> (i32, i32) {
    %c0_i32 = arith.constant 0 : i32
    %c0_i32_0 = arith.constant 0 : i32
    %c0_i32_1 = arith.constant 0 : i32
    return %c0_i32, %c0_i32_0 : i32, i32
  }
  func.func @transform_9(%arg0: i32) -> (i32, i32) {
    %c0_i32 = arith.constant 0 : i32
    %c0_i32_0 = arith.constant 0 : i32
    %c0_i32_1 = arith.constant 0 : i32
    return %c0_i32, %c0_i32_0 : i32, i32
  }
  func.func @transform_10(%arg0: i32) -> (i32, i32) {
    %c0_i32 = arith.constant 0 : i32
    %c0_i32_0 = arith.constant 0 : i32
    return %arg0, %c0_i32 : i32, i32
  }
  func.func @transform_11(%arg0: i32) -> (i32, i32) {
    %c0_i32 = arith.constant 0 : i32
    %c0_i32_0 = arith.constant 0 : i32
    %c0_i32_1 = arith.constant 0 : i32
    return %c0_i32, %c0_i32_0 : i32, i32
  }
  func.func @transform_12(%arg0: i32) -> (i32, i32) {
    %c0_i32 = arith.constant 0 : i32
    %c0_i32_0 = arith.constant 0 : i32
    %c0_i32_1 = arith.constant 0 : i32
    return %c0_i32, %c0_i32_0 : i32, i32
  }
}

module attributes {stable_mosaic.version = 14 : i64} {
  func.func @_finalize_body(%arg0: i32, %arg1: memref<2000x256xf32, #tpu.memory_space<vmem>>, %arg2: memref<1x256xf32, #tpu.memory_space<vmem>>, %arg3: memref<1x256xf32, #tpu.memory_space<vmem>>, %arg4: memref<1x256xf32, #tpu.memory_space<vmem>>, %arg5: memref<1x256xf32, #tpu.memory_space<vmem>>, %arg6: memref<2000x256xf32, #tpu.memory_space<vmem>>) attributes {dimension_semantics = [#tpu.dimension_semantics<arbitrary>], iteration_bounds = array<i64: 5>, scalar_prefetch = 0 : i64, scratch_operands = 0 : i64, tpu.core_type = #tpu.core_type<tc>, window_params = [{transform_indices = @transform_0, window_bounds = array<i64: 2000, 256>}, {pipeline_mode = #tpu.pipeline_mode<synchronous>, transform_indices = @transform_1, window_bounds = array<i64: 1, 256>}, {pipeline_mode = #tpu.pipeline_mode<synchronous>, transform_indices = @transform_2, window_bounds = array<i64: 1, 256>}, {pipeline_mode = #tpu.pipeline_mode<synchronous>, transform_indices = @transform_3, window_bounds = array<i64: 1, 256>}, {pipeline_mode = #tpu.pipeline_mode<synchronous>, transform_indices = @transform_4, window_bounds = array<i64: 1, 256>}, {transform_indices = @transform_5, window_bounds = array<i64: 2000, 256>}]} {
    %get3A = arith.constant 0 : index
    %get3A_0 = arith.constant 0 : index
    %get3A_1 = vector.load %arg2[%get3A, %get3A_0] : memref<1x256xf32, #tpu.memory_space<vmem>>, vector<1x256xf32>
    %mul3A = arith.constant 9.99999974E-5 : f32
    %mul3A_2 = vector.broadcast %mul3A : f32 to vector<1x256xf32>
    %mul3A_3 = arith.mulf %get3A_1, %mul3A_2 : vector<1x256xf32>
    %get3A_4 = arith.constant 0 : index
    %get3A_5 = arith.constant 0 : index
    %get3A_6 = vector.load %arg3[%get3A_4, %get3A_5] : memref<1x256xf32, #tpu.memory_space<vmem>>, vector<1x256xf32>
    %mul3A_7 = arith.constant 9.99999974E-5 : f32
    %mul3A_8 = vector.broadcast %mul3A_7 : f32 to vector<1x256xf32>
    %mul3A_9 = arith.mulf %get3A_6, %mul3A_8 : vector<1x256xf32>
    %mul3A_10 = arith.mulf %mul3A_3, %mul3A_3 : vector<1x256xf32>
    %sub3A = arith.subf %mul3A_9, %mul3A_10 : vector<1x256xf32>
    %max3A = arith.constant 0.000000e+00 : f32
    %max3A_11 = vector.broadcast %max3A : f32 to vector<1x256xf32>
    %max3A_12 = arith.maximumf %sub3A, %max3A_11 : vector<1x256xf32>
    %get3A_13 = arith.constant 0 : index
    %get3A_14 = arith.constant 0 : index
    %get3A_15 = vector.load %arg4[%get3A_13, %get3A_14] : memref<1x256xf32, #tpu.memory_space<vmem>>, vector<1x256xf32>
    %add3A = arith.constant 9.99999974E-6 : f32
    %add3A_16 = vector.broadcast %add3A : f32 to vector<1x256xf32>
    %add3A_17 = arith.addf %max3A_12, %add3A_16 : vector<1x256xf32>
    %rsqrt3A = math.rsqrt %add3A_17 : vector<1x256xf32>
    %mul3A_18 = arith.mulf %get3A_15, %rsqrt3A : vector<1x256xf32>
    %get3A_19 = arith.constant 0 : index
    %get3A_20 = arith.constant 0 : index
    %get3A_21 = vector.load %arg1[%get3A_19, %get3A_20] : memref<2000x256xf32, #tpu.memory_space<vmem>>, vector<2000x256xf32>
    %sub3A_22 = vector.broadcast %mul3A_3 : vector<1x256xf32> to vector<2000x256xf32>
    %sub3A_23 = arith.subf %get3A_21, %sub3A_22 : vector<2000x256xf32>
    %mul3A_24 = vector.broadcast %mul3A_18 : vector<1x256xf32> to vector<2000x256xf32>
    %mul3A_25 = arith.mulf %sub3A_23, %mul3A_24 : vector<2000x256xf32>
    %get3A_26 = arith.constant 0 : index
    %get3A_27 = arith.constant 0 : index
    %get3A_28 = vector.load %arg5[%get3A_26, %get3A_27] : memref<1x256xf32, #tpu.memory_space<vmem>>, vector<1x256xf32>
    %add3A_29 = vector.broadcast %get3A_28 : vector<1x256xf32> to vector<2000x256xf32>
    %add3A_30 = arith.addf %mul3A_25, %add3A_29 : vector<2000x256xf32>
    %max3A_31 = arith.constant 0.000000e+00 : f32
    %max3A_32 = vector.broadcast %max3A_31 : f32 to vector<2000x256xf32>
    %max3A_33 = arith.maximumf %add3A_30, %max3A_32 : vector<2000x256xf32>
    %swap3A = arith.constant 0 : index
    %swap3A_34 = arith.constant 0 : index
    %swap3A_35 = vector.load %arg6[%swap3A, %swap3A_34] : memref<2000x256xf32, #tpu.memory_space<vmem>>, vector<2000x256xf32>
    tpu.vector_store %arg6[%swap3A, %swap3A_34], %max3A_33 {strides = array<i32>} : memref<2000x256xf32, #tpu.memory_space<vmem>>, vector<2000x256xf32>,
    return
  }
  func.func @transform_0(%arg0: i32) -> (i32, i32) {
    %c0_i32 = arith.constant 0 : i32
    %c0_i32_0 = arith.constant 0 : i32
    return %arg0, %c0_i32 : i32, i32
  }
  func.func @transform_1(%arg0: i32) -> (i32, i32) {
    %c0_i32 = arith.constant 0 : i32
    %c0_i32_0 = arith.constant 0 : i32
    %c0_i32_1 = arith.constant 0 : i32
    return %c0_i32, %c0_i32_0 : i32, i32
  }
  func.func @transform_2(%arg0: i32) -> (i32, i32) {
    %c0_i32 = arith.constant 0 : i32
    %c0_i32_0 = arith.constant 0 : i32
    %c0_i32_1 = arith.constant 0 : i32
    return %c0_i32, %c0_i32_0 : i32, i32
  }
  func.func @transform_3(%arg0: i32) -> (i32, i32) {
    %c0_i32 = arith.constant 0 : i32
    %c0_i32_0 = arith.constant 0 : i32
    %c0_i32_1 = arith.constant 0 : i32
    return %c0_i32, %c0_i32_0 : i32, i32
  }
  func.func @transform_4(%arg0: i32) -> (i32, i32) {
    %c0_i32 = arith.constant 0 : i32
    %c0_i32_0 = arith.constant 0 : i32
    %c0_i32_1 = arith.constant 0 : i32
    return %c0_i32, %c0_i32_0 : i32, i32
  }
  func.func @transform_5(%arg0: i32) -> (i32, i32) {
    %c0_i32 = arith.constant 0 : i32
    %c0_i32_0 = arith.constant 0 : i32
    return %arg0, %c0_i32 : i32, i32
  }
}

</mosaic_0001>

<sc_bundles>
// kernel: kernel.6.cloned.1.call-start
scs
__scs_entry_jumppad:
0x0: {  	(pc) =	sbr.rel $0x88, $3  }
0x1: {  	(tag) =	ssettag $0x0;
	lr =	simm.s32 $0x1  }
0x2: {  	[smem:$0x3F97] =	sst lr;
	_ =	strace $0xD0000000  }
0x3: {  	_ = 	snop  }
0x4: {  	_ = 	snop  }
0x5: {  	_ = 	snop  }
0x6: {  	_ = 	snop  }
0x7: {  	_ = 	snop  }
__scs_overlays_trampoline_lowered:
0x8: {  	[smem:$0x3FA6] =	sst s0  }
0x9: {  	[smem:$0x3FA7] =	sst s1  }
0xa: {  	[smem:$0x3FA8] =	sst s2  }
0xb: {  	[smem:$0x3FA9] =	sst s3  }
0xc: {  	[smem:$0x3FAA] =	sst s4  }
0xd: {  	[smem:$0x3FAB] =	sst s5  }
0xe: {  	[smem:$0x3FAC] =	sst s6  }
0xf: {  	[smem:$0x3FAD] =	sst s7  }
0x10: {  	[smem:$0x3FAE] =	sst s8  }
0x11: {  	[smem:$0x3FAF] =	sst s9;
	s0 =	simm.s32 @!p0 $0x0  }
0x12: {  	s1 =	sld [smem:$0x3F95];
	s0 =	simm.s32 @p0 $0x1  }
0x13: {  	[smem:$0x3FB0] =	sst s0;
	s0 =	simm.s32 @!p1 $0x0  }
0x14: {  	s2 =	sld [smem:$0x3F94];
	s0 =	simm.s32 @p1 $0x1  }
0x15: {  	[smem:$0x3FB1] =	sst s0;
	s0 =	simm.s32 @!p2 $0x0  }
0x16: {  	s3 =	sld [smem:$0x3FDB];
	s0 =	simm.s32 @p2 $0x1  }
0x17: {  	s4 =	simm.s32 $0x1BF5;
	[smem:$0x3FB3] =	sst s0  }
0x18: {  	s0 =	sld [smem:$0x3F96];
	_ =	swait.ge [sflag:s4], $0x0  }
0x19: {  	s7 =	sld [smem:$0x3F97]  }
0x1a: {  	s8 =	sadd.s32 $0xFFFFE003, lr  }
0x1b: {  	s9 =	sadd.s32 $0xFFFFFEF7, lr;
	s5 =	simm.s32 $0xFFFFFFFF;
	p2 =	slt.u32 s8, $0xFFFFF086  }
0x1c: {  	p1 =	slt.u32 s9, $0xF7A;
	s5 =	simm.s32 @!p2 $0x0  }
0x1d: {  	s5 =	simm.s32 @p1 $0x1;
	p0 =	seq.s32 s7, s2  }
0x1e: {  	s7 =	smul.u32 @!p0 $0xF7A, s2;
	p2 =	seq.s32 @!p0 s5, $0x0  }
0x1f: {  	s9 =	smul.u32 $0xF7A, s1;
	s8 =	simm.s32 @!p0 $0x1BF5;
	p2 =	por !p2, p0  }
0x20: {  	[sflag:s8] =	ssyncset.s32 @!p0 $0xFFFFF086;
	s6 =	sadd.s32 @!p0 s3, s7;
	s7 =	simm.s32 @!p0 $0x108  }
0x21: {  	s3 =	sadd.s32 s3, s9;
	s6 =	sadd.s32 @!p0 $0x88, s6;
	s7 =	simm.s32 @p2 $0x1082  }
0x22: {  	[simem:s7], [sflag:s8] =	dma.local @!p0 [hbm:s6], $0xF7A  }
0x23: {  	s9 =	sor.u32 $0xD0000000, s2;
	s6 =	simm.s32 $0x108;
	_ =	swait.ge @!p0 [sflag:s8], $0x0  }
0x24: {  	s3 =	sadd.s32 $0x88, s3;
	s6 =	simm.s32 @!p1 $0x1082;
	[sflag:s4] =	ssyncset.s32 $0xFFFFF086  }
0x25: {  	[simem:s6], [sflag:s4] =	dma.local [hbm:s3], $0xF7A  }
0x26: {  	[smem:$0x3F97] =	sst s1;
	(tag) =	ssettag s2;
	_ =	strace s9  }
0x27: {  	s1 =	sld [smem:$0x3FA7]  }
0x28: {  	s2 =	sld [smem:$0x3FA8]  }
0x29: {  	s4 =	sld [smem:$0x3FAA]  }
0x2a: {  	p0 =	seq.s32 s5, $0x0;
	s5 =	sld [smem:$0x3FAB]  }
0x2b: {  	s6 =	sld [smem:$0x3FAC]  }
0x2c: {  	s7 =	sld [smem:$0x3FAD]  }
0x2d: {  	s3 =	simm.s32 $0x108;
	s8 =	sld [smem:$0x3FAE]  }
0x2e: {  	s3 =	simm.s32 @!p0 $0x1082;
	s9 =	sld [smem:$0x3FAF]  }
0x2f: {  	lr =	sadd.s32 s0, s3;
	s0 =	sld [smem:$0x3FA6]  }
0x30: {  	s3 =	sld [smem:$0x3FA9]  }
0x31: {  	[smem:$0x3FB2] =	sst s10  }
0x32: {  	s10 =	sld [smem:$0x3FB0];
	_ =	sdelay $0x3  }
0x33: {  	p0 =	seq.s32 s10, $0x1;
	s10 =	sld [smem:$0x3FB2];
	_ =	sdelay $0x3  }
0x34: {  	[smem:$0x3FB2] =	sst s10  }
0x35: {  	s10 =	sld [smem:$0x3FB1];
	_ =	sdelay $0x3  }
0x36: {  	p1 =	seq.s32 s10, $0x1;
	s10 =	sld [smem:$0x3FB2];
	_ =	sdelay $0x3  }
0x37: {  	[smem:$0x3FB2] =	sst s10  }
0x38: {  	s10 =	sld [smem:$0x3FB3]  }
0x39: {  	_ = 	snop;
	(pc) =	sbr.ind lr, $3  }
0x3a: {  	_ = 	snop  }
0x3b: {  	_ = 	snop  }
0x3c: {  	p2 =	seq.s32 s10, $0x1;
	s10 =	sld [smem:$0x3FB2]  }
0x3d: {  	_ =	shalt  }
0x3e: {  	_ =	shalt  }
0x3f: {  	_ =	shalt  }
0x40: {  	_ =	shalt  }
0x41: {  	_ =	shalt  }
0x42: {  	_ =	shalt  }
0x43: {  	_ =	shalt  }
0x44: {  	_ =	shalt  }
0x45: {  	_ =	shalt  }
0x46: {  	_ =	shalt  }
0x47: {  	_ =	shalt  }
0x48: {  	_ =	shalt  }
0x49: {  	_ =	shalt  }
0x4a: {  	_ =	shalt  }
0x4b: {  	_ =	shalt  }
0x4c: {  	_ =	shalt  }
0x4d: {  	_ =	shalt  }
0x4e: {  	_ =	shalt  }
0x4f: {  	_ =	shalt  }
0x50: {  	_ =	shalt  }
0x51: {  	_ =	shalt  }
0x52: {  	_ =	shalt  }
0x53: {  	_ =	shalt  }
0x54: {  	_ =	shalt  }
0x55: {  	_ =	shalt  }
0x56: {  	_ =	shalt  }
0x57: {  	_ =	shalt  }
0x58: {  	_ =	shalt  }
0x59: {  	_ =	shalt  }
0x5a: {  	_ =	shalt  }
0x5b: {  	_ =	shalt  }
0x5c: {  	_ =	shalt  }
0x5d: {  	_ =	shalt  }
0x5e: {  	_ =	shalt  }
0x5f: {  	_ =	shalt  }
0x60: {  	_ =	shalt  }
0x61: {  	_ =	shalt  }
0x62: {  	_ =	shalt  }
0x63: {  	_ =	shalt  }
0x64: {  	_ =	shalt  }
0x65: {  	_ =	shalt  }
0x66: {  	_ =	shalt  }
0x67: {  	_ =	shalt  }
0x68: {  	_ =	shalt  }
0x69: {  	_ =	shalt  }
0x6a: {  	_ =	shalt  }
0x6b: {  	_ =	shalt  }
0x6c: {  	_ =	shalt  }
0x6d: {  	_ =	shalt  }
0x6e: {  	_ =	shalt  }
0x6f: {  	_ =	shalt  }
0x70: {  	_ =	shalt  }
0x71: {  	_ =	shalt  }
0x72: {  	_ =	shalt  }
0x73: {  	_ =	shalt  }
0x74: {  	_ =	shalt  }
0x75: {  	_ =	shalt  }
0x76: {  	_ =	shalt  }
0x77: {  	_ =	shalt  }
0x78: {  	_ =	shalt  }
0x79: {  	_ =	shalt  }
0x7a: {  	_ =	shalt  }
0x7b: {  	_ =	shalt  }
0x7c: {  	_ =	shalt  }
0x7d: {  	_ =	shalt  }
0x7e: {  	_ =	shalt  }
0x7f: {  	_ =	shalt  }
0x80: {  	_ =	shalt  }
0x81: {  	_ =	shalt  }
0x82: {  	_ =	shalt  }
0x83: {  	_ =	shalt  }
0x84: {  	_ =	shalt  }
0x85: {  	_ =	shalt  }
0x86: {  	_ =	shalt  }
0x87: {  	_ =	shalt  }
.Lfunc_end0:
.L_simem_size_0:
called_computation_lowered:
.L_overlay_start_0:
0x88: {  	s2 =	sld [smem:$0x3FD9]  }
0x89: {  	s3 =	sld [smem:$0x3FFE];
	_ =	sdelay $0x1  }
0x8a: {  	s1 =	srdreg.scid  }
0x8b: {  	s0 =	sand.u32 $0x1, s1  }
0x8c: {  	s17 =	sshll.u32 s0, $0xA;
	s2 =	sadd.s32 s3, s2  }
0x8d: {  	s2 =	sadd.s32 s2, s17  }
0x8e: {  	[smem:$0x3FBE] =	sst s2  }
0x8f: {  	_ = 	snop  }
0x90: {  	s2 =	sld [smem:$0x3FD0];
	(tm) =	ssettm $0x1  }
0x91: {  	s18 =	sld [smem:$0x3FFB];
	_ =	sdelay $0x3  }
0x92: {  	_ =	strace s18  }
0x93: {  	s3 =	sld [smem:$0x3FFC];
	_ =	sdelay $0x3  }
0x94: {  	_ =	strace s3  }
0x95: {  	s3 =	sld [smem:$0x3FFD];
	_ =	sdelay $0x3  }
0x96: {  	_ =	strace s3  }
0x97: {  	_ =	strace $0x8FFFFFFF  }
0x98: {  	s19 =	sld [smem:$0x3FDB];
	_ =	sdelay $0x1  }
0x99: {  	s4 =	simm.s32 $_scs_section_size  }
0x9a: {  	s5 =	simm.s32 $_size__tile_overlayer_lowered;
	s6 =	simm.s32 $_tile_overlayer_lowered  }
0x9b: {  	s22 =	simm.s32 $0x1BFF;
	s21 =	sshll.u32 s6, $0x1;
	s3 =	sadd.s32 s4, s19  }
0x9c: {  	s7 =	simm.s32 $0x0;
	s20 =	sshll.u32 s5, $0x1;
	s5 =	sadd.s32 s21, s3  }
0x9d: {  	[timem:s7], [sflag:s22] =	dma.local [hbm:s5], s20  }
0x9e: {  	_ =	swait.ge [sflag:s22], s20  }
0x9f: {  	s4 =	ssub.s32 $0x0, s20;
	[sflag:s22] =	ssyncset.done $0x0  }
0xa0: {  	[sflag:s22] =	ssyncadd.s32 s4;
	_ =	sdelay $0x1  }
0xa1: {  	s23 =	simm.s32 $0x1B8B  }
0xa2: {  	_ =	swait.ge [sflag:s23], $0x1  }
0xa3: {  	[sflag:s23] =	ssyncset.done $0x0  }
0xa4: {  	s25 =	simm.s32 $0x1B8E;
	s24 =	sld [smem:$0x3FFE];
	[sflag:s23] =	ssyncadd.s32 $0xFFFFFFFF  }
0xa5: {  	s26 =	simm.s32 $execute0_lowered;
	[smem:$0x3FD2] =	sst s25  }
0xa6: {  	s5 =	sshll.u32 s26, $0x1;
	_ =	strace $0x80000046;
	[dreg:$0x1] =	wrdreg $0xFFFFFFFF  }
0xa7: {  	s28 =	simm.s32 $_size_execute0_lowered;
	s3 =	sadd.s32 s3, s5;
	[dreg:$0x0] =	wrdreg $0x0  }
0xa8: {  	s5 =	sshll.u32 s28, $0x1;
	[dreg:$0x2] =	wrdreg s3  }
0xa9: {  	[dreg:$0x3] =	wrdreg s5  }
0xaa: {  	[dreg:$0x4] =	wrdreg $0xC0  }
0xab: {  	_ =	task [dreg:s7], $0x5FFFF  }
0xac: {  	[dreg:$0x1] =	wrdreg $0xFFFFFFFF  }
0xad: {  	[dreg:$0x0] =	wrdreg $0x60  }
0xae: {  	[dreg:$0x2] =	wrdreg s24  }
0xaf: {  	[dreg:$0x3] =	wrdreg s2  }
0xb0: {  	[dreg:$0x4] =	wrdreg $0xA4000  }
0xb1: {  	[dreg:$0x5] =	wrdreg $0x9  }
0xb2: {  	_ =	task.clear_ibuf [dreg:s7], $0x6FFFF;
	_ =	strace $0x90000046  }
0xb3: {  	s29 =	simm.s32 $0x9;
	_ =	strace $0x80000048  }
0xb4: {  	_ =	swait.ge [sflag:s29], $0x1  }
0xb5: {  	[sflag:s29] =	ssyncadd.s32 $0xFFFFFFFF  }
0xb6: {  	_ =	strace $0x90000048  }
0xb7: {  	_ =	sfence  }
0xb8: {  	s30 =	sld [smem:$0x0];
	_ =	sdelay $0x2  }
0xb9: {  	s31 =	sshll.u32 s1, $0xD;
	s1 =	sshrl.u32 s1, $0x2  }
0xba: {  	s3 =	sand.u32 $0x4000, s31;
	s1 =	sadd.s32 s1, s30  }
0xbb: {  	s0 =	sor.u32 s3, s0;
	s1 =	sshll.u32 s1, $0x11  }
0xbc: {  	s0 =	sor.u32 s1, s0  }
0xbd: {  	s0 =	sadd.s32 $0x8F2B, s0  }
0xbe: {  	[sflag:s0] =	ssyncadd.remote.s32 $0x1  }
0xbf: {  	_ =	sfence.sel $0xFFFF  }
0xc0: {  	[dreg:$0x0] =	wrdreg $0xFFFFFFFF;
	(pc) =	sbr.abs _section_cstart, $3  }
0xc1: {  	[dreg:$0x1] =	wrdreg $0xFFFFFFFF  }
0xc2: {  	_ =	task.clear_ibuf [dreg:s7], $0x2FFFF;
	_ =	strace $0x9FFFFFFF  }
0xc3: {  	(tm) =	ssettm $0x7FFFFFFF  }
tec
execute0_lowered:
.L_overlay_start_1:
0x0: {  	(tag) =	ssettag $0x1  }
0x1: {  	s0 =	rddreg [dreg:$0x0]  }
0x2: {  	s18 =	rddreg [dreg:$0x1]  }
0x3: {  	s3 =	rddreg [dreg:$0x2];
	s4 =	simm.s32 $0x0  }
0x4: {  	s12 =	stileid.u32;
	s1 =	srdreg.scid;
	s30 =	simm.s32 $0x280  }
0x5: {  	[smem:$0x7FF] =	sst s4;
	s2 =	smul.u32 $0x2800, s12;
	s1 =	sand.u32 $0x1, s1  }
0x6: {  	s5 =	sadd.s32 $0x1C00, s0;
	s7 =	smul.u32 $0x50000, s12;
	s8 =	sadd.s32 $0x28E00, s0  }
0x7: {  	s9 =	sadd.s32 $0x2DE00, s0;
	s14 =	sadd.s32 $0x12C000, s3;
	s15 =	sadd.s32 $0x27400, s0  }
0x8: {  	s24 =	sadd.s32 $0x58600, s0;
	_ =	strace $0x80000047;
	[dreg:$0x6] =	wrdreg s14  }
0x9: {  	s26 =	smul.u32 $0x500, s12;
	s28 =	sadd.s32 $0x25800, s18;
	[dreg:$0x7] =	wrdreg s15  }
0xa: {  	p1 =	seq.s32 s12, $0xF;
	s12 =	simm.s32 $0x4;
	[dreg:$0xf] =	wrdreg s24  }
0xb: {  	s6 =	ssub.s32 $0x2, s1;
	p0 =	seq.s32 s1, $0x1;
	[dreg:$0x11] =	wrdreg s28  }
0xc: {  	s15 =	simm.s32 $0xB;
	s10 =	sshrl.u32 s6, $0x1;
	s11 =	sadd.s32 s2, s0  }
0xd: {  	s7 =	sshrl.u32 s7, $0x2;
	s13 =	sadd.s32 s5, s2;
	s16 =	sshrl.u32 s2, $0x3  }
0xe: {  	s25 =	sadd.s32 s18, s2;
	s0 =	sadd.s32 $0x7F800, s0;
	s24 =	sadd.s32 s26, s8  }
0xf: {  	s2 =	simm.s32 $0x3;
	s6 =	ssub.s32 s6, s10;
	[dreg:$0x5] =	wrdreg s13  }
0x10: {  	s10 =	sadd.s32 s7, s3;
	s17 =	sadd.s32 s8, s16;
	[dreg:$0x10] =	wrdreg s25  }
0x11: {  	s19 =	sadd.s32 s9, s16;
	s20 =	sor.u32 $0xA, s16;
	[dreg:$0x13] =	wrdreg s0  }
0x12: {  	s1 =	sor.u32 $0x14, s16;
	s23 =	sadd.s32 $0x32E00, s11;
	[dreg:$0x4] =	wrdreg s10  }
0x13: {  	s29 =	sadd.s32 $0x5A000, s11;
	s16 =	simm.s32 $0x380;
	[dreg:$0x8] =	wrdreg s17  }
0x14: {  	s11 =	simm.s32 $0xD;
	s13 =	simm.s32 $0x8;
	[dreg:$0x9] =	wrdreg s19  }
0x15: {  	s25 =	simm.s32 $0xC;
	s0 =	simm.s32 $0x0;
	[dreg:$0xe] =	wrdreg s23  }
0x16: {  	s21 =	sadd.s32 s8, s20;
	s7 =	sadd.s32 s9, s20;
	[dreg:$0x12] =	wrdreg s29  }
0x17: {  	s22 =	sadd.s32 s8, s1;
	s1 =	sadd.s32 s9, s1;
	[dreg:$0xa] =	wrdreg s21  }
.Ltmp0:
0x18: {  	s31 =	smax.u32 s6, $0x1;
	[dreg:$0xb] =	wrdreg s7;
	(pc) =	sbr.rel .LBB2_1-.Ltmp0, $4  }
0x19: {  	s23 =	sadd.s32 s26, s9;
	s20 =	simm.s32 $0x100;
	[dreg:$0xc] =	wrdreg s22  }
0x1a: {  	s19 =	simm.s32 $0x9;
	s6 =	simm.s32 $0x7;
	[dreg:$0xd] =	wrdreg s1  }
0x1b: {  	s10 =	simm.s32 $0xA;
	[dreg:$0x14] =	wrdreg s31;
	s7 =	simm.s32 $0x50  }
0x1c: {  	s21 =	simm.s32 $0x2C00;
	s22 =	simm.s32 $0xE;
	s1 =	simm.s32 $0xF  }
.LBB2_9:
0x1d: {  	_ =	swait.ge [sflag:s25], $0x2800  }
0x1e: {  	[sflag:s25] =	ssyncset.done $0x0  }
0x1f: {  	[sflag:s25] =	ssyncadd.s32 $0xFFFFD800  }
0x20: {  	[spmem:s3] =	stream.indirect.scatter.add.f32 [tilespmem:s0], [sflag:$0x10], $0x80, s16, s7, $0xb8;
	[tilespmem:$0x1E400] =	vst v63  }
0x21: {  	_ =	swait.ge [sflag:s1], $0x2800  }
0x22: {  	[sflag:s1] =	ssyncset.done $0x0  }
0x23: {  	s31 =	simm.s32 $0x10;
	[sflag:s1] =	ssyncadd.s32 $0xFFFFD800  }
0x24: {  	_ =	swait.ge [sflag:s31], $0x2800  }
0x25: {  	[sflag:s31] =	ssyncset.done $0x0  }
0x26: {  	[sflag:s31] =	ssyncadd.s32 $0xFFFFD800  }
0x27: {  	[bflag:$0x0] =	sbarrier.arrive $0xFFFF  }
0x28: {  	s26 =	rddreg [dreg:$0x13]  }
0x29: {  	s9 =	simm.s32 @p1 $0x1FD1;
	s0 =	rddreg [dreg:$0x18]  }
0x2a: {  	[hbm:s26], [sflag:s9] =	dma.local @p1 [spmem:s0], $0x1900  }
0x2b: {  	s9 =	simm.s32 @p1 $0x11  }
0x2c: {  	_ =	swait.ge @p1 [sflag:s9], $0x1900  }
0x2d: {  	s0 =	rddreg [dreg:$0x16]  }
0x2e: {  	[sflag:s9] =	ssyncset.done @p1 $0x0;
	s8 =	rddreg [dreg:$0x17]  }
0x2f: {  	[sflag:s9] =	ssyncadd.s32 @p1 $0xFFFFE700;
	s9 =	rddreg [dreg:$0x12]  }
0x30: {  	[hbm:s9], [sflag:s8] =	dma.local @!p1 [spmem:s0], $0x2800  }
0x31: {  	s9 =	simm.s32 @!p1 $0x11  }
0x32: {  	_ =	swait.ge @!p1 [sflag:s9], $0x2800  }
0x33: {  	[sflag:s9] =	ssyncset.done @!p1 $0x0  }
0x34: {  	s16 =	simm.s32 $0x380;
	s0 =	rddreg [dreg:$0x15];
	[sflag:s9] =	ssyncadd.s32 @!p1 $0xFFFFD800  }
.LBB2_10:
0x35: {  	s0 =	sadd.s32 $0x1, s0;
	s9 =	rddreg [dreg:$0x14]  }
0x36: {  	p2 =	sne.s32 s0, s9  }
.Ltmp1:
0x37: {  	_ = 	snop;
	(pc) =	sbr.rel @!p2 .LBB2_11-.Ltmp1, $2  }
0x38: {  	_ =	sdelay $0x2  }
0x39: {  	s30 =	simm.s32 $0x280;
	s20 =	simm.s32 $0x100;
	s21 =	simm.s32 $0x2C00  }
.LBB2_1:
0x3a: {  	[dreg:$0x15] =	wrdreg s0;
	s9 =	stileid.u32  }
.Ltmp2:
0x3b: {  	s26 =	sshll.u32 @!p1 s9, $0x6;
	s9 =	rddreg [dreg:$0x6];
	(pc) =	sbr.rel @!p0 .LBB2_2-.Ltmp2, $4  }
0x3c: {  	s14 =	sshrl.u32 @p1 s9, $0x3;
	s9 =	rddreg [dreg:$0x4];
	s8 =	sor.u32 @!p1 $0x1C11, s26  }
0x3d: {  	[dreg:$0x17] =	wrdreg s8  }
0x3e: {  	s0 =	sshrl.u32 @!p1 s9, $0x3;
	[dreg:$0x18] =	wrdreg s14  }
0x3f: {  	[dreg:$0x16] =	wrdreg s0  }
0x40: {  	s9 =	simm.s32 @p1 $0x1FD1;
	s26 =	rddreg [dreg:$0x11]  }
0x41: {  	[spmem:s14], [sflag:s9] =	dma.local @p1 [hbm:s26], $0x1900  }
0x42: {  	s9 =	simm.s32 @p1 $0x11  }
0x43: {  	_ =	swait.ge @p1 [sflag:s9], $0x1900  }
0x44: {  	[sflag:s9] =	ssyncset.done @p1 $0x0  }
0x45: {  	[sflag:s9] =	ssyncadd.s32 @p1 $0xFFFFE700;
	s9 =	rddreg [dreg:$0x10]  }
0x46: {  	[spmem:s0], [sflag:s8] =	dma.local @!p1 [hbm:s9], $0x2800  }
0x47: {  	s9 =	simm.s32 @!p1 $0x11  }
0x48: {  	_ =	swait.ge @!p1 [sflag:s9], $0x2800  }
0x49: {  	[sflag:s9] =	ssyncset.done @!p1 $0x0  }
0x4a: {  	[sflag:s9] =	ssyncadd.s32 @!p1 $0xFFFFD800  }
0x4b: {  	[bflag:$0x0] =	sbarrier.arrive $0xFFFF  }
0x4c: {  	s26 =	simm.s32 $0x0;
	s8 =	rddreg [dreg:$0x8]  }
0x4d: {  	[tilespmem:s26], [sflag:$0x1] =	stream.linear.gather [hbm4b:s8+s26], $0x50, $0x38;
	[tilespmem:$0x1E400] =	vst v63  }
0x4e: {  	s28 =	simm.s32 $0x200;
	s14 =	rddreg [dreg:$0x9]  }
0x4f: {  	[tilespmem:s28], [sflag:$0x5] =	stream.linear.gather [hbm4b:s14+s26], $0x50, $0x38;
	[tilespmem:$0x1E400] =	vst v63  }
0x50: {  	s17 =	rddreg [dreg:$0xa];
	s28 =	simm.s32 $0x80  }
0x51: {  	[tilespmem:s28], [sflag:$0x2] =	stream.linear.gather [hbm4b:s17+s26], $0x50, $0x38;
	[tilespmem:$0x1E400] =	vst v63  }
0x52: {  	s29 =	rddreg [dreg:$0xb]  }
0x53: {  	[tilespmem:s30], [sflag:$0x6] =	stream.linear.gather [hbm4b:s29+s26], $0x50, $0x38;
	[tilespmem:$0x1E400] =	vst v63  }
0x54: {  	s31 =	rddreg [dreg:$0xc]  }
0x55: {  	[tilespmem:s20], [sflag:$0x3] =	stream.linear.gather [hbm4b:s31+s26], $0x50, $0x38;
	[tilespmem:$0x1E400] =	vst v63  }
0x56: {  	s0 =	rddreg [dreg:$0xd];
	s8 =	simm.s32 $0x300;
	s14 =	simm.s32 $0x1  }
0x57: {  	[tilespmem:s8], [sflag:$0x7] =	stream.linear.gather [hbm4b:s0+s26], $0x50, $0x38;
	[tilespmem:$0x1E400] =	vst v63  }
0x58: {  	_ =	swait.ge [sflag:s14], $0x50  }
0x59: {  	[sflag:s14] =	ssyncset.done $0x0  }
0x5a: {  	s17 =	simm.s32 $0x5;
	[sflag:s14] =	ssyncadd.s32 $0xFFFFFFB0  }
0x5b: {  	_ =	swait.ge [sflag:s17], $0x50  }
0x5c: {  	[sflag:s17] =	ssyncset.done $0x0  }
0x5d: {  	s29 =	simm.s32 $0x2;
	s14 =	simm.s32 $0x400;
	[sflag:s17] =	ssyncadd.s32 $0xFFFFFFB0  }
0x5e: {  	[tilespmem:s14], [sflag:$0x9] =	stream.indirect.gather [hbm4b:s18+s7], $0x80, s26, s7, $0xb8;
	[tilespmem:$0x1E400] =	vst v63  }
0x5f: {  	_ =	swait.ge [sflag:s29], $0x50  }
0x60: {  	[sflag:s29] =	ssyncset.done $0x0  }
0x61: {  	s31 =	simm.s32 $0x6;
	[sflag:s29] =	ssyncadd.s32 $0xFFFFFFB0  }
0x62: {  	_ =	swait.ge [sflag:s31], $0x50  }
0x63: {  	[sflag:s31] =	ssyncset.done $0x0  }
0x64: {  	s17 =	simm.s32 $0x7C00;
	[sflag:s31] =	ssyncadd.s32 $0xFFFFFFB0  }
0x65: {  	[tilespmem:s21], [sflag:$0xA] =	stream.indirect.gather [hbm4b:s18+s7], $0x80, s28, s7, $0xb8;
	[tilespmem:$0x1E400] =	vst v63  }
.LBB2_7:
0x66: {  	_ =	swait.ge [sflag:s19], $0x2800  }
0x67: {  	[sflag:s19] =	ssyncset.done $0x0  }
0x68: {  	s9 =	simm.s32 $0x200;
	p2 =	seq.s32 s26, $0x0;
	[sflag:s19] =	ssyncadd.s32 $0xFFFFD800  }
0x69: {  	[spmem:s3] =	stream.indirect.scatter.add.f32 [tilespmem:s14], [sflag:$0xD], $0x80, s9, s7, $0xb8;
	[tilespmem:$0x1E400] =	vst v63  }
0x6a: {  	s9 =	simm.s32 @!p2 $0x10  }
0x6b: {  	_ =	swait.ge @!p2 [sflag:s9], $0x2800  }
0x6c: {  	s28 =	sadd.s32 s26, s24;
	s0 =	simm.s32 $0x180;
	[sflag:s9] =	ssyncset.done @!p2 $0x0  }
0x6d: {  	s29 =	sadd.s32 s26, s23;
	s14 =	sadd.s32 $0x1E, s28;
	[sflag:s9] =	ssyncadd.s32 @!p2 $0xFFFFD800  }
0x6e: {  	[tilespmem:s0], [sflag:$0x4] =	stream.linear.gather [hbm4b:s14+s4], $0x50, $0x38;
	[tilespmem:$0x1E400] =	vst v63  }
0x6f: {  	s14 =	sadd.s32 $0x1E, s29  }
0x70: {  	[tilespmem:s16], [sflag:$0x8] =	stream.linear.gather [hbm4b:s14+s4], $0x50, $0x38;
	[tilespmem:$0x1E400] =	vst v63  }
0x71: {  	_ =	swait.ge [sflag:s2], $0x50  }
0x72: {  	[sflag:s2] =	ssyncset.done $0x0  }
0x73: {  	[sflag:s2] =	ssyncadd.s32 $0xFFFFFFB0  }
0x74: {  	_ =	swait.ge [sflag:s6], $0x50  }
0x75: {  	[sflag:s6] =	ssyncset.done $0x0  }
0x76: {  	s14 =	simm.s32 $0x5400;
	[sflag:s6] =	ssyncadd.s32 $0xFFFFFFB0  }
0x77: {  	[tilespmem:s14], [sflag:$0xB] =	stream.indirect.gather [hbm4b:s18+s7], $0x80, s20, s7, $0xb8;
	[tilespmem:$0x1E400] =	vst v63  }
0x78: {  	_ =	swait.ge [sflag:s10], $0x2800  }
0x79: {  	[sflag:s10] =	ssyncset.done $0x0  }
0x7a: {  	[sflag:s10] =	ssyncadd.s32 $0xFFFFD800  }
0x7b: {  	[spmem:s3] =	stream.indirect.scatter.add.f32 [tilespmem:s21], [sflag:$0xE], $0x80, s30, s7, $0xb8;
	[tilespmem:$0x1E400] =	vst v63  }
0x7c: {  	p2 =	seq.s32 s26, $0x4D8;
	_ =	swait.ge [sflag:s11], $0x2800  }
0x7d: {  	s9 =	sadd.s32 @!p2 s26, s24;
	[sflag:s11] =	ssyncset.done $0x0  }
0x7e: {  	s9 =	sadd.s32 @!p2 $0x28, s9;
	s18 =	simm.s32 @!p2 $0x0;
	[sflag:s11] =	ssyncadd.s32 $0xFFFFD800  }
0x7f: {  	[tilespmem:s18], [sflag:$0x1] =	stream.linear.gather @!p2 [hbm4b:s9+s18], $0x50, $0x38;
	[tilespmem:$0x1E400] =	vst v63  }
0x80: {  	s9 =	sadd.s32 @!p2 s26, s23  }
0x81: {  	s30 =	simm.s32 @!p2 $0x200;
	s9 =	sadd.s32 @!p2 $0x28, s9  }
0x82: {  	[tilespmem:s30], [sflag:$0x5] =	stream.linear.gather @!p2 [hbm4b:s9+s18], $0x50, $0x38;
	[tilespmem:$0x1E400] =	vst v63  }
0x83: {  	s18 =	rddreg [dreg:$0x1];
	_ =	swait.ge [sflag:s12], $0x50  }
0x84: {  	[sflag:s12] =	ssyncset.done $0x0  }
0x85: {  	[sflag:s12] =	ssyncadd.s32 $0xFFFFFFB0  }
0x86: {  	_ =	swait.ge [sflag:s13], $0x50  }
0x87: {  	[sflag:s13] =	ssyncset.done $0x0  }
0x88: {  	[sflag:s13] =	ssyncadd.s32 $0xFFFFFFB0  }
0x89: {  	[tilespmem:s17], [sflag:$0xC] =	stream.indirect.gather [hbm4b:s18+s7], $0x80, s0, s7, $0xb8;
	[tilespmem:$0x1E400] =	vst v63  }
0x8a: {  	_ =	swait.ge [sflag:s15], $0x2800  }
0x8b: {  	[sflag:s15] =	ssyncset.done $0x0  }
.Ltmp3:
0x8c: {  	[sflag:s15] =	ssyncadd.s32 $0xFFFFD800;
	(pc) =	sbr.rel @p2 .LBB2_9-.Ltmp3, $4  }
0x8d: {  	[spmem:s3] =	stream.indirect.scatter.add.f32 [tilespmem:s14], [sflag:$0xF], $0x80, s8, s7, $0xb8;
	[tilespmem:$0x1E400] =	vst v63  }
0x8e: {  	s31 =	simm.s32 $0x2C00;
	_ =	swait.ge [sflag:s22], $0x2800  }
0x8f: {  	s16 =	simm.s32 $0x380;
	s20 =	simm.s32 $0x280;
	[sflag:s22] =	ssyncset.done $0x0  }
0x90: {  	s21 =	simm.s32 $0x100;
	s0 =	simm.s32 $0x7C00;
	[sflag:s22] =	ssyncadd.s32 $0xFFFFD800  }
0x91: {  	s9 =	sadd.s32 $0x32, s28;
	s30 =	simm.s32 $0x80  }
0x92: {  	[tilespmem:s30], [sflag:$0x2] =	stream.linear.gather [hbm4b:s9+s4], $0x50, $0x38;
	[tilespmem:$0x1E400] =	vst v63  }
0x93: {  	s0 =	sadd.s32 $0x32, s29;
	s14 =	simm.s32 $0x1  }
0x94: {  	[tilespmem:s20], [sflag:$0x6] =	stream.linear.gather [hbm4b:s0+s4], $0x50, $0x38;
	[tilespmem:$0x1E400] =	vst v63  }
0x95: {  	_ =	swait.ge [sflag:s14], $0x50  }
0x96: {  	[sflag:s14] =	ssyncset.done $0x0  }
0x97: {  	s0 =	simm.s32 $0x5;
	[sflag:s14] =	ssyncadd.s32 $0xFFFFFFB0  }
0x98: {  	_ =	swait.ge [sflag:s0], $0x50  }
0x99: {  	[sflag:s0] =	ssyncset.done $0x0  }
0x9a: {  	s14 =	simm.s32 $0x400;
	[sflag:s0] =	ssyncadd.s32 $0xFFFFFFB0  }
0x9b: {  	[tilespmem:s14], [sflag:$0x9] =	stream.indirect.gather [hbm4b:s18+s7], $0x80, s4, s7, $0xb8;
	[tilespmem:$0x1E400] =	vst v63  }
0x9c: {  	_ =	swait.ge [sflag:s25], $0x2800  }
0x9d: {  	[sflag:s25] =	ssyncset.done $0x0  }
0x9e: {  	s17 =	simm.s32 $0x7C00;
	[sflag:s25] =	ssyncadd.s32 $0xFFFFD800  }
0x9f: {  	[spmem:s3] =	stream.indirect.scatter.add.f32 [tilespmem:s17], [sflag:$0x10], $0x80, s16, s7, $0xb8;
	[tilespmem:$0x1E400] =	vst v63  }
0xa0: {  	_ =	swait.ge [sflag:s1], $0x2800  }
0xa1: {  	[sflag:s1] =	ssyncset.done $0x0  }
0xa2: {  	s20 =	sadd.s32 $0x3C, s28;
	[sflag:s1] =	ssyncadd.s32 $0xFFFFD800  }
0xa3: {  	[tilespmem:s21], [sflag:$0x3] =	stream.linear.gather [hbm4b:s20+s4], $0x50, $0x38;
	[tilespmem:$0x1E400] =	vst v63  }
0xa4: {  	s8 =	simm.s32 $0x300;
	s28 =	simm.s32 $0x2;
	s21 =	sadd.s32 $0x3C, s29  }
0xa5: {  	[tilespmem:s8], [sflag:$0x7] =	stream.linear.gather [hbm4b:s21+s4], $0x50, $0x38;
	[tilespmem:$0x1E400] =	vst v63  }
0xa6: {  	_ =	swait.ge [sflag:s28], $0x50  }
0xa7: {  	[sflag:s28] =	ssyncset.done $0x0  }
0xa8: {  	s29 =	simm.s32 $0x6;
	[sflag:s28] =	ssyncadd.s32 $0xFFFFFFB0  }
.Ltmp4:
0xa9: {  	_ =	swait.ge [sflag:s29], $0x50;
	(pc) =	sbr.rel .LBB2_7-.Ltmp4, $4  }
0xaa: {  	[sflag:s29] =	ssyncset.done $0x0  }
0xab: {  	s26 =	sadd.s32 $0x28, s26;
	s16 =	simm.s32 $0x380;
	[sflag:s29] =	ssyncadd.s32 $0xFFFFFFB0  }
0xac: {  	[tilespmem:s31], [sflag:$0xA] =	stream.indirect.gather [hbm4b:s18+s7], $0x80, s30, s7, $0xb8;
	[tilespmem:$0x1E400] =	vst v63  }
0xad: {  	s20 =	simm.s32 $0x100;
	s21 =	simm.s32 $0x2C00;
	s30 =	simm.s32 $0x280  }
.LBB2_2:
0xae: {  	s26 =	simm.s32 @p1 $0x1FD1;
	s9 =	rddreg [dreg:$0x7]  }
0xaf: {  	[spmem:s14], [sflag:s26] =	dma.local @p1 [hbm:s9], $0x1900  }
0xb0: {  	s26 =	simm.s32 @p1 $0x11  }
0xb1: {  	_ =	swait.ge @p1 [sflag:s26], $0x1900  }
0xb2: {  	[sflag:s26] =	ssyncset.done @p1 $0x0  }
0xb3: {  	s9 =	rddreg [dreg:$0x5];
	[sflag:s26] =	ssyncadd.s32 @p1 $0xFFFFE700;
	s26 =	simm.s32 @!p1 $0x11  }
0xb4: {  	[spmem:s0], [sflag:s8] =	dma.local @!p1 [hbm:s9], $0x2800  }
0xb5: {  	_ =	swait.ge @!p1 [sflag:s26], $0x2800  }
0xb6: {  	[sflag:s26] =	ssyncset.done @!p1 $0x0  }
0xb7: {  	[sflag:s26] =	ssyncadd.s32 @!p1 $0xFFFFD800  }
0xb8: {  	[bflag:$0x0] =	sbarrier.arrive $0xFFFF  }
0xb9: {  	s26 =	simm.s32 $0x0;
	s29 =	rddreg [dreg:$0x8]  }
0xba: {  	[tilespmem:s26], [sflag:$0x1] =	stream.linear.gather [hbm4b:s29+s26], $0x50, $0x38;
	[tilespmem:$0x1E400] =	vst v63  }
0xbb: {  	s18 =	simm.s32 $0x200;
	s0 =	rddreg [dreg:$0x9]  }
0xbc: {  	[tilespmem:s18], [sflag:$0x5] =	stream.linear.gather [hbm4b:s0+s26], $0x50, $0x38;
	[tilespmem:$0x1E400] =	vst v63  }
0xbd: {  	s8 =	rddreg [dreg:$0xa];
	s18 =	simm.s32 $0x80  }
0xbe: {  	[tilespmem:s18], [sflag:$0x2] =	stream.linear.gather [hbm4b:s8+s26], $0x50, $0x38;
	[tilespmem:$0x1E400] =	vst v63  }
0xbf: {  	s14 =	rddreg [dreg:$0xb]  }
0xc0: {  	[tilespmem:s30], [sflag:$0x6] =	stream.linear.gather [hbm4b:s14+s26], $0x50, $0x38;
	[tilespmem:$0x1E400] =	vst v63  }
0xc1: {  	s16 =	rddreg [dreg:$0xc]  }
0xc2: {  	[tilespmem:s20], [sflag:$0x3] =	stream.linear.gather [hbm4b:s16+s26], $0x50, $0x38;
	[tilespmem:$0x1E400] =	vst v63  }
0xc3: {  	s17 =	rddreg [dreg:$0xd];
	s8 =	simm.s32 $0x300;
	s20 =	simm.s32 $0x1  }
0xc4: {  	[tilespmem:s8], [sflag:$0x7] =	stream.linear.gather [hbm4b:s17+s26], $0x50, $0x38;
	[tilespmem:$0x1E400] =	vst v63  }
0xc5: {  	_ =	swait.ge [sflag:s20], $0x50  }
0xc6: {  	[sflag:s20] =	ssyncset.done $0x0  }
0xc7: {  	s28 =	simm.s32 $0x5;
	[sflag:s20] =	ssyncadd.s32 $0xFFFFFFB0  }
0xc8: {  	_ =	swait.ge [sflag:s28], $0x50  }
0xc9: {  	[sflag:s28] =	ssyncset.done $0x0  }
0xca: {  	s29 =	simm.s32 $0x2;
	s14 =	simm.s32 $0x400;
	[sflag:s28] =	ssyncadd.s32 $0xFFFFFFB0  }
0xcb: {  	[tilespmem:s14], [sflag:$0x9] =	stream.indirect.gather [hbm4b:s5+s7], $0x80, s26, s7, $0xb8;
	[tilespmem:$0x1E400] =	vst v63  }
0xcc: {  	_ =	swait.ge [sflag:s29], $0x50  }
0xcd: {  	[sflag:s29] =	ssyncset.done $0x0  }
0xce: {  	s30 =	simm.s32 $0x6;
	[sflag:s29] =	ssyncadd.s32 $0xFFFFFFB0  }
0xcf: {  	_ =	swait.ge [sflag:s30], $0x50  }
0xd0: {  	[sflag:s30] =	ssyncset.done $0x0  }
0xd1: {  	s31 =	simm.s32 $0x2C00;
	s16 =	simm.s32 $0x380;
	[sflag:s30] =	ssyncadd.s32 $0xFFFFFFB0  }
0xd2: {  	[tilespmem:s21], [sflag:$0xA] =	stream.indirect.gather [hbm4b:s5+s7], $0x80, s18, s7, $0xb8;
	[tilespmem:$0x1E400] =	vst v63  }
0xd3: {  	s17 =	simm.s32 $0x7C00;
	s20 =	simm.s32 $0x280;
	s21 =	simm.s32 $0x100  }
.LBB2_3:
0xd4: {  	_ =	swait.ge [sflag:s19], $0x2800  }
0xd5: {  	p2 =	seq.s32 s26, $0x0;
	[sflag:s19] =	ssyncset.done $0x0  }
0xd6: {  	s9 =	simm.s32 $0x200;
	s29 =	simm.s32 @!p2 $0x10;
	[sflag:s19] =	ssyncadd.s32 $0xFFFFD800  }
0xd7: {  	[spmem:s3] =	stream.indirect.scatter.add.f32 [tilespmem:s14], [sflag:$0xD], $0x80, s9, s7, $0xb8;
	[tilespmem:$0x1E400] =	vst v63  }
0xd8: {  	_ =	swait.ge @!p2 [sflag:s29], $0x2800  }
0xd9: {  	s28 =	sadd.s32 s26, s24;
	[sflag:s29] =	ssyncset.done @!p2 $0x0  }
0xda: {  	s0 =	simm.s32 $0x180;
	[sflag:s29] =	ssyncadd.s32 @!p2 $0xFFFFD800;
	s29 =	sadd.s32 $0x1E, s28  }
0xdb: {  	[tilespmem:s0], [sflag:$0x4] =	stream.linear.gather [hbm4b:s29+s4], $0x50, $0x38;
	[tilespmem:$0x1E400] =	vst v63  }
0xdc: {  	s29 =	sadd.s32 s26, s23  }
0xdd: {  	s30 =	sadd.s32 $0x1E, s29  }
0xde: {  	[tilespmem:s16], [sflag:$0x8] =	stream.linear.gather [hbm4b:s30+s4], $0x50, $0x38;
	[tilespmem:$0x1E400] =	vst v63  }
0xdf: {  	_ =	swait.ge [sflag:s2], $0x50  }
0xe0: {  	[sflag:s2] =	ssyncset.done $0x0  }
0xe1: {  	[sflag:s2] =	ssyncadd.s32 $0xFFFFFFB0  }
0xe2: {  	_ =	swait.ge [sflag:s6], $0x50  }
0xe3: {  	[sflag:s6] =	ssyncset.done $0x0  }
0xe4: {  	s16 =	simm.s32 $0x5400;
	[sflag:s6] =	ssyncadd.s32 $0xFFFFFFB0  }
0xe5: {  	[tilespmem:s16], [sflag:$0xB] =	stream.indirect.gather [hbm4b:s5+s7], $0x80, s21, s7, $0xb8;
	[tilespmem:$0x1E400] =	vst v63  }
0xe6: {  	_ =	swait.ge [sflag:s10], $0x2800  }
0xe7: {  	[sflag:s10] =	ssyncset.done $0x0  }
0xe8: {  	[sflag:s10] =	ssyncadd.s32 $0xFFFFD800  }
0xe9: {  	[spmem:s3] =	stream.indirect.scatter.add.f32 [tilespmem:s31], [sflag:$0xE], $0x80, s20, s7, $0xb8;
	[tilespmem:$0x1E400] =	vst v63  }
0xea: {  	p2 =	seq.s32 s26, $0x4D8;
	_ =	swait.ge [sflag:s11], $0x2800  }
0xeb: {  	s30 =	sadd.s32 @!p2 s26, s24;
	[sflag:s11] =	ssyncset.done $0x0  }
0xec: {  	s9 =	simm.s32 @!p2 $0x0;
	s30 =	sadd.s32 @!p2 $0x28, s30;
	[sflag:s11] =	ssyncadd.s32 $0xFFFFD800  }
0xed: {  	[tilespmem:s9], [sflag:$0x1] =	stream.linear.gather @!p2 [hbm4b:s30+s9], $0x50, $0x38;
	[tilespmem:$0x1E400] =	vst v63  }
0xee: {  	s30 =	sadd.s32 @!p2 s26, s23  }
0xef: {  	s18 =	simm.s32 @!p2 $0x200;
	s30 =	sadd.s32 @!p2 $0x28, s30  }
0xf0: {  	[tilespmem:s18], [sflag:$0x5] =	stream.linear.gather @!p2 [hbm4b:s30+s9], $0x50, $0x38;
	[tilespmem:$0x1E400] =	vst v63  }
0xf1: {  	_ =	swait.ge [sflag:s12], $0x50  }
0xf2: {  	[sflag:s12] =	ssyncset.done $0x0  }
0xf3: {  	[sflag:s12] =	ssyncadd.s32 $0xFFFFFFB0  }
0xf4: {  	_ =	swait.ge [sflag:s13], $0x50  }
0xf5: {  	[sflag:s13] =	ssyncset.done $0x0  }
0xf6: {  	[sflag:s13] =	ssyncadd.s32 $0xFFFFFFB0  }
0xf7: {  	[tilespmem:s17], [sflag:$0xC] =	stream.indirect.gather [hbm4b:s5+s7], $0x80, s0, s7, $0xb8;
	[tilespmem:$0x1E400] =	vst v63  }
0xf8: {  	_ =	swait.ge [sflag:s15], $0x2800  }
0xf9: {  	[sflag:s15] =	ssyncset.done $0x0  }
.Ltmp5:
0xfa: {  	[sflag:s15] =	ssyncadd.s32 $0xFFFFD800;
	(pc) =	sbr.rel @p2 .LBB2_5-.Ltmp5, $4  }
0xfb: {  	[spmem:s3] =	stream.indirect.scatter.add.f32 [tilespmem:s16], [sflag:$0xF], $0x80, s8, s7, $0xb8;
	[tilespmem:$0x1E400] =	vst v63  }
0xfc: {  	_ =	swait.ge [sflag:s22], $0x2800  }
0xfd: {  	s19 =	simm.s32 $0x380;
	s14 =	simm.s32 $0x400;
	[sflag:s22] =	ssyncset.done $0x0  }
0xfe: {  	s8 =	simm.s32 $0x300;
	s16 =	simm.s32 $0x7C00;
	[sflag:s22] =	ssyncadd.s32 $0xFFFFD800  }
0xff: {  	s9 =	sadd.s32 $0x32, s28;
	s18 =	simm.s32 $0x80  }
0x100: {  	[tilespmem:s18], [sflag:$0x2] =	stream.linear.gather [hbm4b:s9+s4], $0x50, $0x38;
	[tilespmem:$0x1E400] =	vst v63  }
0x101: {  	s30 =	sadd.s32 $0x32, s29;
	s0 =	simm.s32 $0x1  }
0x102: {  	[tilespmem:s20], [sflag:$0x6] =	stream.linear.gather [hbm4b:s30+s4], $0x50, $0x38;
	[tilespmem:$0x1E400] =	vst v63  }
0x103: {  	_ =	swait.ge [sflag:s0], $0x50  }
0x104: {  	[sflag:s0] =	ssyncset.done $0x0  }
0x105: {  	[sflag:s0] =	ssyncadd.s32 $0xFFFFFFB0;
	s0 =	simm.s32 $0x5  }
0x106: {  	_ =	swait.ge [sflag:s0], $0x50  }
0x107: {  	[sflag:s0] =	ssyncset.done $0x0  }
0x108: {  	[sflag:s0] =	ssyncadd.s32 $0xFFFFFFB0  }
0x109: {  	[tilespmem:s14], [sflag:$0x9] =	stream.indirect.gather [hbm4b:s5+s7], $0x80, s4, s7, $0xb8;
	[tilespmem:$0x1E400] =	vst v63  }
0x10a: {  	_ =	swait.ge [sflag:s25], $0x2800  }
0x10b: {  	[sflag:s25] =	ssyncset.done $0x0  }
0x10c: {  	s17 =	simm.s32 $0x380;
	[sflag:s25] =	ssyncadd.s32 $0xFFFFD800  }
0x10d: {  	[spmem:s3] =	stream.indirect.scatter.add.f32 [tilespmem:s16], [sflag:$0x10], $0x80, s17, s7, $0xb8;
	[tilespmem:$0x1E400] =	vst v63  }
0x10e: {  	_ =	swait.ge [sflag:s1], $0x2800  }
0x10f: {  	[sflag:s1] =	ssyncset.done $0x0  }
0x110: {  	s19 =	sadd.s32 $0x3C, s28;
	[sflag:s1] =	ssyncadd.s32 $0xFFFFD800  }
0x111: {  	[tilespmem:s21], [sflag:$0x3] =	stream.linear.gather [hbm4b:s19+s4], $0x50, $0x38;
	[tilespmem:$0x1E400] =	vst v63  }
0x112: {  	s28 =	sadd.s32 $0x3C, s29;
	s29 =	simm.s32 $0x2  }
0x113: {  	[tilespmem:s8], [sflag:$0x7] =	stream.linear.gather [hbm4b:s28+s4], $0x50, $0x38;
	[tilespmem:$0x1E400] =	vst v63  }
0x114: {  	_ =	swait.ge [sflag:s29], $0x50  }
0x115: {  	[sflag:s29] =	ssyncset.done $0x0  }
.Ltmp6:
0x116: {  	s30 =	simm.s32 $0x6;
	[sflag:s29] =	ssyncadd.s32 $0xFFFFFFB0;
	(pc) =	sbr.rel .LBB2_3-.Ltmp6, $4  }
0x117: {  	s26 =	sadd.s32 $0x28, s26;
	s14 =	simm.s32 $0x400;
	_ =	swait.ge [sflag:s30], $0x50  }
0x118: {  	s16 =	simm.s32 $0x380;
	s17 =	simm.s32 $0x7C00;
	[sflag:s30] =	ssyncset.done $0x0  }
0x119: {  	s19 =	simm.s32 $0x9;
	s8 =	simm.s32 $0x300;
	[sflag:s30] =	ssyncadd.s32 $0xFFFFFFB0  }
0x11a: {  	[tilespmem:s31], [sflag:$0xA] =	stream.indirect.gather [hbm4b:s5+s7], $0x80, s18, s7, $0xb8;
	[tilespmem:$0x1E400] =	vst v63  }
.LBB2_5:
0x11b: {  	_ =	swait.ge [sflag:s25], $0x2800  }
0x11c: {  	[sflag:s25] =	ssyncset.done $0x0  }
0x11d: {  	[sflag:s25] =	ssyncadd.s32 $0xFFFFD800  }
0x11e: {  	[spmem:s3] =	stream.indirect.scatter.add.f32 [tilespmem:s16], [sflag:$0x10], $0x80, s19, s7, $0xb8;
	[tilespmem:$0x1E400] =	vst v63  }
0x11f: {  	_ =	swait.ge [sflag:s1], $0x2800  }
0x120: {  	[sflag:s1] =	ssyncset.done $0x0  }
0x121: {  	s0 =	simm.s32 $0x10;
	[sflag:s1] =	ssyncadd.s32 $0xFFFFD800  }
0x122: {  	_ =	swait.ge [sflag:s0], $0x2800  }
0x123: {  	[sflag:s0] =	ssyncset.done $0x0  }
0x124: {  	[sflag:s0] =	ssyncadd.s32 $0xFFFFD800  }
0x125: {  	[bflag:$0x0] =	sbarrier.arrive $0xFFFF  }
0x126: {  	s18 =	rddreg [dreg:$0xf]  }
0x127: {  	s9 =	simm.s32 @p1 $0x1FD1;
	s0 =	rddreg [dreg:$0x18]  }
0x128: {  	[hbm:s18], [sflag:s9] =	dma.local @p1 [spmem:s0], $0x1900  }
0x129: {  	s9 =	simm.s32 @p1 $0x11  }
0x12a: {  	_ =	swait.ge @p1 [sflag:s9], $0x1900  }
0x12b: {  	s0 =	rddreg [dreg:$0x16]  }
0x12c: {  	[sflag:s9] =	ssyncset.done @p1 $0x0;
	s8 =	rddreg [dreg:$0x17]  }
0x12d: {  	[sflag:s9] =	ssyncadd.s32 @p1 $0xFFFFE700;
	s9 =	rddreg [dreg:$0xe]  }
0x12e: {  	[hbm:s9], [sflag:s8] =	dma.local @!p1 [spmem:s0], $0x2800  }
.Ltmp7:
0x12f: {  	s9 =	simm.s32 @!p1 $0x11;
	(pc) =	sbr.rel .LBB2_10-.Ltmp7, $4  }
0x130: {  	_ =	swait.ge @!p1 [sflag:s9], $0x2800  }
0x131: {  	[sflag:s9] =	ssyncset.done @!p1 $0x0  }
0x132: {  	s0 =	rddreg [dreg:$0x15];
	[sflag:s9] =	ssyncadd.s32 @!p1 $0xFFFFD800  }
0x133: {  	s16 =	simm.s32 $0x380;
	s19 =	simm.s32 $0x9;
	s18 =	rddreg [dreg:$0x1]  }
.LBB2_11:
0x134: {  	_ =	sfence.sel $0x180000  }
0x135: {  	[bflag:$0x0] =	sbarrier.arrive $0xFFFF  }
0x136: {  	_ =	strace $0x90000047  }
0x137: {  	s0 =	stileid.u32;
	[bflag:$0x2] =	sbarrier.arrive $0xFFFF  }
0x138: {  	p0 =	sne.s32 s0, $0x0;
	s0 =	rddreg [dreg:$0x3]  }
0x139: {  	s0 =	sadd.s32 @!p0 $0x100000, s0  }
0x13a: {  	[sflag:s0] =	ssyncadd.tile.s32 @!p0 $0x1;
	_ =	shalt  }
.Lfunc_end2:
_tile_overlayer_lowered:
.L_overlay_start_2:
0x13b: {  	(tag) =	ssettag $0x2  }
0x13c: {  	s0 =	rddreg [dreg:$0x0];
	s2 =	stileid.u32  }
0x13d: {  	s1 =	rddreg [dreg:$0x1];
	p0 =	sne.s32 s2, $0x0  }
0x13e: {  	s3 =	rddreg [dreg:$0x2];
	[bflag:$0x3] =	sbarrier.arrive $0xFFFF;
	s2 =	simm.s32 @!p0 $0x1C11  }
0x13f: {  	[timem:s3], [sflag:s2] =	dma.local @!p0 [hbm:s0], s1  }
0x140: {  	s0 =	simm.s32 @!p0 $0x11  }
0x141: {  	_ =	swait.ge @!p0 [sflag:s0], s1  }
0x142: {  	s1 =	ssub.s32 @!p0 $0x0, s1;
	[sflag:s0] =	ssyncset.done @!p0 $0x0  }
0x143: {  	[sflag:s0] =	ssyncadd.s32 @!p0 s1  }
0x144: {  	[bflag:$0x3] =	sbarrier.arrive $0xFFFF  }
0x145: {  	_ =	shalt  }

</sc_bundles>
